<compile_context>
chip_gen: v7x
topology: tpu7x:2x2x1
jax: 0.10.2.dev20260603
libtpu: 0.0.44.dev20260713+nightly
codegen_flags: <defaults>
</compile_context>

<pallas_src>
import functools

import jax
import jax.numpy as jnp
from jax import lax
from jax.experimental import pallas as pl
from jax.experimental.pallas import tpu as pltpu
from jax.experimental.pallas import tpu_sc as plsc

N = 10000
E = 320000
D = 128
NC = 2
NS = 16
NW = NC * NS
K = 128
CH = (E + NW * K - 1) // (NW * K)
EP = NW * K * CH
NP = 10240
PT = NP // NS
RB = 1024
GRID = (N + RB - 1) // RB

_mesh = plsc.VectorSubcoreMesh(core_axis_name="c", subcore_axis_name="s")



@functools.partial(
    pl.kernel,
    out_type=jax.ShapeDtypeStruct((NC * NP,), jnp.float32),
    mesh=_mesh,
    scratch_types=[
        pltpu.VMEM((CH, K), jnp.int32),
        pltpu.VMEM((K,), jnp.float32),
        pltpu.VMEM((PT,), jnp.float32),
        pltpu.VMEM_SHARED((NP,), jnp.float32),
    ],
)
def _deg_kernel(dst_hbm, zdeg_hbm, ones_hbm, out_hbm, dst_v, ones_v, stage_v, acc_s):
    c = lax.axis_index("c")
    s = lax.axis_index("s")
    wid = c * NS + s
    pltpu.sync_copy(dst_hbm.at[wid], dst_v)
    pltpu.sync_copy(ones_hbm, ones_v)
    pltpu.sync_copy(zdeg_hbm, stage_v)
    pltpu.sync_copy(stage_v, acc_s.at[pl.ds(s * PT, PT)])
    plsc.subcore_barrier()

    def body(j, carry):
        pltpu.sync_copy(ones_v, acc_s.at[dst_v.at[j]], add=True)
        return carry

    lax.fori_loop(0, CH, body, 0)
    plsc.subcore_barrier()
    pltpu.sync_copy(acc_s.at[pl.ds(s * PT, PT)], stage_v)
    pltpu.sync_copy(stage_v, out_hbm.at[pl.ds(c * NP + s * PT, PT)])



@functools.partial(
    pl.kernel,
    out_type=jax.ShapeDtypeStruct((NC, NP, D), jnp.float32),
    mesh=_mesh,
    scratch_types=[
        pltpu.VMEM((2, K), jnp.int32),
        pltpu.VMEM((CH, K), jnp.int32),
        pltpu.VMEM((K, D), jnp.float32),
        pltpu.VMEM((K, D), jnp.float32),
        pltpu.VMEM_SHARED((NP, D), jnp.float32),
        pltpu.SemaphoreType.DMA,
        pltpu.SemaphoreType.DMA,
        pltpu.SemaphoreType.DMA,
        pltpu.SemaphoreType.DMA,
    ],
)
def _edge_kernel(y_hbm, src_hbm, dst_hbm, zrows_hbm, out_hbm,
                 srcb_v, dst_v, rows0_v, rows1_v, acc_s,
                 sem0, sem1, semS0, semS1):
    c = lax.axis_index("c")
    s = lax.axis_index("s")
    wid = c * NS + s
    rows = (rows0_v, rows1_v)
    sems = (sem0, sem1)
    semS = (semS0, semS1)
    pltpu.sync_copy(dst_hbm.at[wid], dst_v)
    pltpu.sync_copy(zrows_hbm, rows0_v)
    for k in range(PT // K):
        pltpu.sync_copy(rows0_v, acc_s.at[pl.ds(s * PT + k * K, K)])
    pltpu.sync_copy(src_hbm.at[wid, 0], srcb_v.at[0])
    pltpu.async_copy(y_hbm.at[srcb_v.at[0]], rows0_v, sem0)
    pltpu.async_copy(src_hbm.at[wid, 1], srcb_v.at[1], semS1)
    plsc.subcore_barrier()

    def wait_gather(b):
        pltpu.make_async_copy(y_hbm.at[srcb_v.at[b]], rows[b], sems[b]).wait()

    def wait_srcrow(b):
        pltpu.make_async_copy(src_hbm.at[wid, 0], srcb_v.at[b], semS[b]).wait()

    def body(h, carry):
        j0 = 2 * h
        wait_gather(0)
        wait_srcrow(1)
        pltpu.async_copy(y_hbm.at[srcb_v.at[1]], rows1_v, sem1)
        pltpu.async_copy(src_hbm.at[wid, j0 + 2], srcb_v.at[0], semS0)
        pltpu.sync_copy(rows0_v, acc_s.at[dst_v.at[j0]], add=True)
        wait_gather(1)
        wait_srcrow(0)
        pltpu.async_copy(y_hbm.at[srcb_v.at[0]], rows0_v, sem0)
        pltpu.async_copy(src_hbm.at[wid, j0 + 3], srcb_v.at[1], semS1)
        pltpu.sync_copy(rows1_v, acc_s.at[dst_v.at[j0 + 1]], add=True)
        return carry

    lax.fori_loop(0, (CH - 1) // 2, body, 0)
    wait_gather(0)
    pltpu.sync_copy(rows0_v, acc_s.at[dst_v.at[CH - 1]], add=True)
    wait_srcrow(1)
    plsc.subcore_barrier()
    for k in range(PT // K):
        b = k % 2
        if k >= 2:
            pltpu.make_async_copy(
                rows[b], out_hbm.at[c, pl.ds(s * PT + (k - 2) * K, K)],
                sems[b]).wait()
        pltpu.sync_copy(acc_s.at[pl.ds(s * PT + k * K, K)], rows[b])
        pltpu.async_copy(rows[b], out_hbm.at[c, pl.ds(s * PT + k * K, K)],
                         sems[b])
    for k in (PT // K - 2, PT // K - 1):
        pltpu.make_async_copy(
            rows[k % 2], out_hbm.at[c, pl.ds(s * PT + k * K, K)],
            sems[k % 2]).wait()



def _feat_body(x_ref, w_ref, b_ref, o_ref):
    acc = lax.dot_general(x_ref[...], w_ref[...], (((1,), (1,)), ((), ())),
                          preferred_element_type=jnp.float32)
    o_ref[...] = jnp.maximum(acc + b_ref[...], 0.0)


_feat_call = pl.pallas_call(
    _feat_body,
    grid=(GRID,),
    in_specs=[
        pl.BlockSpec((RB, D), lambda i: (i, 0)),
        pl.BlockSpec((D, D), lambda i: (0, 0)),
        pl.BlockSpec((D,), lambda i: (0,)),
    ],
    out_specs=pl.BlockSpec((RB, D), lambda i: (i, 0)),
    out_shape=jax.ShapeDtypeStruct((N, D), jnp.float32),
)


def _dinv_slice(dp_ref):
    i = pl.program_id(0)
    d0 = dp_ref[pl.ds(i * RB, RB)]
    d1 = dp_ref[pl.ds(NP + i * RB, RB)]
    return lax.rsqrt(1.0 + d0 + d1)


def _y1_body(h_ref, w_ref, dp_ref, o_ref):
    dv = _dinv_slice(dp_ref)
    acc = lax.dot_general(h_ref[...], w_ref[...], (((1,), (1,)), ((), ())),
                          preferred_element_type=jnp.float32)
    o_ref[...] = acc * dv[:, None]


_y1_call = pl.pallas_call(
    _y1_body,
    grid=(GRID,),
    in_specs=[
        pl.BlockSpec((RB, D), lambda i: (i, 0)),
        pl.BlockSpec((D, D), lambda i: (0, 0)),
        pl.BlockSpec((NC * NP,), lambda i: (0,)),
    ],
    out_specs=pl.BlockSpec((RB, D), lambda i: (i, 0)),
    out_shape=jax.ShapeDtypeStruct((N, D), jnp.float32),
)


def _mid_body(a_ref, y_ref, dp_ref, b_ref, w_ref, o_ref):
    dv = _dinv_slice(dp_ref)
    h = dv[:, None] * (a_ref[0] + a_ref[1] + y_ref[...]) + b_ref[...]
    acc = lax.dot_general(h, w_ref[...], (((1,), (1,)), ((), ())),
                          preferred_element_type=jnp.float32)
    o_ref[...] = acc * dv[:, None]


_mid_call = pl.pallas_call(
    _mid_body,
    grid=(GRID,),
    in_specs=[
        pl.BlockSpec((NC, RB, D), lambda i: (0, i, 0)),
        pl.BlockSpec((RB, D), lambda i: (i, 0)),
        pl.BlockSpec((NC * NP,), lambda i: (0,)),
        pl.BlockSpec((D,), lambda i: (0,)),
        pl.BlockSpec((D, D), lambda i: (0, 0)),
    ],
    out_specs=pl.BlockSpec((RB, D), lambda i: (i, 0)),
    out_shape=jax.ShapeDtypeStruct((N, D), jnp.float32),
)


def _out_body(a_ref, y_ref, dp_ref, b_ref, o_ref):
    dv = _dinv_slice(dp_ref)
    o_ref[...] = dv[:, None] * (a_ref[0] + a_ref[1] + y_ref[...]) + b_ref[...]


_out_call = pl.pallas_call(
    _out_body,
    grid=(GRID,),
    in_specs=[
        pl.BlockSpec((NC, RB, D), lambda i: (0, i, 0)),
        pl.BlockSpec((RB, D), lambda i: (i, 0)),
        pl.BlockSpec((NC * NP,), lambda i: (0,)),
        pl.BlockSpec((D,), lambda i: (0,)),
    ],
    out_specs=pl.BlockSpec((RB, D), lambda i: (i, 0)),
    out_shape=jax.ShapeDtypeStruct((N, D), jnp.float32),
)


def kernel(x, edge_index, W_in, b_in, W1, b1, W2, b2):
    pad = EP - E
    src = jnp.concatenate([edge_index[0], jnp.zeros((pad,), jnp.int32)])
    pad_dst = N + (jnp.arange(pad, dtype=jnp.int32) % (NP - N))
    dst = jnp.concatenate([edge_index[1], pad_dst])
    src3 = jnp.concatenate(
        [src.reshape(NW, CH, K), jnp.zeros((NW, 1, K), jnp.int32)], axis=1)
    dst3 = dst.reshape(NW, CH, K)
    zdeg = jnp.zeros((PT,), jnp.float32)
    ones = jnp.ones((K,), jnp.float32)
    zrows = jnp.zeros((K, D), jnp.float32)

    deg_p = _deg_kernel(dst3, zdeg, ones)
    feat = _feat_call(x, W_in, b_in)

    y1 = _y1_call(feat, W1, deg_p)
    a1 = _edge_kernel(y1, src3, dst3, zrows)
    y2 = _mid_call(a1, y1, deg_p, b1, W2)
    a2 = _edge_kernel(y2, src3, dst3, zrows)
    out = _out_call(a2, y2, deg_p, b2)
    return (feat, out)

# --- scband reference (transcript-rebuilt; emitter-appended) ---
"""Pipeline reference for scband-custom-stellar-encoder-48722109006549 (READ-ONLY COPY).

The authoritative reference and input builder live on the scoring server;
editing this copy changes nothing except your own understanding.
"""

import jax, jax.numpy as jnp
import numpy as np

N = 10000
E = 320000
IN_DIM = 128
HID = 128


def setup_inputs(seed: int = 0) -> dict:
    key = jax.random.key(seed)
    ks = jax.random.split(key, 9)
    x = jax.random.normal(ks[0], (N, IN_DIM), dtype=jnp.float32)
    edge_index = jax.random.randint(ks[1], (2, E), 0, N, dtype=jnp.int32)
    s_in = 1.0 / np.sqrt(IN_DIM)
    s_h = 1.0 / np.sqrt(HID)
    W_in = jax.random.uniform(ks[2], (HID, IN_DIM), dtype=jnp.float32, minval=-s_in, maxval=s_in)
    b_in = jax.random.uniform(ks[3], (HID,), dtype=jnp.float32, minval=-s_in, maxval=s_in)
    W1 = jax.random.uniform(ks[4], (HID, HID), dtype=jnp.float32, minval=-s_h, maxval=s_h)
    b1 = jnp.zeros((HID,), dtype=jnp.float32)
    W2 = jax.random.uniform(ks[5], (HID, HID), dtype=jnp.float32, minval=-s_h, maxval=s_h)
    b2 = jnp.zeros((HID,), dtype=jnp.float32)
    return {"x": x, "edge_index": edge_index, "W_in": W_in, "b_in": b_in, "W1": W1, "b1": b1, "W2": W2, "b2": b2}


def gcn_layer(x, edge_index, W, b):
    # GCNConv: add self-loops, symmetric degree normalization, linear transform, scatter-add
    n = x.shape[0]
    loop = jnp.arange(n, dtype=edge_index.dtype)
    src = jnp.concatenate([edge_index[0], loop])
    dst = jnp.concatenate([edge_index[1], loop])
    deg = jnp.zeros((n,), dtype=x.dtype).at[dst].add(1.0)
    dinv = jnp.where(deg > 0, jax.lax.rsqrt(deg), 0.0)
    norm = dinv[src] * dinv[dst]
    xw = x @ W.T
    msg = xw[src] * norm[:, None]
    out = jnp.zeros((n, W.shape[0]), dtype=x.dtype).at[dst].add(msg)
    return out + b


def reference(x, edge_index, W_in, b_in, W1, b1, W2, b2):
    feat = jax.nn.relu(x @ W_in.T + b_in)
    out_feat = gcn_layer(feat, edge_index, W1, b1)
    out_feat = gcn_layer(out_feat, edge_index, W2, b2)
    return (feat, out_feat)

if __name__ == "__main__":
    import jax
    _d = setup_inputs()
    print(jax.jit(kernel)(*tuple(_d.values())))

</pallas_src>

<mosaic_0001>
#map = affine_map<(d0, d1) -> (0, 0)>
#map1 = affine_map<(d0, d1) -> (0, 0, 0)>
module attributes {stable_mosaic.version = 14 : i64} {
  func.func @_edge_kernel(%arg0: i32, %arg1: i32, %arg2: memref<10000x128xf32, #tpu.memory_space<hbm>>, %arg3: memref<32x80x128xi32, #tpu.memory_space<hbm>>, %arg4: memref<32x79x128xi32, #tpu.memory_space<hbm>>, %arg5: memref<128x128xf32, #tpu.memory_space<hbm>>, %arg6: memref<2x10240x128xf32, #tpu.memory_space<hbm>>, %arg7: memref<2x128xi32, #tpu.memory_space<vmem>>, %arg8: memref<79x128xi32, #tpu.memory_space<vmem>>, %arg9: memref<128x128xf32, #tpu.memory_space<vmem>>, %arg10: memref<128x128xf32, #tpu.memory_space<vmem>>, %arg11: memref<10240x128xf32, #tpu.memory_space<vmem_shared>>, %arg12: memref<!tpu.dma_semaphore, #tpu.memory_space<semaphore_mem>>, %arg13: memref<!tpu.dma_semaphore, #tpu.memory_space<semaphore_mem>>, %arg14: memref<!tpu.dma_semaphore, #tpu.memory_space<semaphore_mem>>, %arg15: memref<!tpu.dma_semaphore, #tpu.memory_space<semaphore_mem>>) attributes {dimension_semantics = [#tpu.dimension_semantics<core_parallel>, #tpu.dimension_semantics<subcore_parallel>], iteration_bounds = array<i64: 2, 16>, scalar_prefetch = 0 : i64, scratch_operands = 9 : i64, tpu.core_type = #tpu.core_type<sc_vector_subcore>, window_params = [{transform_indices = #map}, {transform_indices = #map1}, {transform_indices = #map1}, {transform_indices = #map}, {transform_indices = #map1}]} {
    %mul3A = arith.constant 16 : i32
    %mul3A_0 = arith.muli %arg0, %mul3A : i32
    %add3A = arith.addi %mul3A_0, %arg1 : i32
    "tpu.region"() ({
      %run_scoped3A_189 = tpu.sem_alloc : memref<!tpu.dma_semaphore, #tpu.memory_space<semaphore_mem>>
      %dma_start3A_190 = arith.constant 0 : i32
      %dma_start3A_191 = arith.constant 0 : i32
      %dma_start3A_192 = tpu.memref_slice %arg4[%add3A, %dma_start3A_190, %dma_start3A_191] : memref<32x79x128xi32, #tpu.memory_space<hbm>> -> memref<1x79x128xi32, #tpu.memory_space<hbm>>
      %dma_start3A_193 = tpu.memref_squeeze %dma_start3A_192 : memref<1x79x128xi32, #tpu.memory_space<hbm>> -> memref<79x128xi32, #tpu.memory_space<hbm>>
      %dma_start3A_194 = arith.constant 0 : i32
      %dma_start3A_195 = arith.constant 0 : i32
      %dma_start3A_196 = tpu.memref_slice %arg4[%add3A, %dma_start3A_194, %dma_start3A_195] : memref<32x79x128xi32, #tpu.memory_space<hbm>> -> memref<1x79x128xi32, #tpu.memory_space<hbm>>
      %dma_start3A_197 = tpu.memref_squeeze %dma_start3A_196 : memref<1x79x128xi32, #tpu.memory_space<hbm>> -> memref<79x128xi32, #tpu.memory_space<hbm>>
      tpu.enqueue_dma source(%dma_start3A_197 : memref<79x128xi32, #tpu.memory_space<hbm>>) target(%arg8 : memref<79x128xi32, #tpu.memory_space<vmem>>) target_semaphore(%run_scoped3A_189 : memref<!tpu.dma_semaphore, #tpu.memory_space<semaphore_mem>>)
      %dma_wait3A_198 = arith.constant 0 : i32
      %dma_wait3A_199 = arith.constant 0 : i32
      %dma_wait3A_200 = tpu.memref_slice %arg4[%add3A, %dma_wait3A_198, %dma_wait3A_199] : memref<32x79x128xi32, #tpu.memory_space<hbm>> -> memref<1x79x128xi32, #tpu.memory_space<hbm>>
      %dma_wait3A_201 = tpu.memref_squeeze %dma_wait3A_200 : memref<1x79x128xi32, #tpu.memory_space<hbm>> -> memref<79x128xi32, #tpu.memory_space<hbm>>
      %dma_wait3A_202 = arith.constant 0 : i32
      %dma_wait3A_203 = arith.constant 0 : i32
      %dma_wait3A_204 = tpu.memref_slice %arg4[%add3A, %dma_wait3A_202, %dma_wait3A_203] : memref<32x79x128xi32, #tpu.memory_space<hbm>> -> memref<1x79x128xi32, #tpu.memory_space<hbm>>
      %dma_wait3A_205 = tpu.memref_squeeze %dma_wait3A_204 : memref<1x79x128xi32, #tpu.memory_space<hbm>> -> memref<79x128xi32, #tpu.memory_space<hbm>>
      tpu.wait_dma2 semaphore(%run_scoped3A_189 : memref<!tpu.dma_semaphore, #tpu.memory_space<semaphore_mem>>) src(%dma_wait3A_205 : memref<79x128xi32, #tpu.memory_space<hbm>>) dst(%arg8 : memref<79x128xi32, #tpu.memory_space<vmem>>)
      tpu.yield
    }) : () -> ()
    "tpu.region"() ({
      %run_scoped3A_189 = tpu.sem_alloc : memref<!tpu.dma_semaphore, #tpu.memory_space<semaphore_mem>>
      tpu.enqueue_dma source(%arg5 : memref<128x128xf32, #tpu.memory_space<hbm>>) target(%arg9 : memref<128x128xf32, #tpu.memory_space<vmem>>) target_semaphore(%run_scoped3A_189 : memref<!tpu.dma_semaphore, #tpu.memory_space<semaphore_mem>>)
      tpu.wait_dma2 semaphore(%run_scoped3A_189 : memref<!tpu.dma_semaphore, #tpu.memory_space<semaphore_mem>>) src(%arg5 : memref<128x128xf32, #tpu.memory_space<hbm>>) dst(%arg9 : memref<128x128xf32, #tpu.memory_space<vmem>>)
      tpu.yield
    }) : () -> ()
    %mul3A_1 = arith.constant 640 : i32
    %mul3A_2 = arith.muli %arg1, %mul3A_1 : i32
    %add3A_3 = arith.constant 0 : i32
    %add3A_4 = arith.addi %mul3A_2, %add3A_3 : i32
    "tpu.region"() ({
      %run_scoped3A_189 = tpu.sem_alloc : memref<!tpu.dma_semaphore, #tpu.memory_space<semaphore_mem>>
      %dma_start3A_190 = arith.constant 0 : i32
      %dma_start3A_191 = tpu.memref_slice %arg11[%add3A_4, %dma_start3A_190] : memref<10240x128xf32, #tpu.memory_space<vmem_shared>> -> memref<128x128xf32, #tpu.memory_space<vmem_shared>>
      %dma_start3A_192 = arith.constant 0 : i32
      %dma_start3A_193 = tpu.memref_slice %arg11[%add3A_4, %dma_start3A_192] : memref<10240x128xf32, #tpu.memory_space<vmem_shared>> -> memref<128x128xf32, #tpu.memory_space<vmem_shared>>
      tpu.enqueue_dma source(%arg9 : memref<128x128xf32, #tpu.memory_space<vmem>>) target(%dma_start3A_193 : memref<128x128xf32, #tpu.memory_space<vmem_shared>>) target_semaphore(%run_scoped3A_189 : memref<!tpu.dma_semaphore, #tpu.memory_space<semaphore_mem>>)
      %dma_wait3A_194 = arith.constant 0 : i32
      %dma_wait3A_195 = tpu.memref_slice %arg11[%add3A_4, %dma_wait3A_194] : memref<10240x128xf32, #tpu.memory_space<vmem_shared>> -> memref<128x128xf32, #tpu.memory_space<vmem_shared>>
      %dma_wait3A_196 = arith.constant 0 : i32
      %dma_wait3A_197 = tpu.memref_slice %arg11[%add3A_4, %dma_wait3A_196] : memref<10240x128xf32, #tpu.memory_space<vmem_shared>> -> memref<128x128xf32, #tpu.memory_space<vmem_shared>>
      tpu.wait_dma2 semaphore(%run_scoped3A_189 : memref<!tpu.dma_semaphore, #tpu.memory_space<semaphore_mem>>) src(%arg9 : memref<128x128xf32, #tpu.memory_space<vmem>>) dst(%dma_wait3A_197 : memref<128x128xf32, #tpu.memory_space<vmem_shared>>)
      tpu.yield
    }) : () -> ()
    %mul3A_5 = arith.constant 640 : i32
    %mul3A_6 = arith.muli %arg1, %mul3A_5 : i32
    %add3A_7 = arith.constant 128 : i32
    %add3A_8 = arith.addi %mul3A_6, %add3A_7 : i32
    "tpu.region"() ({
      %run_scoped3A_189 = tpu.sem_alloc : memref<!tpu.dma_semaphore, #tpu.memory_space<semaphore_mem>>
      %dma_start3A_190 = arith.constant 0 : i32
      %dma_start3A_191 = tpu.memref_slice %arg11[%add3A_8, %dma_start3A_190] : memref<10240x128xf32, #tpu.memory_space<vmem_shared>> -> memref<128x128xf32, #tpu.memory_space<vmem_shared>>
      %dma_start3A_192 = arith.constant 0 : i32
      %dma_start3A_193 = tpu.memref_slice %arg11[%add3A_8, %dma_start3A_192] : memref<10240x128xf32, #tpu.memory_space<vmem_shared>> -> memref<128x128xf32, #tpu.memory_space<vmem_shared>>
      tpu.enqueue_dma source(%arg9 : memref<128x128xf32, #tpu.memory_space<vmem>>) target(%dma_start3A_193 : memref<128x128xf32, #tpu.memory_space<vmem_shared>>) target_semaphore(%run_scoped3A_189 : memref<!tpu.dma_semaphore, #tpu.memory_space<semaphore_mem>>)
      %dma_wait3A_194 = arith.constant 0 : i32
      %dma_wait3A_195 = tpu.memref_slice %arg11[%add3A_8, %dma_wait3A_194] : memref<10240x128xf32, #tpu.memory_space<vmem_shared>> -> memref<128x128xf32, #tpu.memory_space<vmem_shared>>
      %dma_wait3A_196 = arith.constant 0 : i32
      %dma_wait3A_197 = tpu.memref_slice %arg11[%add3A_8, %dma_wait3A_196] : memref<10240x128xf32, #tpu.memory_space<vmem_shared>> -> memref<128x128xf32, #tpu.memory_space<vmem_shared>>
      tpu.wait_dma2 semaphore(%run_scoped3A_189 : memref<!tpu.dma_semaphore, #tpu.memory_space<semaphore_mem>>) src(%arg9 : memref<128x128xf32, #tpu.memory_space<vmem>>) dst(%dma_wait3A_197 : memref<128x128xf32, #tpu.memory_space<vmem_shared>>)
      tpu.yield
    }) : () -> ()
    %mul3A_9 = arith.constant 640 : i32
    %mul3A_10 = arith.muli %arg1, %mul3A_9 : i32
    %add3A_11 = arith.constant 256 : i32
    %add3A_12 = arith.addi %mul3A_10, %add3A_11 : i32
    "tpu.region"() ({
      %run_scoped3A_189 = tpu.sem_alloc : memref<!tpu.dma_semaphore, #tpu.memory_space<semaphore_mem>>
      %dma_start3A_190 = arith.constant 0 : i32
      %dma_start3A_191 = tpu.memref_slice %arg11[%add3A_12, %dma_start3A_190] : memref<10240x128xf32, #tpu.memory_space<vmem_shared>> -> memref<128x128xf32, #tpu.memory_space<vmem_shared>>
      %dma_start3A_192 = arith.constant 0 : i32
      %dma_start3A_193 = tpu.memref_slice %arg11[%add3A_12, %dma_start3A_192] : memref<10240x128xf32, #tpu.memory_space<vmem_shared>> -> memref<128x128xf32, #tpu.memory_space<vmem_shared>>
      tpu.enqueue_dma source(%arg9 : memref<128x128xf32, #tpu.memory_space<vmem>>) target(%dma_start3A_193 : memref<128x128xf32, #tpu.memory_space<vmem_shared>>) target_semaphore(%run_scoped3A_189 : memref<!tpu.dma_semaphore, #tpu.memory_space<semaphore_mem>>)
      %dma_wait3A_194 = arith.constant 0 : i32
      %dma_wait3A_195 = tpu.memref_slice %arg11[%add3A_12, %dma_wait3A_194] : memref<10240x128xf32, #tpu.memory_space<vmem_shared>> -> memref<128x128xf32, #tpu.memory_space<vmem_shared>>
      %dma_wait3A_196 = arith.constant 0 : i32
      %dma_wait3A_197 = tpu.memref_slice %arg11[%add3A_12, %dma_wait3A_196] : memref<10240x128xf32, #tpu.memory_space<vmem_shared>> -> memref<128x128xf32, #tpu.memory_space<vmem_shared>>
      tpu.wait_dma2 semaphore(%run_scoped3A_189 : memref<!tpu.dma_semaphore, #tpu.memory_space<semaphore_mem>>) src(%arg9 : memref<128x128xf32, #tpu.memory_space<vmem>>) dst(%dma_wait3A_197 : memref<128x128xf32, #tpu.memory_space<vmem_shared>>)
      tpu.yield
    }) : () -> ()
    %mul3A_13 = arith.constant 640 : i32
    %mul3A_14 = arith.muli %arg1, %mul3A_13 : i32
    %add3A_15 = arith.constant 384 : i32
    %add3A_16 = arith.addi %mul3A_14, %add3A_15 : i32
    "tpu.region"() ({
      %run_scoped3A_189 = tpu.sem_alloc : memref<!tpu.dma_semaphore, #tpu.memory_space<semaphore_mem>>
      %dma_start3A_190 = arith.constant 0 : i32
      %dma_start3A_191 = tpu.memref_slice %arg11[%add3A_16, %dma_start3A_190] : memref<10240x128xf32, #tpu.memory_space<vmem_shared>> -> memref<128x128xf32, #tpu.memory_space<vmem_shared>>
      %dma_start3A_192 = arith.constant 0 : i32
      %dma_start3A_193 = tpu.memref_slice %arg11[%add3A_16, %dma_start3A_192] : memref<10240x128xf32, #tpu.memory_space<vmem_shared>> -> memref<128x128xf32, #tpu.memory_space<vmem_shared>>
      tpu.enqueue_dma source(%arg9 : memref<128x128xf32, #tpu.memory_space<vmem>>) target(%dma_start3A_193 : memref<128x128xf32, #tpu.memory_space<vmem_shared>>) target_semaphore(%run_scoped3A_189 : memref<!tpu.dma_semaphore, #tpu.memory_space<semaphore_mem>>)
      %dma_wait3A_194 = arith.constant 0 : i32
      %dma_wait3A_195 = tpu.memref_slice %arg11[%add3A_16, %dma_wait3A_194] : memref<10240x128xf32, #tpu.memory_space<vmem_shared>> -> memref<128x128xf32, #tpu.memory_space<vmem_shared>>
      %dma_wait3A_196 = arith.constant 0 : i32
      %dma_wait3A_197 = tpu.memref_slice %arg11[%add3A_16, %dma_wait3A_196] : memref<10240x128xf32, #tpu.memory_space<vmem_shared>> -> memref<128x128xf32, #tpu.memory_space<vmem_shared>>
      tpu.wait_dma2 semaphore(%run_scoped3A_189 : memref<!tpu.dma_semaphore, #tpu.memory_space<semaphore_mem>>) src(%arg9 : memref<128x128xf32, #tpu.memory_space<vmem>>) dst(%dma_wait3A_197 : memref<128x128xf32, #tpu.memory_space<vmem_shared>>)
      tpu.yield
    }) : () -> ()
    %mul3A_17 = arith.constant 640 : i32
    %mul3A_18 = arith.muli %arg1, %mul3A_17 : i32
    %add3A_19 = arith.constant 512 : i32
    %add3A_20 = arith.addi %mul3A_18, %add3A_19 : i32
    "tpu.region"() ({
      %run_scoped3A_189 = tpu.sem_alloc : memref<!tpu.dma_semaphore, #tpu.memory_space<semaphore_mem>>
      %dma_start3A_190 = arith.constant 0 : i32
      %dma_start3A_191 = tpu.memref_slice %arg11[%add3A_20, %dma_start3A_190] : memref<10240x128xf32, #tpu.memory_space<vmem_shared>> -> memref<128x128xf32, #tpu.memory_space<vmem_shared>>
      %dma_start3A_192 = arith.constant 0 : i32
      %dma_start3A_193 = tpu.memref_slice %arg11[%add3A_20, %dma_start3A_192] : memref<10240x128xf32, #tpu.memory_space<vmem_shared>> -> memref<128x128xf32, #tpu.memory_space<vmem_shared>>
      tpu.enqueue_dma source(%arg9 : memref<128x128xf32, #tpu.memory_space<vmem>>) target(%dma_start3A_193 : memref<128x128xf32, #tpu.memory_space<vmem_shared>>) target_semaphore(%run_scoped3A_189 : memref<!tpu.dma_semaphore, #tpu.memory_space<semaphore_mem>>)
      %dma_wait3A_194 = arith.constant 0 : i32
      %dma_wait3A_195 = tpu.memref_slice %arg11[%add3A_20, %dma_wait3A_194] : memref<10240x128xf32, #tpu.memory_space<vmem_shared>> -> memref<128x128xf32, #tpu.memory_space<vmem_shared>>
      %dma_wait3A_196 = arith.constant 0 : i32
      %dma_wait3A_197 = tpu.memref_slice %arg11[%add3A_20, %dma_wait3A_196] : memref<10240x128xf32, #tpu.memory_space<vmem_shared>> -> memref<128x128xf32, #tpu.memory_space<vmem_shared>>
      tpu.wait_dma2 semaphore(%run_scoped3A_189 : memref<!tpu.dma_semaphore, #tpu.memory_space<semaphore_mem>>) src(%arg9 : memref<128x128xf32, #tpu.memory_space<vmem>>) dst(%dma_wait3A_197 : memref<128x128xf32, #tpu.memory_space<vmem_shared>>)
      tpu.yield
    }) : () -> ()
    %run_scoped3A = arith.constant 0 : i32
    %run_scoped3A_21 = arith.constant 0 : i32
    "tpu.region"() ({
      %run_scoped3A_189 = tpu.sem_alloc : memref<!tpu.dma_semaphore, #tpu.memory_space<semaphore_mem>>
      %dma_start3A_190 = arith.constant 0 : i32
      %dma_start3A_191 = tpu.memref_slice %arg7[%run_scoped3A_21, %dma_start3A_190] : memref<2x128xi32, #tpu.memory_space<vmem>> -> memref<1x128xi32, #tpu.memory_space<vmem>>
      %dma_start3A_192 = tpu.memref_squeeze %dma_start3A_191 : memref<1x128xi32, #tpu.memory_space<vmem>> -> memref<128xi32, #tpu.memory_space<vmem>>
      %dma_start3A_193 = arith.constant 0 : i32
      %dma_start3A_194 = tpu.memref_slice %arg3[%add3A, %run_scoped3A, %dma_start3A_193] : memref<32x80x128xi32, #tpu.memory_space<hbm>> -> memref<1x1x128xi32, #tpu.memory_space<hbm>>
      %dma_start3A_195 = tpu.memref_squeeze %dma_start3A_194 : memref<1x1x128xi32, #tpu.memory_space<hbm>> -> memref<128xi32, #tpu.memory_space<hbm>>
      %dma_start3A_196 = arith.constant 0 : i32
      %dma_start3A_197 = tpu.memref_slice %arg7[%run_scoped3A_21, %dma_start3A_196] : memref<2x128xi32, #tpu.memory_space<vmem>> -> memref<1x128xi32, #tpu.memory_space<vmem>>
      %dma_start3A_198 = tpu.memref_squeeze %dma_start3A_197 : memref<1x128xi32, #tpu.memory_space<vmem>> -> memref<128xi32, #tpu.memory_space<vmem>>
      %dma_start3A_199 = arith.constant 0 : i32
      %dma_start3A_200 = tpu.memref_slice %arg3[%add3A, %run_scoped3A, %dma_start3A_199] : memref<32x80x128xi32, #tpu.memory_space<hbm>> -> memref<1x1x128xi32, #tpu.memory_space<hbm>>
      %dma_start3A_201 = tpu.memref_squeeze %dma_start3A_200 : memref<1x1x128xi32, #tpu.memory_space<hbm>> -> memref<128xi32, #tpu.memory_space<hbm>>
      tpu.enqueue_dma source(%dma_start3A_201 : memref<128xi32, #tpu.memory_space<hbm>>) target(%dma_start3A_198 : memref<128xi32, #tpu.memory_space<vmem>>) target_semaphore(%run_scoped3A_189 : memref<!tpu.dma_semaphore, #tpu.memory_space<semaphore_mem>>)
      %dma_wait3A_202 = arith.constant 0 : i32
      %dma_wait3A_203 = tpu.memref_slice %arg7[%run_scoped3A_21, %dma_wait3A_202] : memref<2x128xi32, #tpu.memory_space<vmem>> -> memref<1x128xi32, #tpu.memory_space<vmem>>
      %dma_wait3A_204 = tpu.memref_squeeze %dma_wait3A_203 : memref<1x128xi32, #tpu.memory_space<vmem>> -> memref<128xi32, #tpu.memory_space<vmem>>
      %dma_wait3A_205 = arith.constant 0 : i32
      %dma_wait3A_206 = tpu.memref_slice %arg3[%add3A, %run_scoped3A, %dma_wait3A_205] : memref<32x80x128xi32, #tpu.memory_space<hbm>> -> memref<1x1x128xi32, #tpu.memory_space<hbm>>
      %dma_wait3A_207 = tpu.memref_squeeze %dma_wait3A_206 : memref<1x1x128xi32, #tpu.memory_space<hbm>> -> memref<128xi32, #tpu.memory_space<hbm>>
      %dma_wait3A_208 = arith.constant 0 : i32
      %dma_wait3A_209 = tpu.memref_slice %arg7[%run_scoped3A_21, %dma_wait3A_208] : memref<2x128xi32, #tpu.memory_space<vmem>> -> memref<1x128xi32, #tpu.memory_space<vmem>>
      %dma_wait3A_210 = tpu.memref_squeeze %dma_wait3A_209 : memref<1x128xi32, #tpu.memory_space<vmem>> -> memref<128xi32, #tpu.memory_space<vmem>>
      %dma_wait3A_211 = arith.constant 0 : i32
      %dma_wait3A_212 = tpu.memref_slice %arg3[%add3A, %run_scoped3A, %dma_wait3A_211] : memref<32x80x128xi32, #tpu.memory_space<hbm>> -> memref<1x1x128xi32, #tpu.memory_space<hbm>>
      %dma_wait3A_213 = tpu.memref_squeeze %dma_wait3A_212 : memref<1x1x128xi32, #tpu.memory_space<hbm>> -> memref<128xi32, #tpu.memory_space<hbm>>
      tpu.wait_dma2 semaphore(%run_scoped3A_189 : memref<!tpu.dma_semaphore, #tpu.memory_space<semaphore_mem>>) src(%dma_wait3A_213 : memref<128xi32, #tpu.memory_space<hbm>>) dst(%dma_wait3A_210 : memref<128xi32, #tpu.memory_space<vmem>>)
      tpu.yield
    }) : () -> ()
    %dma_start3A = arith.constant 0 : i32
    %dma_start3A_22 = arith.constant 0 : i32
    %dma_start3A_23 = tpu.memref_slice %arg7[%dma_start3A, %dma_start3A_22] : memref<2x128xi32, #tpu.memory_space<vmem>> -> memref<1x128xi32, #tpu.memory_space<vmem>>
    %dma_start3A_24 = tpu.memref_squeeze %dma_start3A_23 : memref<1x128xi32, #tpu.memory_space<vmem>> -> memref<128xi32, #tpu.memory_space<vmem>>
    %dma_start3A_25 = arith.constant 0 : i32
    %dma_start3A_26 = arith.constant 0 : i32
    %dma_start3A_27 = tpu.memref_slice %arg2[%dma_start3A_25, %dma_start3A_26] : memref<10000x128xf32, #tpu.memory_space<hbm>> -> memref<10000x128xf32, #tpu.memory_space<hbm>>
    tpu.enqueue_indirect_dma source(%dma_start3A_27 : memref<10000x128xf32, #tpu.memory_space<hbm>>) target(%arg9 : memref<128x128xf32, #tpu.memory_space<vmem>>) offsets(%dma_start3A_24 : memref<128xi32, #tpu.memory_space<vmem>>) semaphore(%arg12 : memref<!tpu.dma_semaphore, #tpu.memory_space<semaphore_mem>>)
    %dma_start3A_28 = arith.constant 1 : i32
    %dma_start3A_29 = arith.constant 1 : i32
    %dma_start3A_30 = arith.constant 0 : i32
    %dma_start3A_31 = tpu.memref_slice %arg7[%dma_start3A_29, %dma_start3A_30] : memref<2x128xi32, #tpu.memory_space<vmem>> -> memref<1x128xi32, #tpu.memory_space<vmem>>
    %dma_start3A_32 = tpu.memref_squeeze %dma_start3A_31 : memref<1x128xi32, #tpu.memory_space<vmem>> -> memref<128xi32, #tpu.memory_space<vmem>>
    %dma_start3A_33 = arith.constant 0 : i32
    %dma_start3A_34 = tpu.memref_slice %arg3[%add3A, %dma_start3A_28, %dma_start3A_33] : memref<32x80x128xi32, #tpu.memory_space<hbm>> -> memref<1x1x128xi32, #tpu.memory_space<hbm>>
    %dma_start3A_35 = tpu.memref_squeeze %dma_start3A_34 : memref<1x1x128xi32, #tpu.memory_space<hbm>> -> memref<128xi32, #tpu.memory_space<hbm>>
    %dma_start3A_36 = arith.constant 0 : i32
    %dma_start3A_37 = tpu.memref_slice %arg7[%dma_start3A_29, %dma_start3A_36] : memref<2x128xi32, #tpu.memory_space<vmem>> -> memref<1x128xi32, #tpu.memory_space<vmem>>
    %dma_start3A_38 = tpu.memref_squeeze %dma_start3A_37 : memref<1x128xi32, #tpu.memory_space<vmem>> -> memref<128xi32, #tpu.memory_space<vmem>>
    %dma_start3A_39 = arith.constant 0 : i32
    %dma_start3A_40 = tpu.memref_slice %arg3[%add3A, %dma_start3A_28, %dma_start3A_39] : memref<32x80x128xi32, #tpu.memory_space<hbm>> -> memref<1x1x128xi32, #tpu.memory_space<hbm>>
    %dma_start3A_41 = tpu.memref_squeeze %dma_start3A_40 : memref<1x1x128xi32, #tpu.memory_space<hbm>> -> memref<128xi32, #tpu.memory_space<hbm>>
    tpu.enqueue_dma source(%dma_start3A_41 : memref<128xi32, #tpu.memory_space<hbm>>) target(%dma_start3A_38 : memref<128xi32, #tpu.memory_space<vmem>>) target_semaphore(%arg15 : memref<!tpu.dma_semaphore, #tpu.memory_space<semaphore_mem>>)
    %barrier3A = arith.constant 0 : index
    tpu.barrier barrier_id(%barrier3A)
    %scan3A = arith.constant 0 : i32
    %scan3A_42 = arith.constant 0 : i32
    %scan3A_43 = arith.constant 39 : i32
    %scan3A_44 = arith.addi %scan3A_42, %scan3A_43 : i32
    %scan3A_45 = arith.constant 1 : i32
    scf.for %scan3A_189 = %scan3A_42 to %scan3A_44 step %scan3A_45  : i32 {
      %mul3A_190 = arith.constant 2 : i32
      %mul3A_191 = arith.muli %mul3A_190, %scan3A_189 : i32
      %dma_wait3A_192 = arith.constant 0 : i32
      %dma_wait3A_193 = arith.constant 0 : i32
      %dma_wait3A_194 = tpu.memref_slice %arg7[%dma_wait3A_192, %dma_wait3A_193] : memref<2x128xi32, #tpu.memory_space<vmem>> -> memref<1x128xi32, #tpu.memory_space<vmem>>
      %dma_wait3A_195 = tpu.memref_squeeze %dma_wait3A_194 : memref<1x128xi32, #tpu.memory_space<vmem>> -> memref<128xi32, #tpu.memory_space<vmem>>
      %dma_wait3A_196 = arith.constant 0 : i32
      %dma_wait3A_197 = arith.constant 0 : i32
      %dma_wait3A_198 = tpu.memref_slice %arg2[%dma_wait3A_196, %dma_wait3A_197] : memref<10000x128xf32, #tpu.memory_space<hbm>> -> memref<10000x128xf32, #tpu.memory_space<hbm>>
      tpu.wait_indirect_dma semaphore(%arg12 : memref<!tpu.dma_semaphore, #tpu.memory_space<semaphore_mem>>) src(%dma_wait3A_198 : memref<10000x128xf32, #tpu.memory_space<hbm>>) dst(%arg9 : memref<128x128xf32, #tpu.memory_space<vmem>>)
      %dma_wait3A_199 = arith.constant 0 : i32
      %dma_wait3A_200 = arith.constant 1 : i32
      %dma_wait3A_201 = arith.constant 0 : i32
      %dma_wait3A_202 = tpu.memref_slice %arg7[%dma_wait3A_200, %dma_wait3A_201] : memref<2x128xi32, #tpu.memory_space<vmem>> -> memref<1x128xi32, #tpu.memory_space<vmem>>
      %dma_wait3A_203 = tpu.memref_squeeze %dma_wait3A_202 : memref<1x128xi32, #tpu.memory_space<vmem>> -> memref<128xi32, #tpu.memory_space<vmem>>
      %dma_wait3A_204 = arith.constant 0 : i32
      %dma_wait3A_205 = tpu.memref_slice %arg3[%add3A, %dma_wait3A_199, %dma_wait3A_204] : memref<32x80x128xi32, #tpu.memory_space<hbm>> -> memref<1x1x128xi32, #tpu.memory_space<hbm>>
      %dma_wait3A_206 = tpu.memref_squeeze %dma_wait3A_205 : memref<1x1x128xi32, #tpu.memory_space<hbm>> -> memref<128xi32, #tpu.memory_space<hbm>>
      %dma_wait3A_207 = arith.constant 0 : i32
      %dma_wait3A_208 = tpu.memref_slice %arg7[%dma_wait3A_200, %dma_wait3A_207] : memref<2x128xi32, #tpu.memory_space<vmem>> -> memref<1x128xi32, #tpu.memory_space<vmem>>
      %dma_wait3A_209 = tpu.memref_squeeze %dma_wait3A_208 : memref<1x128xi32, #tpu.memory_space<vmem>> -> memref<128xi32, #tpu.memory_space<vmem>>
      %dma_wait3A_210 = arith.constant 0 : i32
      %dma_wait3A_211 = tpu.memref_slice %arg3[%add3A, %dma_wait3A_199, %dma_wait3A_210] : memref<32x80x128xi32, #tpu.memory_space<hbm>> -> memref<1x1x128xi32, #tpu.memory_space<hbm>>
      %dma_wait3A_212 = tpu.memref_squeeze %dma_wait3A_211 : memref<1x1x128xi32, #tpu.memory_space<hbm>> -> memref<128xi32, #tpu.memory_space<hbm>>
      tpu.wait_dma2 semaphore(%arg15 : memref<!tpu.dma_semaphore, #tpu.memory_space<semaphore_mem>>) src(%dma_wait3A_212 : memref<128xi32, #tpu.memory_space<hbm>>) dst(%dma_wait3A_209 : memref<128xi32, #tpu.memory_space<vmem>>)
      %dma_start3A_213 = arith.constant 1 : i32
      %dma_start3A_214 = arith.constant 0 : i32
      %dma_start3A_215 = tpu.memref_slice %arg7[%dma_start3A_213, %dma_start3A_214] : memref<2x128xi32, #tpu.memory_space<vmem>> -> memref<1x128xi32, #tpu.memory_space<vmem>>
      %dma_start3A_216 = tpu.memref_squeeze %dma_start3A_215 : memref<1x128xi32, #tpu.memory_space<vmem>> -> memref<128xi32, #tpu.memory_space<vmem>>
      %dma_start3A_217 = arith.constant 0 : i32
      %dma_start3A_218 = arith.constant 0 : i32
      %dma_start3A_219 = tpu.memref_slice %arg2[%dma_start3A_217, %dma_start3A_218] : memref<10000x128xf32, #tpu.memory_space<hbm>> -> memref<10000x128xf32, #tpu.memory_space<hbm>>
      tpu.enqueue_indirect_dma source(%dma_start3A_219 : memref<10000x128xf32, #tpu.memory_space<hbm>>) target(%arg10 : memref<128x128xf32, #tpu.memory_space<vmem>>) offsets(%dma_start3A_216 : memref<128xi32, #tpu.memory_space<vmem>>) semaphore(%arg13 : memref<!tpu.dma_semaphore, #tpu.memory_space<semaphore_mem>>)
      %add3A_220 = arith.constant 2 : i32
      %add3A_221 = arith.addi %mul3A_191, %add3A_220 : i32
      %dma_start3A_222 = arith.constant 0 : i32
      %dma_start3A_223 = arith.constant 0 : i32
      %dma_start3A_224 = tpu.memref_slice %arg7[%dma_start3A_222, %dma_start3A_223] : memref<2x128xi32, #tpu.memory_space<vmem>> -> memref<1x128xi32, #tpu.memory_space<vmem>>
      %dma_start3A_225 = tpu.memref_squeeze %dma_start3A_224 : memref<1x128xi32, #tpu.memory_space<vmem>> -> memref<128xi32, #tpu.memory_space<vmem>>
      %dma_start3A_226 = arith.constant 0 : i32
      %dma_start3A_227 = tpu.memref_slice %arg3[%add3A, %add3A_221, %dma_start3A_226] : memref<32x80x128xi32, #tpu.memory_space<hbm>> -> memref<1x1x128xi32, #tpu.memory_space<hbm>>
      %dma_start3A_228 = tpu.memref_squeeze %dma_start3A_227 : memref<1x1x128xi32, #tpu.memory_space<hbm>> -> memref<128xi32, #tpu.memory_space<hbm>>
      %dma_start3A_229 = arith.constant 0 : i32
      %dma_start3A_230 = tpu.memref_slice %arg7[%dma_start3A_222, %dma_start3A_229] : memref<2x128xi32, #tpu.memory_space<vmem>> -> memref<1x128xi32, #tpu.memory_space<vmem>>
      %dma_start3A_231 = tpu.memref_squeeze %dma_start3A_230 : memref<1x128xi32, #tpu.memory_space<vmem>> -> memref<128xi32, #tpu.memory_space<vmem>>
      %dma_start3A_232 = arith.constant 0 : i32
      %dma_start3A_233 = tpu.memref_slice %arg3[%add3A, %add3A_221, %dma_start3A_232] : memref<32x80x128xi32, #tpu.memory_space<hbm>> -> memref<1x1x128xi32, #tpu.memory_space<hbm>>
      %dma_start3A_234 = tpu.memref_squeeze %dma_start3A_233 : memref<1x1x128xi32, #tpu.memory_space<hbm>> -> memref<128xi32, #tpu.memory_space<hbm>>
      tpu.enqueue_dma source(%dma_start3A_234 : memref<128xi32, #tpu.memory_space<hbm>>) target(%dma_start3A_231 : memref<128xi32, #tpu.memory_space<vmem>>) target_semaphore(%arg14 : memref<!tpu.dma_semaphore, #tpu.memory_space<semaphore_mem>>)
      "tpu.region"() ({
        %run_scoped3A_280 = tpu.sem_alloc : memref<!tpu.dma_semaphore, #tpu.memory_space<semaphore_mem>>
        %dma_start3A_281 = arith.constant 0 : i32
        %dma_start3A_282 = tpu.memref_slice %arg8[%mul3A_191, %dma_start3A_281] : memref<79x128xi32, #tpu.memory_space<vmem>> -> memref<1x128xi32, #tpu.memory_space<vmem>>
        %dma_start3A_283 = tpu.memref_squeeze %dma_start3A_282 : memref<1x128xi32, #tpu.memory_space<vmem>> -> memref<128xi32, #tpu.memory_space<vmem>>
        %dma_start3A_284 = arith.constant 0 : i32
        %dma_start3A_285 = arith.constant 0 : i32
        %dma_start3A_286 = tpu.memref_slice %arg11[%dma_start3A_284, %dma_start3A_285] : memref<10240x128xf32, #tpu.memory_space<vmem_shared>> -> memref<10240x128xf32, #tpu.memory_space<vmem_shared>>
        tpu.enqueue_indirect_dma source(%arg9 : memref<128x128xf32, #tpu.memory_space<vmem>>) target(%dma_start3A_286 : memref<10240x128xf32, #tpu.memory_space<vmem_shared>>) offsets(%dma_start3A_283 : memref<128xi32, #tpu.memory_space<vmem>>) semaphore(%run_scoped3A_280 : memref<!tpu.dma_semaphore, #tpu.memory_space<semaphore_mem>>) {add = true}
        %dma_wait3A_287 = arith.constant 0 : i32
        %dma_wait3A_288 = tpu.memref_slice %arg8[%mul3A_191, %dma_wait3A_287] : memref<79x128xi32, #tpu.memory_space<vmem>> -> memref<1x128xi32, #tpu.memory_space<vmem>>
        %dma_wait3A_289 = tpu.memref_squeeze %dma_wait3A_288 : memref<1x128xi32, #tpu.memory_space<vmem>> -> memref<128xi32, #tpu.memory_space<vmem>>
        %dma_wait3A_290 = arith.constant 0 : i32
        %dma_wait3A_291 = arith.constant 0 : i32
        %dma_wait3A_292 = tpu.memref_slice %arg11[%dma_wait3A_290, %dma_wait3A_291] : memref<10240x128xf32, #tpu.memory_space<vmem_shared>> -> memref<10240x128xf32, #tpu.memory_space<vmem_shared>>
        tpu.wait_indirect_dma semaphore(%run_scoped3A_280 : memref<!tpu.dma_semaphore, #tpu.memory_space<semaphore_mem>>) src(%arg9 : memref<128x128xf32, #tpu.memory_space<vmem>>) dst(%dma_wait3A_292 : memref<10240x128xf32, #tpu.memory_space<vmem_shared>>)
        tpu.yield
      }) : () -> ()
      %dma_wait3A_235 = arith.constant 1 : i32
      %dma_wait3A_236 = arith.constant 0 : i32
      %dma_wait3A_237 = tpu.memref_slice %arg7[%dma_wait3A_235, %dma_wait3A_236] : memref<2x128xi32, #tpu.memory_space<vmem>> -> memref<1x128xi32, #tpu.memory_space<vmem>>
      %dma_wait3A_238 = tpu.memref_squeeze %dma_wait3A_237 : memref<1x128xi32, #tpu.memory_space<vmem>> -> memref<128xi32, #tpu.memory_space<vmem>>
      %dma_wait3A_239 = arith.constant 0 : i32
      %dma_wait3A_240 = arith.constant 0 : i32
      %dma_wait3A_241 = tpu.memref_slice %arg2[%dma_wait3A_239, %dma_wait3A_240] : memref<10000x128xf32, #tpu.memory_space<hbm>> -> memref<10000x128xf32, #tpu.memory_space<hbm>>
      tpu.wait_indirect_dma semaphore(%arg13 : memref<!tpu.dma_semaphore, #tpu.memory_space<semaphore_mem>>) src(%dma_wait3A_241 : memref<10000x128xf32, #tpu.memory_space<hbm>>) dst(%arg10 : memref<128x128xf32, #tpu.memory_space<vmem>>)
      %dma_wait3A_242 = arith.constant 0 : i32
      %dma_wait3A_243 = arith.constant 0 : i32
      %dma_wait3A_244 = arith.constant 0 : i32
      %dma_wait3A_245 = tpu.memref_slice %arg7[%dma_wait3A_243, %dma_wait3A_244] : memref<2x128xi32, #tpu.memory_space<vmem>> -> memref<1x128xi32, #tpu.memory_space<vmem>>
      %dma_wait3A_246 = tpu.memref_squeeze %dma_wait3A_245 : memref<1x128xi32, #tpu.memory_space<vmem>> -> memref<128xi32, #tpu.memory_space<vmem>>
      %dma_wait3A_247 = arith.constant 0 : i32
      %dma_wait3A_248 = tpu.memref_slice %arg3[%add3A, %dma_wait3A_242, %dma_wait3A_247] : memref<32x80x128xi32, #tpu.memory_space<hbm>> -> memref<1x1x128xi32, #tpu.memory_space<hbm>>
      %dma_wait3A_249 = tpu.memref_squeeze %dma_wait3A_248 : memref<1x1x128xi32, #tpu.memory_space<hbm>> -> memref<128xi32, #tpu.memory_space<hbm>>
      %dma_wait3A_250 = arith.constant 0 : i32
      %dma_wait3A_251 = tpu.memref_slice %arg7[%dma_wait3A_243, %dma_wait3A_250] : memref<2x128xi32, #tpu.memory_space<vmem>> -> memref<1x128xi32, #tpu.memory_space<vmem>>
      %dma_wait3A_252 = tpu.memref_squeeze %dma_wait3A_251 : memref<1x128xi32, #tpu.memory_space<vmem>> -> memref<128xi32, #tpu.memory_space<vmem>>
      %dma_wait3A_253 = arith.constant 0 : i32
      %dma_wait3A_254 = tpu.memref_slice %arg3[%add3A, %dma_wait3A_242, %dma_wait3A_253] : memref<32x80x128xi32, #tpu.memory_space<hbm>> -> memref<1x1x128xi32, #tpu.memory_space<hbm>>
      %dma_wait3A_255 = tpu.memref_squeeze %dma_wait3A_254 : memref<1x1x128xi32, #tpu.memory_space<hbm>> -> memref<128xi32, #tpu.memory_space<hbm>>
      tpu.wait_dma2 semaphore(%arg14 : memref<!tpu.dma_semaphore, #tpu.memory_space<semaphore_mem>>) src(%dma_wait3A_255 : memref<128xi32, #tpu.memory_space<hbm>>) dst(%dma_wait3A_252 : memref<128xi32, #tpu.memory_space<vmem>>)
      %dma_start3A_256 = arith.constant 0 : i32
      %dma_start3A_257 = arith.constant 0 : i32
      %dma_start3A_258 = tpu.memref_slice %arg7[%dma_start3A_256, %dma_start3A_257] : memref<2x128xi32, #tpu.memory_space<vmem>> -> memref<1x128xi32, #tpu.memory_space<vmem>>
      %dma_start3A_259 = tpu.memref_squeeze %dma_start3A_258 : memref<1x128xi32, #tpu.memory_space<vmem>> -> memref<128xi32, #tpu.memory_space<vmem>>
      %dma_start3A_260 = arith.constant 0 : i32
      %dma_start3A_261 = arith.constant 0 : i32
      %dma_start3A_262 = tpu.memref_slice %arg2[%dma_start3A_260, %dma_start3A_261] : memref<10000x128xf32, #tpu.memory_space<hbm>> -> memref<10000x128xf32, #tpu.memory_space<hbm>>
      tpu.enqueue_indirect_dma source(%dma_start3A_262 : memref<10000x128xf32, #tpu.memory_space<hbm>>) target(%arg9 : memref<128x128xf32, #tpu.memory_space<vmem>>) offsets(%dma_start3A_259 : memref<128xi32, #tpu.memory_space<vmem>>) semaphore(%arg12 : memref<!tpu.dma_semaphore, #tpu.memory_space<semaphore_mem>>)
      %add3A_263 = arith.constant 3 : i32
      %add3A_264 = arith.addi %mul3A_191, %add3A_263 : i32
      %dma_start3A_265 = arith.constant 1 : i32
      %dma_start3A_266 = arith.constant 0 : i32
      %dma_start3A_267 = tpu.memref_slice %arg7[%dma_start3A_265, %dma_start3A_266] : memref<2x128xi32, #tpu.memory_space<vmem>> -> memref<1x128xi32, #tpu.memory_space<vmem>>
      %dma_start3A_268 = tpu.memref_squeeze %dma_start3A_267 : memref<1x128xi32, #tpu.memory_space<vmem>> -> memref<128xi32, #tpu.memory_space<vmem>>
      %dma_start3A_269 = arith.constant 0 : i32
      %dma_start3A_270 = tpu.memref_slice %arg3[%add3A, %add3A_264, %dma_start3A_269] : memref<32x80x128xi32, #tpu.memory_space<hbm>> -> memref<1x1x128xi32, #tpu.memory_space<hbm>>
      %dma_start3A_271 = tpu.memref_squeeze %dma_start3A_270 : memref<1x1x128xi32, #tpu.memory_space<hbm>> -> memref<128xi32, #tpu.memory_space<hbm>>
      %dma_start3A_272 = arith.constant 0 : i32
      %dma_start3A_273 = tpu.memref_slice %arg7[%dma_start3A_265, %dma_start3A_272] : memref<2x128xi32, #tpu.memory_space<vmem>> -> memref<1x128xi32, #tpu.memory_space<vmem>>
      %dma_start3A_274 = tpu.memref_squeeze %dma_start3A_273 : memref<1x128xi32, #tpu.memory_space<vmem>> -> memref<128xi32, #tpu.memory_space<vmem>>
      %dma_start3A_275 = arith.constant 0 : i32
      %dma_start3A_276 = tpu.memref_slice %arg3[%add3A, %add3A_264, %dma_start3A_275] : memref<32x80x128xi32, #tpu.memory_space<hbm>> -> memref<1x1x128xi32, #tpu.memory_space<hbm>>
      %dma_start3A_277 = tpu.memref_squeeze %dma_start3A_276 : memref<1x1x128xi32, #tpu.memory_space<hbm>> -> memref<128xi32, #tpu.memory_space<hbm>>
      tpu.enqueue_dma source(%dma_start3A_277 : memref<128xi32, #tpu.memory_space<hbm>>) target(%dma_start3A_274 : memref<128xi32, #tpu.memory_space<vmem>>) target_semaphore(%arg15 : memref<!tpu.dma_semaphore, #tpu.memory_space<semaphore_mem>>)
      %add3A_278 = arith.constant 1 : i32
      %add3A_279 = arith.addi %mul3A_191, %add3A_278 : i32
      "tpu.region"() ({
        %run_scoped3A_280 = tpu.sem_alloc : memref<!tpu.dma_semaphore, #tpu.memory_space<semaphore_mem>>
        %dma_start3A_281 = arith.constant 0 : i32
        %dma_start3A_282 = tpu.memref_slice %arg8[%add3A_279, %dma_start3A_281] : memref<79x128xi32, #tpu.memory_space<vmem>> -> memref<1x128xi32, #tpu.memory_space<vmem>>
        %dma_start3A_283 = tpu.memref_squeeze %dma_start3A_282 : memref<1x128xi32, #tpu.memory_space<vmem>> -> memref<128xi32, #tpu.memory_space<vmem>>
        %dma_start3A_284 = arith.constant 0 : i32
        %dma_start3A_285 = arith.constant 0 : i32
        %dma_start3A_286 = tpu.memref_slice %arg11[%dma_start3A_284, %dma_start3A_285] : memref<10240x128xf32, #tpu.memory_space<vmem_shared>> -> memref<10240x128xf32, #tpu.memory_space<vmem_shared>>
        tpu.enqueue_indirect_dma source(%arg10 : memref<128x128xf32, #tpu.memory_space<vmem>>) target(%dma_start3A_286 : memref<10240x128xf32, #tpu.memory_space<vmem_shared>>) offsets(%dma_start3A_283 : memref<128xi32, #tpu.memory_space<vmem>>) semaphore(%run_scoped3A_280 : memref<!tpu.dma_semaphore, #tpu.memory_space<semaphore_mem>>) {add = true}
        %dma_wait3A_287 = arith.constant 0 : i32
        %dma_wait3A_288 = tpu.memref_slice %arg8[%add3A_279, %dma_wait3A_287] : memref<79x128xi32, #tpu.memory_space<vmem>> -> memref<1x128xi32, #tpu.memory_space<vmem>>
        %dma_wait3A_289 = tpu.memref_squeeze %dma_wait3A_288 : memref<1x128xi32, #tpu.memory_space<vmem>> -> memref<128xi32, #tpu.memory_space<vmem>>
        %dma_wait3A_290 = arith.constant 0 : i32
        %dma_wait3A_291 = arith.constant 0 : i32
        %dma_wait3A_292 = tpu.memref_slice %arg11[%dma_wait3A_290, %dma_wait3A_291] : memref<10240x128xf32, #tpu.memory_space<vmem_shared>> -> memref<10240x128xf32, #tpu.memory_space<vmem_shared>>
        tpu.wait_indirect_dma semaphore(%run_scoped3A_280 : memref<!tpu.dma_semaphore, #tpu.memory_space<semaphore_mem>>) src(%arg10 : memref<128x128xf32, #tpu.memory_space<vmem>>) dst(%dma_wait3A_292 : memref<10240x128xf32, #tpu.memory_space<vmem_shared>>)
        tpu.yield
      }) : () -> ()
    }
    %scan3A_46 = arith.constant 39 : i32
    %dma_wait3A = arith.constant 0 : i32
    %dma_wait3A_47 = arith.constant 0 : i32
    %dma_wait3A_48 = tpu.memref_slice %arg7[%dma_wait3A, %dma_wait3A_47] : memref<2x128xi32, #tpu.memory_space<vmem>> -> memref<1x128xi32, #tpu.memory_space<vmem>>
    %dma_wait3A_49 = tpu.memref_squeeze %dma_wait3A_48 : memref<1x128xi32, #tpu.memory_space<vmem>> -> memref<128xi32, #tpu.memory_space<vmem>>
    %dma_wait3A_50 = arith.constant 0 : i32
    %dma_wait3A_51 = arith.constant 0 : i32
    %dma_wait3A_52 = tpu.memref_slice %arg2[%dma_wait3A_50, %dma_wait3A_51] : memref<10000x128xf32, #tpu.memory_space<hbm>> -> memref<10000x128xf32, #tpu.memory_space<hbm>>
    tpu.wait_indirect_dma semaphore(%arg12 : memref<!tpu.dma_semaphore, #tpu.memory_space<semaphore_mem>>) src(%dma_wait3A_52 : memref<10000x128xf32, #tpu.memory_space<hbm>>) dst(%arg9 : memref<128x128xf32, #tpu.memory_space<vmem>>)
    %run_scoped3A_53 = arith.constant 78 : i32
    "tpu.region"() ({
      %run_scoped3A_189 = tpu.sem_alloc : memref<!tpu.dma_semaphore, #tpu.memory_space<semaphore_mem>>
      %dma_start3A_190 = arith.constant 0 : i32
      %dma_start3A_191 = tpu.memref_slice %arg8[%run_scoped3A_53, %dma_start3A_190] : memref<79x128xi32, #tpu.memory_space<vmem>> -> memref<1x128xi32, #tpu.memory_space<vmem>>
      %dma_start3A_192 = tpu.memref_squeeze %dma_start3A_191 : memref<1x128xi32, #tpu.memory_space<vmem>> -> memref<128xi32, #tpu.memory_space<vmem>>
      %dma_start3A_193 = arith.constant 0 : i32
      %dma_start3A_194 = arith.constant 0 : i32
      %dma_start3A_195 = tpu.memref_slice %arg11[%dma_start3A_193, %dma_start3A_194] : memref<10240x128xf32, #tpu.memory_space<vmem_shared>> -> memref<10240x128xf32, #tpu.memory_space<vmem_shared>>
      tpu.enqueue_indirect_dma source(%arg9 : memref<128x128xf32, #tpu.memory_space<vmem>>) target(%dma_start3A_195 : memref<10240x128xf32, #tpu.memory_space<vmem_shared>>) offsets(%dma_start3A_192 : memref<128xi32, #tpu.memory_space<vmem>>) semaphore(%run_scoped3A_189 : memref<!tpu.dma_semaphore, #tpu.memory_space<semaphore_mem>>) {add = true}
      %dma_wait3A_196 = arith.constant 0 : i32
      %dma_wait3A_197 = tpu.memref_slice %arg8[%run_scoped3A_53, %dma_wait3A_196] : memref<79x128xi32, #tpu.memory_space<vmem>> -> memref<1x128xi32, #tpu.memory_space<vmem>>
      %dma_wait3A_198 = tpu.memref_squeeze %dma_wait3A_197 : memref<1x128xi32, #tpu.memory_space<vmem>> -> memref<128xi32, #tpu.memory_space<vmem>>
      %dma_wait3A_199 = arith.constant 0 : i32
      %dma_wait3A_200 = arith.constant 0 : i32
      %dma_wait3A_201 = tpu.memref_slice %arg11[%dma_wait3A_199, %dma_wait3A_200] : memref<10240x128xf32, #tpu.memory_space<vmem_shared>> -> memref<10240x128xf32, #tpu.memory_space<vmem_shared>>
      tpu.wait_indirect_dma semaphore(%run_scoped3A_189 : memref<!tpu.dma_semaphore, #tpu.memory_space<semaphore_mem>>) src(%arg9 : memref<128x128xf32, #tpu.memory_space<vmem>>) dst(%dma_wait3A_201 : memref<10240x128xf32, #tpu.memory_space<vmem_shared>>)
      tpu.yield
    }) : () -> ()
    %dma_wait3A_54 = arith.constant 0 : i32
    %dma_wait3A_55 = arith.constant 1 : i32
    %dma_wait3A_56 = arith.constant 0 : i32
    %dma_wait3A_57 = tpu.memref_slice %arg7[%dma_wait3A_55, %dma_wait3A_56] : memref<2x128xi32, #tpu.memory_space<vmem>> -> memref<1x128xi32, #tpu.memory_space<vmem>>
    %dma_wait3A_58 = tpu.memref_squeeze %dma_wait3A_57 : memref<1x128xi32, #tpu.memory_space<vmem>> -> memref<128xi32, #tpu.memory_space<vmem>>
    %dma_wait3A_59 = arith.constant 0 : i32
    %dma_wait3A_60 = tpu.memref_slice %arg3[%add3A, %dma_wait3A_54, %dma_wait3A_59] : memref<32x80x128xi32, #tpu.memory_space<hbm>> -> memref<1x1x128xi32, #tpu.memory_space<hbm>>
    %dma_wait3A_61 = tpu.memref_squeeze %dma_wait3A_60 : memref<1x1x128xi32, #tpu.memory_space<hbm>> -> memref<128xi32, #tpu.memory_space<hbm>>
    %dma_wait3A_62 = arith.constant 0 : i32
    %dma_wait3A_63 = tpu.memref_slice %arg7[%dma_wait3A_55, %dma_wait3A_62] : memref<2x128xi32, #tpu.memory_space<vmem>> -> memref<1x128xi32, #tpu.memory_space<vmem>>
    %dma_wait3A_64 = tpu.memref_squeeze %dma_wait3A_63 : memref<1x128xi32, #tpu.memory_space<vmem>> -> memref<128xi32, #tpu.memory_space<vmem>>
    %dma_wait3A_65 = arith.constant 0 : i32
    %dma_wait3A_66 = tpu.memref_slice %arg3[%add3A, %dma_wait3A_54, %dma_wait3A_65] : memref<32x80x128xi32, #tpu.memory_space<hbm>> -> memref<1x1x128xi32, #tpu.memory_space<hbm>>
    %dma_wait3A_67 = tpu.memref_squeeze %dma_wait3A_66 : memref<1x1x128xi32, #tpu.memory_space<hbm>> -> memref<128xi32, #tpu.memory_space<hbm>>
    tpu.wait_dma2 semaphore(%arg15 : memref<!tpu.dma_semaphore, #tpu.memory_space<semaphore_mem>>) src(%dma_wait3A_67 : memref<128xi32, #tpu.memory_space<hbm>>) dst(%dma_wait3A_64 : memref<128xi32, #tpu.memory_space<vmem>>)
    %barrier3A_68 = arith.constant 0 : index
    tpu.barrier barrier_id(%barrier3A_68)
    %mul3A_69 = arith.constant 640 : i32
    %mul3A_70 = arith.muli %arg1, %mul3A_69 : i32
    %add3A_71 = arith.constant 0 : i32
    %add3A_72 = arith.addi %mul3A_70, %add3A_71 : i32
    "tpu.region"() ({
      %run_scoped3A_189 = tpu.sem_alloc : memref<!tpu.dma_semaphore, #tpu.memory_space<semaphore_mem>>
      %dma_start3A_190 = arith.constant 0 : i32
      %dma_start3A_191 = tpu.memref_slice %arg11[%add3A_72, %dma_start3A_190] : memref<10240x128xf32, #tpu.memory_space<vmem_shared>> -> memref<128x128xf32, #tpu.memory_space<vmem_shared>>
      %dma_start3A_192 = arith.constant 0 : i32
      %dma_start3A_193 = tpu.memref_slice %arg11[%add3A_72, %dma_start3A_192] : memref<10240x128xf32, #tpu.memory_space<vmem_shared>> -> memref<128x128xf32, #tpu.memory_space<vmem_shared>>
      tpu.enqueue_dma source(%dma_start3A_193 : memref<128x128xf32, #tpu.memory_space<vmem_shared>>) target(%arg9 : memref<128x128xf32, #tpu.memory_space<vmem>>) target_semaphore(%run_scoped3A_189 : memref<!tpu.dma_semaphore, #tpu.memory_space<semaphore_mem>>)
      %dma_wait3A_194 = arith.constant 0 : i32
      %dma_wait3A_195 = tpu.memref_slice %arg11[%add3A_72, %dma_wait3A_194] : memref<10240x128xf32, #tpu.memory_space<vmem_shared>> -> memref<128x128xf32, #tpu.memory_space<vmem_shared>>
      %dma_wait3A_196 = arith.constant 0 : i32
      %dma_wait3A_197 = tpu.memref_slice %arg11[%add3A_72, %dma_wait3A_196] : memref<10240x128xf32, #tpu.memory_space<vmem_shared>> -> memref<128x128xf32, #tpu.memory_space<vmem_shared>>
      tpu.wait_dma2 semaphore(%run_scoped3A_189 : memref<!tpu.dma_semaphore, #tpu.memory_space<semaphore_mem>>) src(%dma_wait3A_197 : memref<128x128xf32, #tpu.memory_space<vmem_shared>>) dst(%arg9 : memref<128x128xf32, #tpu.memory_space<vmem>>)
      tpu.yield
    }) : () -> ()
    %mul3A_73 = arith.constant 640 : i32
    %mul3A_74 = arith.muli %arg1, %mul3A_73 : i32
    %add3A_75 = arith.constant 0 : i32
    %add3A_76 = arith.addi %mul3A_74, %add3A_75 : i32
    %dma_start3A_77 = arith.constant 0 : i32
    %dma_start3A_78 = tpu.memref_slice %arg6[%arg0, %add3A_76, %dma_start3A_77] : memref<2x10240x128xf32, #tpu.memory_space<hbm>> -> memref<1x128x128xf32, #tpu.memory_space<hbm>>
    %dma_start3A_79 = tpu.memref_squeeze %dma_start3A_78 : memref<1x128x128xf32, #tpu.memory_space<hbm>> -> memref<128x128xf32, #tpu.memory_space<hbm>>
    %dma_start3A_80 = arith.constant 0 : i32
    %dma_start3A_81 = tpu.memref_slice %arg6[%arg0, %add3A_76, %dma_start3A_80] : memref<2x10240x128xf32, #tpu.memory_space<hbm>> -> memref<1x128x128xf32, #tpu.memory_space<hbm>>
    %dma_start3A_82 = tpu.memref_squeeze %dma_start3A_81 : memref<1x128x128xf32, #tpu.memory_space<hbm>> -> memref<128x128xf32, #tpu.memory_space<hbm>>
    tpu.enqueue_dma source(%arg9 : memref<128x128xf32, #tpu.memory_space<vmem>>) target(%dma_start3A_82 : memref<128x128xf32, #tpu.memory_space<hbm>>) target_semaphore(%arg12 : memref<!tpu.dma_semaphore, #tpu.memory_space<semaphore_mem>>)
    %mul3A_83 = arith.constant 640 : i32
    %mul3A_84 = arith.muli %arg1, %mul3A_83 : i32
    %add3A_85 = arith.constant 128 : i32
    %add3A_86 = arith.addi %mul3A_84, %add3A_85 : i32
    "tpu.region"() ({
      %run_scoped3A_189 = tpu.sem_alloc : memref<!tpu.dma_semaphore, #tpu.memory_space<semaphore_mem>>
      %dma_start3A_190 = arith.constant 0 : i32
      %dma_start3A_191 = tpu.memref_slice %arg11[%add3A_86, %dma_start3A_190] : memref<10240x128xf32, #tpu.memory_space<vmem_shared>> -> memref<128x128xf32, #tpu.memory_space<vmem_shared>>
      %dma_start3A_192 = arith.constant 0 : i32
      %dma_start3A_193 = tpu.memref_slice %arg11[%add3A_86, %dma_start3A_192] : memref<10240x128xf32, #tpu.memory_space<vmem_shared>> -> memref<128x128xf32, #tpu.memory_space<vmem_shared>>
      tpu.enqueue_dma source(%dma_start3A_193 : memref<128x128xf32, #tpu.memory_space<vmem_shared>>) target(%arg10 : memref<128x128xf32, #tpu.memory_space<vmem>>) target_semaphore(%run_scoped3A_189 : memref<!tpu.dma_semaphore, #tpu.memory_space<semaphore_mem>>)
      %dma_wait3A_194 = arith.constant 0 : i32
      %dma_wait3A_195 = tpu.memref_slice %arg11[%add3A_86, %dma_wait3A_194] : memref<10240x128xf32, #tpu.memory_space<vmem_shared>> -> memref<128x128xf32, #tpu.memory_space<vmem_shared>>
      %dma_wait3A_196 = arith.constant 0 : i32
      %dma_wait3A_197 = tpu.memref_slice %arg11[%add3A_86, %dma_wait3A_196] : memref<10240x128xf32, #tpu.memory_space<vmem_shared>> -> memref<128x128xf32, #tpu.memory_space<vmem_shared>>
      tpu.wait_dma2 semaphore(%run_scoped3A_189 : memref<!tpu.dma_semaphore, #tpu.memory_space<semaphore_mem>>) src(%dma_wait3A_197 : memref<128x128xf32, #tpu.memory_space<vmem_shared>>) dst(%arg10 : memref<128x128xf32, #tpu.memory_space<vmem>>)
      tpu.yield
    }) : () -> ()
    %mul3A_87 = arith.constant 640 : i32
    %mul3A_88 = arith.muli %arg1, %mul3A_87 : i32
    %add3A_89 = arith.constant 128 : i32
    %add3A_90 = arith.addi %mul3A_88, %add3A_89 : i32
    %dma_start3A_91 = arith.constant 0 : i32
    %dma_start3A_92 = tpu.memref_slice %arg6[%arg0, %add3A_90, %dma_start3A_91] : memref<2x10240x128xf32, #tpu.memory_space<hbm>> -> memref<1x128x128xf32, #tpu.memory_space<hbm>>
    %dma_start3A_93 = tpu.memref_squeeze %dma_start3A_92 : memref<1x128x128xf32, #tpu.memory_space<hbm>> -> memref<128x128xf32, #tpu.memory_space<hbm>>
    %dma_start3A_94 = arith.constant 0 : i32
    %dma_start3A_95 = tpu.memref_slice %arg6[%arg0, %add3A_90, %dma_start3A_94] : memref<2x10240x128xf32, #tpu.memory_space<hbm>> -> memref<1x128x128xf32, #tpu.memory_space<hbm>>
    %dma_start3A_96 = tpu.memref_squeeze %dma_start3A_95 : memref<1x128x128xf32, #tpu.memory_space<hbm>> -> memref<128x128xf32, #tpu.memory_space<hbm>>
    tpu.enqueue_dma source(%arg10 : memref<128x128xf32, #tpu.memory_space<vmem>>) target(%dma_start3A_96 : memref<128x128xf32, #tpu.memory_space<hbm>>) target_semaphore(%arg13 : memref<!tpu.dma_semaphore, #tpu.memory_space<semaphore_mem>>)
    %mul3A_97 = arith.constant 640 : i32
    %mul3A_98 = arith.muli %arg1, %mul3A_97 : i32
    %add3A_99 = arith.constant 0 : i32
    %add3A_100 = arith.addi %mul3A_98, %add3A_99 : i32
    %dma_wait3A_101 = arith.constant 0 : i32
    %dma_wait3A_102 = tpu.memref_slice %arg6[%arg0, %add3A_100, %dma_wait3A_101] : memref<2x10240x128xf32, #tpu.memory_space<hbm>> -> memref<1x128x128xf32, #tpu.memory_space<hbm>>
    %dma_wait3A_103 = tpu.memref_squeeze %dma_wait3A_102 : memref<1x128x128xf32, #tpu.memory_space<hbm>> -> memref<128x128xf32, #tpu.memory_space<hbm>>
    %dma_wait3A_104 = arith.constant 0 : i32
    %dma_wait3A_105 = tpu.memref_slice %arg6[%arg0, %add3A_100, %dma_wait3A_104] : memref<2x10240x128xf32, #tpu.memory_space<hbm>> -> memref<1x128x128xf32, #tpu.memory_space<hbm>>
    %dma_wait3A_106 = tpu.memref_squeeze %dma_wait3A_105 : memref<1x128x128xf32, #tpu.memory_space<hbm>> -> memref<128x128xf32, #tpu.memory_space<hbm>>
    tpu.wait_dma2 semaphore(%arg12 : memref<!tpu.dma_semaphore, #tpu.memory_space<semaphore_mem>>) src(%arg9 : memref<128x128xf32, #tpu.memory_space<vmem>>) dst(%dma_wait3A_106 : memref<128x128xf32, #tpu.memory_space<hbm>>)
    %mul3A_107 = arith.constant 640 : i32
    %mul3A_108 = arith.muli %arg1, %mul3A_107 : i32
    %add3A_109 = arith.constant 256 : i32
    %add3A_110 = arith.addi %mul3A_108, %add3A_109 : i32
    "tpu.region"() ({
      %run_scoped3A_189 = tpu.sem_alloc : memref<!tpu.dma_semaphore, #tpu.memory_space<semaphore_mem>>
      %dma_start3A_190 = arith.constant 0 : i32
      %dma_start3A_191 = tpu.memref_slice %arg11[%add3A_110, %dma_start3A_190] : memref<10240x128xf32, #tpu.memory_space<vmem_shared>> -> memref<128x128xf32, #tpu.memory_space<vmem_shared>>
      %dma_start3A_192 = arith.constant 0 : i32
      %dma_start3A_193 = tpu.memref_slice %arg11[%add3A_110, %dma_start3A_192] : memref<10240x128xf32, #tpu.memory_space<vmem_shared>> -> memref<128x128xf32, #tpu.memory_space<vmem_shared>>
      tpu.enqueue_dma source(%dma_start3A_193 : memref<128x128xf32, #tpu.memory_space<vmem_shared>>) target(%arg9 : memref<128x128xf32, #tpu.memory_space<vmem>>) target_semaphore(%run_scoped3A_189 : memref<!tpu.dma_semaphore, #tpu.memory_space<semaphore_mem>>)
      %dma_wait3A_194 = arith.constant 0 : i32
      %dma_wait3A_195 = tpu.memref_slice %arg11[%add3A_110, %dma_wait3A_194] : memref<10240x128xf32, #tpu.memory_space<vmem_shared>> -> memref<128x128xf32, #tpu.memory_space<vmem_shared>>
      %dma_wait3A_196 = arith.constant 0 : i32
      %dma_wait3A_197 = tpu.memref_slice %arg11[%add3A_110, %dma_wait3A_196] : memref<10240x128xf32, #tpu.memory_space<vmem_shared>> -> memref<128x128xf32, #tpu.memory_space<vmem_shared>>
      tpu.wait_dma2 semaphore(%run_scoped3A_189 : memref<!tpu.dma_semaphore, #tpu.memory_space<semaphore_mem>>) src(%dma_wait3A_197 : memref<128x128xf32, #tpu.memory_space<vmem_shared>>) dst(%arg9 : memref<128x128xf32, #tpu.memory_space<vmem>>)
      tpu.yield
    }) : () -> ()
    %mul3A_111 = arith.constant 640 : i32
    %mul3A_112 = arith.muli %arg1, %mul3A_111 : i32
    %add3A_113 = arith.constant 256 : i32
    %add3A_114 = arith.addi %mul3A_112, %add3A_113 : i32
    %dma_start3A_115 = arith.constant 0 : i32
    %dma_start3A_116 = tpu.memref_slice %arg6[%arg0, %add3A_114, %dma_start3A_115] : memref<2x10240x128xf32, #tpu.memory_space<hbm>> -> memref<1x128x128xf32, #tpu.memory_space<hbm>>
    %dma_start3A_117 = tpu.memref_squeeze %dma_start3A_116 : memref<1x128x128xf32, #tpu.memory_space<hbm>> -> memref<128x128xf32, #tpu.memory_space<hbm>>
    %dma_start3A_118 = arith.constant 0 : i32
    %dma_start3A_119 = tpu.memref_slice %arg6[%arg0, %add3A_114, %dma_start3A_118] : memref<2x10240x128xf32, #tpu.memory_space<hbm>> -> memref<1x128x128xf32, #tpu.memory_space<hbm>>
    %dma_start3A_120 = tpu.memref_squeeze %dma_start3A_119 : memref<1x128x128xf32, #tpu.memory_space<hbm>> -> memref<128x128xf32, #tpu.memory_space<hbm>>
    tpu.enqueue_dma source(%arg9 : memref<128x128xf32, #tpu.memory_space<vmem>>) target(%dma_start3A_120 : memref<128x128xf32, #tpu.memory_space<hbm>>) target_semaphore(%arg12 : memref<!tpu.dma_semaphore, #tpu.memory_space<semaphore_mem>>)
    %mul3A_121 = arith.constant 640 : i32
    %mul3A_122 = arith.muli %arg1, %mul3A_121 : i32
    %add3A_123 = arith.constant 128 : i32
    %add3A_124 = arith.addi %mul3A_122, %add3A_123 : i32
    %dma_wait3A_125 = arith.constant 0 : i32
    %dma_wait3A_126 = tpu.memref_slice %arg6[%arg0, %add3A_124, %dma_wait3A_125] : memref<2x10240x128xf32, #tpu.memory_space<hbm>> -> memref<1x128x128xf32, #tpu.memory_space<hbm>>
    %dma_wait3A_127 = tpu.memref_squeeze %dma_wait3A_126 : memref<1x128x128xf32, #tpu.memory_space<hbm>> -> memref<128x128xf32, #tpu.memory_space<hbm>>
    %dma_wait3A_128 = arith.constant 0 : i32
    %dma_wait3A_129 = tpu.memref_slice %arg6[%arg0, %add3A_124, %dma_wait3A_128] : memref<2x10240x128xf32, #tpu.memory_space<hbm>> -> memref<1x128x128xf32, #tpu.memory_space<hbm>>
    %dma_wait3A_130 = tpu.memref_squeeze %dma_wait3A_129 : memref<1x128x128xf32, #tpu.memory_space<hbm>> -> memref<128x128xf32, #tpu.memory_space<hbm>>
    tpu.wait_dma2 semaphore(%arg13 : memref<!tpu.dma_semaphore, #tpu.memory_space<semaphore_mem>>) src(%arg10 : memref<128x128xf32, #tpu.memory_space<vmem>>) dst(%dma_wait3A_130 : memref<128x128xf32, #tpu.memory_space<hbm>>)
    %mul3A_131 = arith.constant 640 : i32
    %mul3A_132 = arith.muli %arg1, %mul3A_131 : i32
    %add3A_133 = arith.constant 384 : i32
    %add3A_134 = arith.addi %mul3A_132, %add3A_133 : i32
    "tpu.region"() ({
      %run_scoped3A_189 = tpu.sem_alloc : memref<!tpu.dma_semaphore, #tpu.memory_space<semaphore_mem>>
      %dma_start3A_190 = arith.constant 0 : i32
      %dma_start3A_191 = tpu.memref_slice %arg11[%add3A_134, %dma_start3A_190] : memref<10240x128xf32, #tpu.memory_space<vmem_shared>> -> memref<128x128xf32, #tpu.memory_space<vmem_shared>>
      %dma_start3A_192 = arith.constant 0 : i32
      %dma_start3A_193 = tpu.memref_slice %arg11[%add3A_134, %dma_start3A_192] : memref<10240x128xf32, #tpu.memory_space<vmem_shared>> -> memref<128x128xf32, #tpu.memory_space<vmem_shared>>
      tpu.enqueue_dma source(%dma_start3A_193 : memref<128x128xf32, #tpu.memory_space<vmem_shared>>) target(%arg10 : memref<128x128xf32, #tpu.memory_space<vmem>>) target_semaphore(%run_scoped3A_189 : memref<!tpu.dma_semaphore, #tpu.memory_space<semaphore_mem>>)
      %dma_wait3A_194 = arith.constant 0 : i32
      %dma_wait3A_195 = tpu.memref_slice %arg11[%add3A_134, %dma_wait3A_194] : memref<10240x128xf32, #tpu.memory_space<vmem_shared>> -> memref<128x128xf32, #tpu.memory_space<vmem_shared>>
      %dma_wait3A_196 = arith.constant 0 : i32
      %dma_wait3A_197 = tpu.memref_slice %arg11[%add3A_134, %dma_wait3A_196] : memref<10240x128xf32, #tpu.memory_space<vmem_shared>> -> memref<128x128xf32, #tpu.memory_space<vmem_shared>>
      tpu.wait_dma2 semaphore(%run_scoped3A_189 : memref<!tpu.dma_semaphore, #tpu.memory_space<semaphore_mem>>) src(%dma_wait3A_197 : memref<128x128xf32, #tpu.memory_space<vmem_shared>>) dst(%arg10 : memref<128x128xf32, #tpu.memory_space<vmem>>)
      tpu.yield
    }) : () -> ()
    %mul3A_135 = arith.constant 640 : i32
    %mul3A_136 = arith.muli %arg1, %mul3A_135 : i32
    %add3A_137 = arith.constant 384 : i32
    %add3A_138 = arith.addi %mul3A_136, %add3A_137 : i32
    %dma_start3A_139 = arith.constant 0 : i32
    %dma_start3A_140 = tpu.memref_slice %arg6[%arg0, %add3A_138, %dma_start3A_139] : memref<2x10240x128xf32, #tpu.memory_space<hbm>> -> memref<1x128x128xf32, #tpu.memory_space<hbm>>
    %dma_start3A_141 = tpu.memref_squeeze %dma_start3A_140 : memref<1x128x128xf32, #tpu.memory_space<hbm>> -> memref<128x128xf32, #tpu.memory_space<hbm>>
    %dma_start3A_142 = arith.constant 0 : i32
    %dma_start3A_143 = tpu.memref_slice %arg6[%arg0, %add3A_138, %dma_start3A_142] : memref<2x10240x128xf32, #tpu.memory_space<hbm>> -> memref<1x128x128xf32, #tpu.memory_space<hbm>>
    %dma_start3A_144 = tpu.memref_squeeze %dma_start3A_143 : memref<1x128x128xf32, #tpu.memory_space<hbm>> -> memref<128x128xf32, #tpu.memory_space<hbm>>
    tpu.enqueue_dma source(%arg10 : memref<128x128xf32, #tpu.memory_space<vmem>>) target(%dma_start3A_144 : memref<128x128xf32, #tpu.memory_space<hbm>>) target_semaphore(%arg13 : memref<!tpu.dma_semaphore, #tpu.memory_space<semaphore_mem>>)
    %mul3A_145 = arith.constant 640 : i32
    %mul3A_146 = arith.muli %arg1, %mul3A_145 : i32
    %add3A_147 = arith.constant 256 : i32
    %add3A_148 = arith.addi %mul3A_146, %add3A_147 : i32
    %dma_wait3A_149 = arith.constant 0 : i32
    %dma_wait3A_150 = tpu.memref_slice %arg6[%arg0, %add3A_148, %dma_wait3A_149] : memref<2x10240x128xf32, #tpu.memory_space<hbm>> -> memref<1x128x128xf32, #tpu.memory_space<hbm>>
    %dma_wait3A_151 = tpu.memref_squeeze %dma_wait3A_150 : memref<1x128x128xf32, #tpu.memory_space<hbm>> -> memref<128x128xf32, #tpu.memory_space<hbm>>
    %dma_wait3A_152 = arith.constant 0 : i32
    %dma_wait3A_153 = tpu.memref_slice %arg6[%arg0, %add3A_148, %dma_wait3A_152] : memref<2x10240x128xf32, #tpu.memory_space<hbm>> -> memref<1x128x128xf32, #tpu.memory_space<hbm>>
    %dma_wait3A_154 = tpu.memref_squeeze %dma_wait3A_153 : memref<1x128x128xf32, #tpu.memory_space<hbm>> -> memref<128x128xf32, #tpu.memory_space<hbm>>
    tpu.wait_dma2 semaphore(%arg12 : memref<!tpu.dma_semaphore, #tpu.memory_space<semaphore_mem>>) src(%arg9 : memref<128x128xf32, #tpu.memory_space<vmem>>) dst(%dma_wait3A_154 : memref<128x128xf32, #tpu.memory_space<hbm>>)
    %mul3A_155 = arith.constant 640 : i32
    %mul3A_156 = arith.muli %arg1, %mul3A_155 : i32
    %add3A_157 = arith.constant 512 : i32
    %add3A_158 = arith.addi %mul3A_156, %add3A_157 : i32
    "tpu.region"() ({
      %run_scoped3A_189 = tpu.sem_alloc : memref<!tpu.dma_semaphore, #tpu.memory_space<semaphore_mem>>
      %dma_start3A_190 = arith.constant 0 : i32
      %dma_start3A_191 = tpu.memref_slice %arg11[%add3A_158, %dma_start3A_190] : memref<10240x128xf32, #tpu.memory_space<vmem_shared>> -> memref<128x128xf32, #tpu.memory_space<vmem_shared>>
      %dma_start3A_192 = arith.constant 0 : i32
      %dma_start3A_193 = tpu.memref_slice %arg11[%add3A_158, %dma_start3A_192] : memref<10240x128xf32, #tpu.memory_space<vmem_shared>> -> memref<128x128xf32, #tpu.memory_space<vmem_shared>>
      tpu.enqueue_dma source(%dma_start3A_193 : memref<128x128xf32, #tpu.memory_space<vmem_shared>>) target(%arg9 : memref<128x128xf32, #tpu.memory_space<vmem>>) target_semaphore(%run_scoped3A_189 : memref<!tpu.dma_semaphore, #tpu.memory_space<semaphore_mem>>)
      %dma_wait3A_194 = arith.constant 0 : i32
      %dma_wait3A_195 = tpu.memref_slice %arg11[%add3A_158, %dma_wait3A_194] : memref<10240x128xf32, #tpu.memory_space<vmem_shared>> -> memref<128x128xf32, #tpu.memory_space<vmem_shared>>
      %dma_wait3A_196 = arith.constant 0 : i32
      %dma_wait3A_197 = tpu.memref_slice %arg11[%add3A_158, %dma_wait3A_196] : memref<10240x128xf32, #tpu.memory_space<vmem_shared>> -> memref<128x128xf32, #tpu.memory_space<vmem_shared>>
      tpu.wait_dma2 semaphore(%run_scoped3A_189 : memref<!tpu.dma_semaphore, #tpu.memory_space<semaphore_mem>>) src(%dma_wait3A_197 : memref<128x128xf32, #tpu.memory_space<vmem_shared>>) dst(%arg9 : memref<128x128xf32, #tpu.memory_space<vmem>>)
      tpu.yield
    }) : () -> ()
    %mul3A_159 = arith.constant 640 : i32
    %mul3A_160 = arith.muli %arg1, %mul3A_159 : i32
    %add3A_161 = arith.constant 512 : i32
    %add3A_162 = arith.addi %mul3A_160, %add3A_161 : i32
    %dma_start3A_163 = arith.constant 0 : i32
    %dma_start3A_164 = tpu.memref_slice %arg6[%arg0, %add3A_162, %dma_start3A_163] : memref<2x10240x128xf32, #tpu.memory_space<hbm>> -> memref<1x128x128xf32, #tpu.memory_space<hbm>>
    %dma_start3A_165 = tpu.memref_squeeze %dma_start3A_164 : memref<1x128x128xf32, #tpu.memory_space<hbm>> -> memref<128x128xf32, #tpu.memory_space<hbm>>
    %dma_start3A_166 = arith.constant 0 : i32
    %dma_start3A_167 = tpu.memref_slice %arg6[%arg0, %add3A_162, %dma_start3A_166] : memref<2x10240x128xf32, #tpu.memory_space<hbm>> -> memref<1x128x128xf32, #tpu.memory_space<hbm>>
    %dma_start3A_168 = tpu.memref_squeeze %dma_start3A_167 : memref<1x128x128xf32, #tpu.memory_space<hbm>> -> memref<128x128xf32, #tpu.memory_space<hbm>>
    tpu.enqueue_dma source(%arg9 : memref<128x128xf32, #tpu.memory_space<vmem>>) target(%dma_start3A_168 : memref<128x128xf32, #tpu.memory_space<hbm>>) target_semaphore(%arg12 : memref<!tpu.dma_semaphore, #tpu.memory_space<semaphore_mem>>)
    %mul3A_169 = arith.constant 640 : i32
    %mul3A_170 = arith.muli %arg1, %mul3A_169 : i32
    %add3A_171 = arith.constant 384 : i32
    %add3A_172 = arith.addi %mul3A_170, %add3A_171 : i32
    %dma_wait3A_173 = arith.constant 0 : i32
    %dma_wait3A_174 = tpu.memref_slice %arg6[%arg0, %add3A_172, %dma_wait3A_173] : memref<2x10240x128xf32, #tpu.memory_space<hbm>> -> memref<1x128x128xf32, #tpu.memory_space<hbm>>
    %dma_wait3A_175 = tpu.memref_squeeze %dma_wait3A_174 : memref<1x128x128xf32, #tpu.memory_space<hbm>> -> memref<128x128xf32, #tpu.memory_space<hbm>>
    %dma_wait3A_176 = arith.constant 0 : i32
    %dma_wait3A_177 = tpu.memref_slice %arg6[%arg0, %add3A_172, %dma_wait3A_176] : memref<2x10240x128xf32, #tpu.memory_space<hbm>> -> memref<1x128x128xf32, #tpu.memory_space<hbm>>
    %dma_wait3A_178 = tpu.memref_squeeze %dma_wait3A_177 : memref<1x128x128xf32, #tpu.memory_space<hbm>> -> memref<128x128xf32, #tpu.memory_space<hbm>>
    tpu.wait_dma2 semaphore(%arg13 : memref<!tpu.dma_semaphore, #tpu.memory_space<semaphore_mem>>) src(%arg10 : memref<128x128xf32, #tpu.memory_space<vmem>>) dst(%dma_wait3A_178 : memref<128x128xf32, #tpu.memory_space<hbm>>)
    %mul3A_179 = arith.constant 640 : i32
    %mul3A_180 = arith.muli %arg1, %mul3A_179 : i32
    %add3A_181 = arith.constant 512 : i32
    %add3A_182 = arith.addi %mul3A_180, %add3A_181 : i32
    %dma_wait3A_183 = arith.constant 0 : i32
    %dma_wait3A_184 = tpu.memref_slice %arg6[%arg0, %add3A_182, %dma_wait3A_183] : memref<2x10240x128xf32, #tpu.memory_space<hbm>> -> memref<1x128x128xf32, #tpu.memory_space<hbm>>
    %dma_wait3A_185 = tpu.memref_squeeze %dma_wait3A_184 : memref<1x128x128xf32, #tpu.memory_space<hbm>> -> memref<128x128xf32, #tpu.memory_space<hbm>>
    %dma_wait3A_186 = arith.constant 0 : i32
    %dma_wait3A_187 = tpu.memref_slice %arg6[%arg0, %add3A_182, %dma_wait3A_186] : memref<2x10240x128xf32, #tpu.memory_space<hbm>> -> memref<1x128x128xf32, #tpu.memory_space<hbm>>
    %dma_wait3A_188 = tpu.memref_squeeze %dma_wait3A_187 : memref<1x128x128xf32, #tpu.memory_space<hbm>> -> memref<128x128xf32, #tpu.memory_space<hbm>>
    tpu.wait_dma2 semaphore(%arg12 : memref<!tpu.dma_semaphore, #tpu.memory_space<semaphore_mem>>) src(%arg9 : memref<128x128xf32, #tpu.memory_space<vmem>>) dst(%dma_wait3A_188 : memref<128x128xf32, #tpu.memory_space<hbm>>)
    return
  }
}

#map = affine_map<(d0, d1) -> (0, 0)>
#map1 = affine_map<(d0, d1) -> (0, 0, 0)>
module attributes {stable_mosaic.version = 14 : i64} {
  func.func @_edge_kernel(%arg0: i32, %arg1: i32, %arg2: memref<10000x128xf32, #tpu.memory_space<hbm>>, %arg3: memref<32x80x128xi32, #tpu.memory_space<hbm>>, %arg4: memref<32x79x128xi32, #tpu.memory_space<hbm>>, %arg5: memref<128x128xf32, #tpu.memory_space<hbm>>, %arg6: memref<2x10240x128xf32, #tpu.memory_space<hbm>>, %arg7: memref<2x128xi32, #tpu.memory_space<vmem>>, %arg8: memref<79x128xi32, #tpu.memory_space<vmem>>, %arg9: memref<128x128xf32, #tpu.memory_space<vmem>>, %arg10: memref<128x128xf32, #tpu.memory_space<vmem>>, %arg11: memref<10240x128xf32, #tpu.memory_space<vmem_shared>>, %arg12: memref<!tpu.dma_semaphore, #tpu.memory_space<semaphore_mem>>, %arg13: memref<!tpu.dma_semaphore, #tpu.memory_space<semaphore_mem>>, %arg14: memref<!tpu.dma_semaphore, #tpu.memory_space<semaphore_mem>>, %arg15: memref<!tpu.dma_semaphore, #tpu.memory_space<semaphore_mem>>) attributes {dimension_semantics = [#tpu.dimension_semantics<core_parallel>, #tpu.dimension_semantics<subcore_parallel>], iteration_bounds = array<i64: 2, 16>, scalar_prefetch = 0 : i64, scratch_operands = 9 : i64, tpu.core_type = #tpu.core_type<sc_vector_subcore>, window_params = [{transform_indices = #map}, {transform_indices = #map1}, {transform_indices = #map1}, {transform_indices = #map}, {transform_indices = #map1}]} {
    %mul3A = arith.constant 16 : i32
    %mul3A_0 = arith.muli %arg0, %mul3A : i32
    %add3A = arith.addi %mul3A_0, %arg1 : i32
    "tpu.region"() ({
      %run_scoped3A_189 = tpu.sem_alloc : memref<!tpu.dma_semaphore, #tpu.memory_space<semaphore_mem>>
      %dma_start3A_190 = arith.constant 0 : i32
      %dma_start3A_191 = arith.constant 0 : i32
      %dma_start3A_192 = tpu.memref_slice %arg4[%add3A, %dma_start3A_190, %dma_start3A_191] : memref<32x79x128xi32, #tpu.memory_space<hbm>> -> memref<1x79x128xi32, #tpu.memory_space<hbm>>
      %dma_start3A_193 = tpu.memref_squeeze %dma_start3A_192 : memref<1x79x128xi32, #tpu.memory_space<hbm>> -> memref<79x128xi32, #tpu.memory_space<hbm>>
      %dma_start3A_194 = arith.constant 0 : i32
      %dma_start3A_195 = arith.constant 0 : i32
      %dma_start3A_196 = tpu.memref_slice %arg4[%add3A, %dma_start3A_194, %dma_start3A_195] : memref<32x79x128xi32, #tpu.memory_space<hbm>> -> memref<1x79x128xi32, #tpu.memory_space<hbm>>
      %dma_start3A_197 = tpu.memref_squeeze %dma_start3A_196 : memref<1x79x128xi32, #tpu.memory_space<hbm>> -> memref<79x128xi32, #tpu.memory_space<hbm>>
      tpu.enqueue_dma source(%dma_start3A_197 : memref<79x128xi32, #tpu.memory_space<hbm>>) target(%arg8 : memref<79x128xi32, #tpu.memory_space<vmem>>) target_semaphore(%run_scoped3A_189 : memref<!tpu.dma_semaphore, #tpu.memory_space<semaphore_mem>>)
      %dma_wait3A_198 = arith.constant 0 : i32
      %dma_wait3A_199 = arith.constant 0 : i32
      %dma_wait3A_200 = tpu.memref_slice %arg4[%add3A, %dma_wait3A_198, %dma_wait3A_199] : memref<32x79x128xi32, #tpu.memory_space<hbm>> -> memref<1x79x128xi32, #tpu.memory_space<hbm>>
      %dma_wait3A_201 = tpu.memref_squeeze %dma_wait3A_200 : memref<1x79x128xi32, #tpu.memory_space<hbm>> -> memref<79x128xi32, #tpu.memory_space<hbm>>
      %dma_wait3A_202 = arith.constant 0 : i32
      %dma_wait3A_203 = arith.constant 0 : i32
      %dma_wait3A_204 = tpu.memref_slice %arg4[%add3A, %dma_wait3A_202, %dma_wait3A_203] : memref<32x79x128xi32, #tpu.memory_space<hbm>> -> memref<1x79x128xi32, #tpu.memory_space<hbm>>
      %dma_wait3A_205 = tpu.memref_squeeze %dma_wait3A_204 : memref<1x79x128xi32, #tpu.memory_space<hbm>> -> memref<79x128xi32, #tpu.memory_space<hbm>>
      tpu.wait_dma2 semaphore(%run_scoped3A_189 : memref<!tpu.dma_semaphore, #tpu.memory_space<semaphore_mem>>) src(%dma_wait3A_205 : memref<79x128xi32, #tpu.memory_space<hbm>>) dst(%arg8 : memref<79x128xi32, #tpu.memory_space<vmem>>)
      tpu.yield
    }) : () -> ()
    "tpu.region"() ({
      %run_scoped3A_189 = tpu.sem_alloc : memref<!tpu.dma_semaphore, #tpu.memory_space<semaphore_mem>>
      tpu.enqueue_dma source(%arg5 : memref<128x128xf32, #tpu.memory_space<hbm>>) target(%arg9 : memref<128x128xf32, #tpu.memory_space<vmem>>) target_semaphore(%run_scoped3A_189 : memref<!tpu.dma_semaphore, #tpu.memory_space<semaphore_mem>>)
      tpu.wait_dma2 semaphore(%run_scoped3A_189 : memref<!tpu.dma_semaphore, #tpu.memory_space<semaphore_mem>>) src(%arg5 : memref<128x128xf32, #tpu.memory_space<hbm>>) dst(%arg9 : memref<128x128xf32, #tpu.memory_space<vmem>>)
      tpu.yield
    }) : () -> ()
    %mul3A_1 = arith.constant 640 : i32
    %mul3A_2 = arith.muli %arg1, %mul3A_1 : i32
    %add3A_3 = arith.constant 0 : i32
    %add3A_4 = arith.addi %mul3A_2, %add3A_3 : i32
    "tpu.region"() ({
      %run_scoped3A_189 = tpu.sem_alloc : memref<!tpu.dma_semaphore, #tpu.memory_space<semaphore_mem>>
      %dma_start3A_190 = arith.constant 0 : i32
      %dma_start3A_191 = tpu.memref_slice %arg11[%add3A_4, %dma_start3A_190] : memref<10240x128xf32, #tpu.memory_space<vmem_shared>> -> memref<128x128xf32, #tpu.memory_space<vmem_shared>>
      %dma_start3A_192 = arith.constant 0 : i32
      %dma_start3A_193 = tpu.memref_slice %arg11[%add3A_4, %dma_start3A_192] : memref<10240x128xf32, #tpu.memory_space<vmem_shared>> -> memref<128x128xf32, #tpu.memory_space<vmem_shared>>
      tpu.enqueue_dma source(%arg9 : memref<128x128xf32, #tpu.memory_space<vmem>>) target(%dma_start3A_193 : memref<128x128xf32, #tpu.memory_space<vmem_shared>>) target_semaphore(%run_scoped3A_189 : memref<!tpu.dma_semaphore, #tpu.memory_space<semaphore_mem>>)
      %dma_wait3A_194 = arith.constant 0 : i32
      %dma_wait3A_195 = tpu.memref_slice %arg11[%add3A_4, %dma_wait3A_194] : memref<10240x128xf32, #tpu.memory_space<vmem_shared>> -> memref<128x128xf32, #tpu.memory_space<vmem_shared>>
      %dma_wait3A_196 = arith.constant 0 : i32
      %dma_wait3A_197 = tpu.memref_slice %arg11[%add3A_4, %dma_wait3A_196] : memref<10240x128xf32, #tpu.memory_space<vmem_shared>> -> memref<128x128xf32, #tpu.memory_space<vmem_shared>>
      tpu.wait_dma2 semaphore(%run_scoped3A_189 : memref<!tpu.dma_semaphore, #tpu.memory_space<semaphore_mem>>) src(%arg9 : memref<128x128xf32, #tpu.memory_space<vmem>>) dst(%dma_wait3A_197 : memref<128x128xf32, #tpu.memory_space<vmem_shared>>)
      tpu.yield
    }) : () -> ()
    %mul3A_5 = arith.constant 640 : i32
    %mul3A_6 = arith.muli %arg1, %mul3A_5 : i32
    %add3A_7 = arith.constant 128 : i32
    %add3A_8 = arith.addi %mul3A_6, %add3A_7 : i32
    "tpu.region"() ({
      %run_scoped3A_189 = tpu.sem_alloc : memref<!tpu.dma_semaphore, #tpu.memory_space<semaphore_mem>>
      %dma_start3A_190 = arith.constant 0 : i32
      %dma_start3A_191 = tpu.memref_slice %arg11[%add3A_8, %dma_start3A_190] : memref<10240x128xf32, #tpu.memory_space<vmem_shared>> -> memref<128x128xf32, #tpu.memory_space<vmem_shared>>
      %dma_start3A_192 = arith.constant 0 : i32
      %dma_start3A_193 = tpu.memref_slice %arg11[%add3A_8, %dma_start3A_192] : memref<10240x128xf32, #tpu.memory_space<vmem_shared>> -> memref<128x128xf32, #tpu.memory_space<vmem_shared>>
      tpu.enqueue_dma source(%arg9 : memref<128x128xf32, #tpu.memory_space<vmem>>) target(%dma_start3A_193 : memref<128x128xf32, #tpu.memory_space<vmem_shared>>) target_semaphore(%run_scoped3A_189 : memref<!tpu.dma_semaphore, #tpu.memory_space<semaphore_mem>>)
      %dma_wait3A_194 = arith.constant 0 : i32
      %dma_wait3A_195 = tpu.memref_slice %arg11[%add3A_8, %dma_wait3A_194] : memref<10240x128xf32, #tpu.memory_space<vmem_shared>> -> memref<128x128xf32, #tpu.memory_space<vmem_shared>>
      %dma_wait3A_196 = arith.constant 0 : i32
      %dma_wait3A_197 = tpu.memref_slice %arg11[%add3A_8, %dma_wait3A_196] : memref<10240x128xf32, #tpu.memory_space<vmem_shared>> -> memref<128x128xf32, #tpu.memory_space<vmem_shared>>
      tpu.wait_dma2 semaphore(%run_scoped3A_189 : memref<!tpu.dma_semaphore, #tpu.memory_space<semaphore_mem>>) src(%arg9 : memref<128x128xf32, #tpu.memory_space<vmem>>) dst(%dma_wait3A_197 : memref<128x128xf32, #tpu.memory_space<vmem_shared>>)
      tpu.yield
    }) : () -> ()
    %mul3A_9 = arith.constant 640 : i32
    %mul3A_10 = arith.muli %arg1, %mul3A_9 : i32
    %add3A_11 = arith.constant 256 : i32
    %add3A_12 = arith.addi %mul3A_10, %add3A_11 : i32
    "tpu.region"() ({
      %run_scoped3A_189 = tpu.sem_alloc : memref<!tpu.dma_semaphore, #tpu.memory_space<semaphore_mem>>
      %dma_start3A_190 = arith.constant 0 : i32
      %dma_start3A_191 = tpu.memref_slice %arg11[%add3A_12, %dma_start3A_190] : memref<10240x128xf32, #tpu.memory_space<vmem_shared>> -> memref<128x128xf32, #tpu.memory_space<vmem_shared>>
      %dma_start3A_192 = arith.constant 0 : i32
      %dma_start3A_193 = tpu.memref_slice %arg11[%add3A_12, %dma_start3A_192] : memref<10240x128xf32, #tpu.memory_space<vmem_shared>> -> memref<128x128xf32, #tpu.memory_space<vmem_shared>>
      tpu.enqueue_dma source(%arg9 : memref<128x128xf32, #tpu.memory_space<vmem>>) target(%dma_start3A_193 : memref<128x128xf32, #tpu.memory_space<vmem_shared>>) target_semaphore(%run_scoped3A_189 : memref<!tpu.dma_semaphore, #tpu.memory_space<semaphore_mem>>)
      %dma_wait3A_194 = arith.constant 0 : i32
      %dma_wait3A_195 = tpu.memref_slice %arg11[%add3A_12, %dma_wait3A_194] : memref<10240x128xf32, #tpu.memory_space<vmem_shared>> -> memref<128x128xf32, #tpu.memory_space<vmem_shared>>
      %dma_wait3A_196 = arith.constant 0 : i32
      %dma_wait3A_197 = tpu.memref_slice %arg11[%add3A_12, %dma_wait3A_196] : memref<10240x128xf32, #tpu.memory_space<vmem_shared>> -> memref<128x128xf32, #tpu.memory_space<vmem_shared>>
      tpu.wait_dma2 semaphore(%run_scoped3A_189 : memref<!tpu.dma_semaphore, #tpu.memory_space<semaphore_mem>>) src(%arg9 : memref<128x128xf32, #tpu.memory_space<vmem>>) dst(%dma_wait3A_197 : memref<128x128xf32, #tpu.memory_space<vmem_shared>>)
      tpu.yield
    }) : () -> ()
    %mul3A_13 = arith.constant 640 : i32
    %mul3A_14 = arith.muli %arg1, %mul3A_13 : i32
    %add3A_15 = arith.constant 384 : i32
    %add3A_16 = arith.addi %mul3A_14, %add3A_15 : i32
    "tpu.region"() ({
      %run_scoped3A_189 = tpu.sem_alloc : memref<!tpu.dma_semaphore, #tpu.memory_space<semaphore_mem>>
      %dma_start3A_190 = arith.constant 0 : i32
      %dma_start3A_191 = tpu.memref_slice %arg11[%add3A_16, %dma_start3A_190] : memref<10240x128xf32, #tpu.memory_space<vmem_shared>> -> memref<128x128xf32, #tpu.memory_space<vmem_shared>>
      %dma_start3A_192 = arith.constant 0 : i32
      %dma_start3A_193 = tpu.memref_slice %arg11[%add3A_16, %dma_start3A_192] : memref<10240x128xf32, #tpu.memory_space<vmem_shared>> -> memref<128x128xf32, #tpu.memory_space<vmem_shared>>
      tpu.enqueue_dma source(%arg9 : memref<128x128xf32, #tpu.memory_space<vmem>>) target(%dma_start3A_193 : memref<128x128xf32, #tpu.memory_space<vmem_shared>>) target_semaphore(%run_scoped3A_189 : memref<!tpu.dma_semaphore, #tpu.memory_space<semaphore_mem>>)
      %dma_wait3A_194 = arith.constant 0 : i32
      %dma_wait3A_195 = tpu.memref_slice %arg11[%add3A_16, %dma_wait3A_194] : memref<10240x128xf32, #tpu.memory_space<vmem_shared>> -> memref<128x128xf32, #tpu.memory_space<vmem_shared>>
      %dma_wait3A_196 = arith.constant 0 : i32
      %dma_wait3A_197 = tpu.memref_slice %arg11[%add3A_16, %dma_wait3A_196] : memref<10240x128xf32, #tpu.memory_space<vmem_shared>> -> memref<128x128xf32, #tpu.memory_space<vmem_shared>>
      tpu.wait_dma2 semaphore(%run_scoped3A_189 : memref<!tpu.dma_semaphore, #tpu.memory_space<semaphore_mem>>) src(%arg9 : memref<128x128xf32, #tpu.memory_space<vmem>>) dst(%dma_wait3A_197 : memref<128x128xf32, #tpu.memory_space<vmem_shared>>)
      tpu.yield
    }) : () -> ()
    %mul3A_17 = arith.constant 640 : i32
    %mul3A_18 = arith.muli %arg1, %mul3A_17 : i32
    %add3A_19 = arith.constant 512 : i32
    %add3A_20 = arith.addi %mul3A_18, %add3A_19 : i32
    "tpu.region"() ({
      %run_scoped3A_189 = tpu.sem_alloc : memref<!tpu.dma_semaphore, #tpu.memory_space<semaphore_mem>>
      %dma_start3A_190 = arith.constant 0 : i32
      %dma_start3A_191 = tpu.memref_slice %arg11[%add3A_20, %dma_start3A_190] : memref<10240x128xf32, #tpu.memory_space<vmem_shared>> -> memref<128x128xf32, #tpu.memory_space<vmem_shared>>
      %dma_start3A_192 = arith.constant 0 : i32
      %dma_start3A_193 = tpu.memref_slice %arg11[%add3A_20, %dma_start3A_192] : memref<10240x128xf32, #tpu.memory_space<vmem_shared>> -> memref<128x128xf32, #tpu.memory_space<vmem_shared>>
      tpu.enqueue_dma source(%arg9 : memref<128x128xf32, #tpu.memory_space<vmem>>) target(%dma_start3A_193 : memref<128x128xf32, #tpu.memory_space<vmem_shared>>) target_semaphore(%run_scoped3A_189 : memref<!tpu.dma_semaphore, #tpu.memory_space<semaphore_mem>>)
      %dma_wait3A_194 = arith.constant 0 : i32
      %dma_wait3A_195 = tpu.memref_slice %arg11[%add3A_20, %dma_wait3A_194] : memref<10240x128xf32, #tpu.memory_space<vmem_shared>> -> memref<128x128xf32, #tpu.memory_space<vmem_shared>>
      %dma_wait3A_196 = arith.constant 0 : i32
      %dma_wait3A_197 = tpu.memref_slice %arg11[%add3A_20, %dma_wait3A_196] : memref<10240x128xf32, #tpu.memory_space<vmem_shared>> -> memref<128x128xf32, #tpu.memory_space<vmem_shared>>
      tpu.wait_dma2 semaphore(%run_scoped3A_189 : memref<!tpu.dma_semaphore, #tpu.memory_space<semaphore_mem>>) src(%arg9 : memref<128x128xf32, #tpu.memory_space<vmem>>) dst(%dma_wait3A_197 : memref<128x128xf32, #tpu.memory_space<vmem_shared>>)
      tpu.yield
    }) : () -> ()
    %run_scoped3A = arith.constant 0 : i32
    %run_scoped3A_21 = arith.constant 0 : i32
    "tpu.region"() ({
      %run_scoped3A_189 = tpu.sem_alloc : memref<!tpu.dma_semaphore, #tpu.memory_space<semaphore_mem>>
      %dma_start3A_190 = arith.constant 0 : i32
      %dma_start3A_191 = tpu.memref_slice %arg7[%run_scoped3A_21, %dma_start3A_190] : memref<2x128xi32, #tpu.memory_space<vmem>> -> memref<1x128xi32, #tpu.memory_space<vmem>>
      %dma_start3A_192 = tpu.memref_squeeze %dma_start3A_191 : memref<1x128xi32, #tpu.memory_space<vmem>> -> memref<128xi32, #tpu.memory_space<vmem>>
      %dma_start3A_193 = arith.constant 0 : i32
      %dma_start3A_194 = tpu.memref_slice %arg3[%add3A, %run_scoped3A, %dma_start3A_193] : memref<32x80x128xi32, #tpu.memory_space<hbm>> -> memref<1x1x128xi32, #tpu.memory_space<hbm>>
      %dma_start3A_195 = tpu.memref_squeeze %dma_start3A_194 : memref<1x1x128xi32, #tpu.memory_space<hbm>> -> memref<128xi32, #tpu.memory_space<hbm>>
      %dma_start3A_196 = arith.constant 0 : i32
      %dma_start3A_197 = tpu.memref_slice %arg7[%run_scoped3A_21, %dma_start3A_196] : memref<2x128xi32, #tpu.memory_space<vmem>> -> memref<1x128xi32, #tpu.memory_space<vmem>>
      %dma_start3A_198 = tpu.memref_squeeze %dma_start3A_197 : memref<1x128xi32, #tpu.memory_space<vmem>> -> memref<128xi32, #tpu.memory_space<vmem>>
      %dma_start3A_199 = arith.constant 0 : i32
      %dma_start3A_200 = tpu.memref_slice %arg3[%add3A, %run_scoped3A, %dma_start3A_199] : memref<32x80x128xi32, #tpu.memory_space<hbm>> -> memref<1x1x128xi32, #tpu.memory_space<hbm>>
      %dma_start3A_201 = tpu.memref_squeeze %dma_start3A_200 : memref<1x1x128xi32, #tpu.memory_space<hbm>> -> memref<128xi32, #tpu.memory_space<hbm>>
      tpu.enqueue_dma source(%dma_start3A_201 : memref<128xi32, #tpu.memory_space<hbm>>) target(%dma_start3A_198 : memref<128xi32, #tpu.memory_space<vmem>>) target_semaphore(%run_scoped3A_189 : memref<!tpu.dma_semaphore, #tpu.memory_space<semaphore_mem>>)
      %dma_wait3A_202 = arith.constant 0 : i32
      %dma_wait3A_203 = tpu.memref_slice %arg7[%run_scoped3A_21, %dma_wait3A_202] : memref<2x128xi32, #tpu.memory_space<vmem>> -> memref<1x128xi32, #tpu.memory_space<vmem>>
      %dma_wait3A_204 = tpu.memref_squeeze %dma_wait3A_203 : memref<1x128xi32, #tpu.memory_space<vmem>> -> memref<128xi32, #tpu.memory_space<vmem>>
      %dma_wait3A_205 = arith.constant 0 : i32
      %dma_wait3A_206 = tpu.memref_slice %arg3[%add3A, %run_scoped3A, %dma_wait3A_205] : memref<32x80x128xi32, #tpu.memory_space<hbm>> -> memref<1x1x128xi32, #tpu.memory_space<hbm>>
      %dma_wait3A_207 = tpu.memref_squeeze %dma_wait3A_206 : memref<1x1x128xi32, #tpu.memory_space<hbm>> -> memref<128xi32, #tpu.memory_space<hbm>>
      %dma_wait3A_208 = arith.constant 0 : i32
      %dma_wait3A_209 = tpu.memref_slice %arg7[%run_scoped3A_21, %dma_wait3A_208] : memref<2x128xi32, #tpu.memory_space<vmem>> -> memref<1x128xi32, #tpu.memory_space<vmem>>
      %dma_wait3A_210 = tpu.memref_squeeze %dma_wait3A_209 : memref<1x128xi32, #tpu.memory_space<vmem>> -> memref<128xi32, #tpu.memory_space<vmem>>
      %dma_wait3A_211 = arith.constant 0 : i32
      %dma_wait3A_212 = tpu.memref_slice %arg3[%add3A, %run_scoped3A, %dma_wait3A_211] : memref<32x80x128xi32, #tpu.memory_space<hbm>> -> memref<1x1x128xi32, #tpu.memory_space<hbm>>
      %dma_wait3A_213 = tpu.memref_squeeze %dma_wait3A_212 : memref<1x1x128xi32, #tpu.memory_space<hbm>> -> memref<128xi32, #tpu.memory_space<hbm>>
      tpu.wait_dma2 semaphore(%run_scoped3A_189 : memref<!tpu.dma_semaphore, #tpu.memory_space<semaphore_mem>>) src(%dma_wait3A_213 : memref<128xi32, #tpu.memory_space<hbm>>) dst(%dma_wait3A_210 : memref<128xi32, #tpu.memory_space<vmem>>)
      tpu.yield
    }) : () -> ()
    %dma_start3A = arith.constant 0 : i32
    %dma_start3A_22 = arith.constant 0 : i32
    %dma_start3A_23 = tpu.memref_slice %arg7[%dma_start3A, %dma_start3A_22] : memref<2x128xi32, #tpu.memory_space<vmem>> -> memref<1x128xi32, #tpu.memory_space<vmem>>
    %dma_start3A_24 = tpu.memref_squeeze %dma_start3A_23 : memref<1x128xi32, #tpu.memory_space<vmem>> -> memref<128xi32, #tpu.memory_space<vmem>>
    %dma_start3A_25 = arith.constant 0 : i32
    %dma_start3A_26 = arith.constant 0 : i32
    %dma_start3A_27 = tpu.memref_slice %arg2[%dma_start3A_25, %dma_start3A_26] : memref<10000x128xf32, #tpu.memory_space<hbm>> -> memref<10000x128xf32, #tpu.memory_space<hbm>>
    tpu.enqueue_indirect_dma source(%dma_start3A_27 : memref<10000x128xf32, #tpu.memory_space<hbm>>) target(%arg9 : memref<128x128xf32, #tpu.memory_space<vmem>>) offsets(%dma_start3A_24 : memref<128xi32, #tpu.memory_space<vmem>>) semaphore(%arg12 : memref<!tpu.dma_semaphore, #tpu.memory_space<semaphore_mem>>)
    %dma_start3A_28 = arith.constant 1 : i32
    %dma_start3A_29 = arith.constant 1 : i32
    %dma_start3A_30 = arith.constant 0 : i32
    %dma_start3A_31 = tpu.memref_slice %arg7[%dma_start3A_29, %dma_start3A_30] : memref<2x128xi32, #tpu.memory_space<vmem>> -> memref<1x128xi32, #tpu.memory_space<vmem>>
    %dma_start3A_32 = tpu.memref_squeeze %dma_start3A_31 : memref<1x128xi32, #tpu.memory_space<vmem>> -> memref<128xi32, #tpu.memory_space<vmem>>
    %dma_start3A_33 = arith.constant 0 : i32
    %dma_start3A_34 = tpu.memref_slice %arg3[%add3A, %dma_start3A_28, %dma_start3A_33] : memref<32x80x128xi32, #tpu.memory_space<hbm>> -> memref<1x1x128xi32, #tpu.memory_space<hbm>>
    %dma_start3A_35 = tpu.memref_squeeze %dma_start3A_34 : memref<1x1x128xi32, #tpu.memory_space<hbm>> -> memref<128xi32, #tpu.memory_space<hbm>>
    %dma_start3A_36 = arith.constant 0 : i32
    %dma_start3A_37 = tpu.memref_slice %arg7[%dma_start3A_29, %dma_start3A_36] : memref<2x128xi32, #tpu.memory_space<vmem>> -> memref<1x128xi32, #tpu.memory_space<vmem>>
    %dma_start3A_38 = tpu.memref_squeeze %dma_start3A_37 : memref<1x128xi32, #tpu.memory_space<vmem>> -> memref<128xi32, #tpu.memory_space<vmem>>
    %dma_start3A_39 = arith.constant 0 : i32
    %dma_start3A_40 = tpu.memref_slice %arg3[%add3A, %dma_start3A_28, %dma_start3A_39] : memref<32x80x128xi32, #tpu.memory_space<hbm>> -> memref<1x1x128xi32, #tpu.memory_space<hbm>>
    %dma_start3A_41 = tpu.memref_squeeze %dma_start3A_40 : memref<1x1x128xi32, #tpu.memory_space<hbm>> -> memref<128xi32, #tpu.memory_space<hbm>>
    tpu.enqueue_dma source(%dma_start3A_41 : memref<128xi32, #tpu.memory_space<hbm>>) target(%dma_start3A_38 : memref<128xi32, #tpu.memory_space<vmem>>) target_semaphore(%arg15 : memref<!tpu.dma_semaphore, #tpu.memory_space<semaphore_mem>>)
    %barrier3A = arith.constant 0 : index
    tpu.barrier barrier_id(%barrier3A)
    %scan3A = arith.constant 0 : i32
    %scan3A_42 = arith.constant 0 : i32
    %scan3A_43 = arith.constant 39 : i32
    %scan3A_44 = arith.addi %scan3A_42, %scan3A_43 : i32
    %scan3A_45 = arith.constant 1 : i32
    scf.for %scan3A_189 = %scan3A_42 to %scan3A_44 step %scan3A_45  : i32 {
      %mul3A_190 = arith.constant 2 : i32
      %mul3A_191 = arith.muli %mul3A_190, %scan3A_189 : i32
      %dma_wait3A_192 = arith.constant 0 : i32
      %dma_wait3A_193 = arith.constant 0 : i32
      %dma_wait3A_194 = tpu.memref_slice %arg7[%dma_wait3A_192, %dma_wait3A_193] : memref<2x128xi32, #tpu.memory_space<vmem>> -> memref<1x128xi32, #tpu.memory_space<vmem>>
      %dma_wait3A_195 = tpu.memref_squeeze %dma_wait3A_194 : memref<1x128xi32, #tpu.memory_space<vmem>> -> memref<128xi32, #tpu.memory_space<vmem>>
      %dma_wait3A_196 = arith.constant 0 : i32
      %dma_wait3A_197 = arith.constant 0 : i32
      %dma_wait3A_198 = tpu.memref_slice %arg2[%dma_wait3A_196, %dma_wait3A_197] : memref<10000x128xf32, #tpu.memory_space<hbm>> -> memref<10000x128xf32, #tpu.memory_space<hbm>>
      tpu.wait_indirect_dma semaphore(%arg12 : memref<!tpu.dma_semaphore, #tpu.memory_space<semaphore_mem>>) src(%dma_wait3A_198 : memref<10000x128xf32, #tpu.memory_space<hbm>>) dst(%arg9 : memref<128x128xf32, #tpu.memory_space<vmem>>)
      %dma_wait3A_199 = arith.constant 0 : i32
      %dma_wait3A_200 = arith.constant 1 : i32
      %dma_wait3A_201 = arith.constant 0 : i32
      %dma_wait3A_202 = tpu.memref_slice %arg7[%dma_wait3A_200, %dma_wait3A_201] : memref<2x128xi32, #tpu.memory_space<vmem>> -> memref<1x128xi32, #tpu.memory_space<vmem>>
      %dma_wait3A_203 = tpu.memref_squeeze %dma_wait3A_202 : memref<1x128xi32, #tpu.memory_space<vmem>> -> memref<128xi32, #tpu.memory_space<vmem>>
      %dma_wait3A_204 = arith.constant 0 : i32
      %dma_wait3A_205 = tpu.memref_slice %arg3[%add3A, %dma_wait3A_199, %dma_wait3A_204] : memref<32x80x128xi32, #tpu.memory_space<hbm>> -> memref<1x1x128xi32, #tpu.memory_space<hbm>>
      %dma_wait3A_206 = tpu.memref_squeeze %dma_wait3A_205 : memref<1x1x128xi32, #tpu.memory_space<hbm>> -> memref<128xi32, #tpu.memory_space<hbm>>
      %dma_wait3A_207 = arith.constant 0 : i32
      %dma_wait3A_208 = tpu.memref_slice %arg7[%dma_wait3A_200, %dma_wait3A_207] : memref<2x128xi32, #tpu.memory_space<vmem>> -> memref<1x128xi32, #tpu.memory_space<vmem>>
      %dma_wait3A_209 = tpu.memref_squeeze %dma_wait3A_208 : memref<1x128xi32, #tpu.memory_space<vmem>> -> memref<128xi32, #tpu.memory_space<vmem>>
      %dma_wait3A_210 = arith.constant 0 : i32
      %dma_wait3A_211 = tpu.memref_slice %arg3[%add3A, %dma_wait3A_199, %dma_wait3A_210] : memref<32x80x128xi32, #tpu.memory_space<hbm>> -> memref<1x1x128xi32, #tpu.memory_space<hbm>>
      %dma_wait3A_212 = tpu.memref_squeeze %dma_wait3A_211 : memref<1x1x128xi32, #tpu.memory_space<hbm>> -> memref<128xi32, #tpu.memory_space<hbm>>
      tpu.wait_dma2 semaphore(%arg15 : memref<!tpu.dma_semaphore, #tpu.memory_space<semaphore_mem>>) src(%dma_wait3A_212 : memref<128xi32, #tpu.memory_space<hbm>>) dst(%dma_wait3A_209 : memref<128xi32, #tpu.memory_space<vmem>>)
      %dma_start3A_213 = arith.constant 1 : i32
      %dma_start3A_214 = arith.constant 0 : i32
      %dma_start3A_215 = tpu.memref_slice %arg7[%dma_start3A_213, %dma_start3A_214] : memref<2x128xi32, #tpu.memory_space<vmem>> -> memref<1x128xi32, #tpu.memory_space<vmem>>
      %dma_start3A_216 = tpu.memref_squeeze %dma_start3A_215 : memref<1x128xi32, #tpu.memory_space<vmem>> -> memref<128xi32, #tpu.memory_space<vmem>>
      %dma_start3A_217 = arith.constant 0 : i32
      %dma_start3A_218 = arith.constant 0 : i32
      %dma_start3A_219 = tpu.memref_slice %arg2[%dma_start3A_217, %dma_start3A_218] : memref<10000x128xf32, #tpu.memory_space<hbm>> -> memref<10000x128xf32, #tpu.memory_space<hbm>>
      tpu.enqueue_indirect_dma source(%dma_start3A_219 : memref<10000x128xf32, #tpu.memory_space<hbm>>) target(%arg10 : memref<128x128xf32, #tpu.memory_space<vmem>>) offsets(%dma_start3A_216 : memref<128xi32, #tpu.memory_space<vmem>>) semaphore(%arg13 : memref<!tpu.dma_semaphore, #tpu.memory_space<semaphore_mem>>)
      %add3A_220 = arith.constant 2 : i32
      %add3A_221 = arith.addi %mul3A_191, %add3A_220 : i32
      %dma_start3A_222 = arith.constant 0 : i32
      %dma_start3A_223 = arith.constant 0 : i32
      %dma_start3A_224 = tpu.memref_slice %arg7[%dma_start3A_222, %dma_start3A_223] : memref<2x128xi32, #tpu.memory_space<vmem>> -> memref<1x128xi32, #tpu.memory_space<vmem>>
      %dma_start3A_225 = tpu.memref_squeeze %dma_start3A_224 : memref<1x128xi32, #tpu.memory_space<vmem>> -> memref<128xi32, #tpu.memory_space<vmem>>
      %dma_start3A_226 = arith.constant 0 : i32
      %dma_start3A_227 = tpu.memref_slice %arg3[%add3A, %add3A_221, %dma_start3A_226] : memref<32x80x128xi32, #tpu.memory_space<hbm>> -> memref<1x1x128xi32, #tpu.memory_space<hbm>>
      %dma_start3A_228 = tpu.memref_squeeze %dma_start3A_227 : memref<1x1x128xi32, #tpu.memory_space<hbm>> -> memref<128xi32, #tpu.memory_space<hbm>>
      %dma_start3A_229 = arith.constant 0 : i32
      %dma_start3A_230 = tpu.memref_slice %arg7[%dma_start3A_222, %dma_start3A_229] : memref<2x128xi32, #tpu.memory_space<vmem>> -> memref<1x128xi32, #tpu.memory_space<vmem>>
      %dma_start3A_231 = tpu.memref_squeeze %dma_start3A_230 : memref<1x128xi32, #tpu.memory_space<vmem>> -> memref<128xi32, #tpu.memory_space<vmem>>
      %dma_start3A_232 = arith.constant 0 : i32
      %dma_start3A_233 = tpu.memref_slice %arg3[%add3A, %add3A_221, %dma_start3A_232] : memref<32x80x128xi32, #tpu.memory_space<hbm>> -> memref<1x1x128xi32, #tpu.memory_space<hbm>>
      %dma_start3A_234 = tpu.memref_squeeze %dma_start3A_233 : memref<1x1x128xi32, #tpu.memory_space<hbm>> -> memref<128xi32, #tpu.memory_space<hbm>>
      tpu.enqueue_dma source(%dma_start3A_234 : memref<128xi32, #tpu.memory_space<hbm>>) target(%dma_start3A_231 : memref<128xi32, #tpu.memory_space<vmem>>) target_semaphore(%arg14 : memref<!tpu.dma_semaphore, #tpu.memory_space<semaphore_mem>>)
      "tpu.region"() ({
        %run_scoped3A_280 = tpu.sem_alloc : memref<!tpu.dma_semaphore, #tpu.memory_space<semaphore_mem>>
        %dma_start3A_281 = arith.constant 0 : i32
        %dma_start3A_282 = tpu.memref_slice %arg8[%mul3A_191, %dma_start3A_281] : memref<79x128xi32, #tpu.memory_space<vmem>> -> memref<1x128xi32, #tpu.memory_space<vmem>>
        %dma_start3A_283 = tpu.memref_squeeze %dma_start3A_282 : memref<1x128xi32, #tpu.memory_space<vmem>> -> memref<128xi32, #tpu.memory_space<vmem>>
        %dma_start3A_284 = arith.constant 0 : i32
        %dma_start3A_285 = arith.constant 0 : i32
        %dma_start3A_286 = tpu.memref_slice %arg11[%dma_start3A_284, %dma_start3A_285] : memref<10240x128xf32, #tpu.memory_space<vmem_shared>> -> memref<10240x128xf32, #tpu.memory_space<vmem_shared>>
        tpu.enqueue_indirect_dma source(%arg9 : memref<128x128xf32, #tpu.memory_space<vmem>>) target(%dma_start3A_286 : memref<10240x128xf32, #tpu.memory_space<vmem_shared>>) offsets(%dma_start3A_283 : memref<128xi32, #tpu.memory_space<vmem>>) semaphore(%run_scoped3A_280 : memref<!tpu.dma_semaphore, #tpu.memory_space<semaphore_mem>>) {add = true}
        %dma_wait3A_287 = arith.constant 0 : i32
        %dma_wait3A_288 = tpu.memref_slice %arg8[%mul3A_191, %dma_wait3A_287] : memref<79x128xi32, #tpu.memory_space<vmem>> -> memref<1x128xi32, #tpu.memory_space<vmem>>
        %dma_wait3A_289 = tpu.memref_squeeze %dma_wait3A_288 : memref<1x128xi32, #tpu.memory_space<vmem>> -> memref<128xi32, #tpu.memory_space<vmem>>
        %dma_wait3A_290 = arith.constant 0 : i32
        %dma_wait3A_291 = arith.constant 0 : i32
        %dma_wait3A_292 = tpu.memref_slice %arg11[%dma_wait3A_290, %dma_wait3A_291] : memref<10240x128xf32, #tpu.memory_space<vmem_shared>> -> memref<10240x128xf32, #tpu.memory_space<vmem_shared>>
        tpu.wait_indirect_dma semaphore(%run_scoped3A_280 : memref<!tpu.dma_semaphore, #tpu.memory_space<semaphore_mem>>) src(%arg9 : memref<128x128xf32, #tpu.memory_space<vmem>>) dst(%dma_wait3A_292 : memref<10240x128xf32, #tpu.memory_space<vmem_shared>>)
        tpu.yield
      }) : () -> ()
      %dma_wait3A_235 = arith.constant 1 : i32
      %dma_wait3A_236 = arith.constant 0 : i32
      %dma_wait3A_237 = tpu.memref_slice %arg7[%dma_wait3A_235, %dma_wait3A_236] : memref<2x128xi32, #tpu.memory_space<vmem>> -> memref<1x128xi32, #tpu.memory_space<vmem>>
      %dma_wait3A_238 = tpu.memref_squeeze %dma_wait3A_237 : memref<1x128xi32, #tpu.memory_space<vmem>> -> memref<128xi32, #tpu.memory_space<vmem>>
      %dma_wait3A_239 = arith.constant 0 : i32
      %dma_wait3A_240 = arith.constant 0 : i32
      %dma_wait3A_241 = tpu.memref_slice %arg2[%dma_wait3A_239, %dma_wait3A_240] : memref<10000x128xf32, #tpu.memory_space<hbm>> -> memref<10000x128xf32, #tpu.memory_space<hbm>>
      tpu.wait_indirect_dma semaphore(%arg13 : memref<!tpu.dma_semaphore, #tpu.memory_space<semaphore_mem>>) src(%dma_wait3A_241 : memref<10000x128xf32, #tpu.memory_space<hbm>>) dst(%arg10 : memref<128x128xf32, #tpu.memory_space<vmem>>)
      %dma_wait3A_242 = arith.constant 0 : i32
      %dma_wait3A_243 = arith.constant 0 : i32
      %dma_wait3A_244 = arith.constant 0 : i32
      %dma_wait3A_245 = tpu.memref_slice %arg7[%dma_wait3A_243, %dma_wait3A_244] : memref<2x128xi32, #tpu.memory_space<vmem>> -> memref<1x128xi32, #tpu.memory_space<vmem>>
      %dma_wait3A_246 = tpu.memref_squeeze %dma_wait3A_245 : memref<1x128xi32, #tpu.memory_space<vmem>> -> memref<128xi32, #tpu.memory_space<vmem>>
      %dma_wait3A_247 = arith.constant 0 : i32
      %dma_wait3A_248 = tpu.memref_slice %arg3[%add3A, %dma_wait3A_242, %dma_wait3A_247] : memref<32x80x128xi32, #tpu.memory_space<hbm>> -> memref<1x1x128xi32, #tpu.memory_space<hbm>>
      %dma_wait3A_249 = tpu.memref_squeeze %dma_wait3A_248 : memref<1x1x128xi32, #tpu.memory_space<hbm>> -> memref<128xi32, #tpu.memory_space<hbm>>
      %dma_wait3A_250 = arith.constant 0 : i32
      %dma_wait3A_251 = tpu.memref_slice %arg7[%dma_wait3A_243, %dma_wait3A_250] : memref<2x128xi32, #tpu.memory_space<vmem>> -> memref<1x128xi32, #tpu.memory_space<vmem>>
      %dma_wait3A_252 = tpu.memref_squeeze %dma_wait3A_251 : memref<1x128xi32, #tpu.memory_space<vmem>> -> memref<128xi32, #tpu.memory_space<vmem>>
      %dma_wait3A_253 = arith.constant 0 : i32
      %dma_wait3A_254 = tpu.memref_slice %arg3[%add3A, %dma_wait3A_242, %dma_wait3A_253] : memref<32x80x128xi32, #tpu.memory_space<hbm>> -> memref<1x1x128xi32, #tpu.memory_space<hbm>>
      %dma_wait3A_255 = tpu.memref_squeeze %dma_wait3A_254 : memref<1x1x128xi32, #tpu.memory_space<hbm>> -> memref<128xi32, #tpu.memory_space<hbm>>
      tpu.wait_dma2 semaphore(%arg14 : memref<!tpu.dma_semaphore, #tpu.memory_space<semaphore_mem>>) src(%dma_wait3A_255 : memref<128xi32, #tpu.memory_space<hbm>>) dst(%dma_wait3A_252 : memref<128xi32, #tpu.memory_space<vmem>>)
      %dma_start3A_256 = arith.constant 0 : i32
      %dma_start3A_257 = arith.constant 0 : i32
      %dma_start3A_258 = tpu.memref_slice %arg7[%dma_start3A_256, %dma_start3A_257] : memref<2x128xi32, #tpu.memory_space<vmem>> -> memref<1x128xi32, #tpu.memory_space<vmem>>
      %dma_start3A_259 = tpu.memref_squeeze %dma_start3A_258 : memref<1x128xi32, #tpu.memory_space<vmem>> -> memref<128xi32, #tpu.memory_space<vmem>>
      %dma_start3A_260 = arith.constant 0 : i32
      %dma_start3A_261 = arith.constant 0 : i32
      %dma_start3A_262 = tpu.memref_slice %arg2[%dma_start3A_260, %dma_start3A_261] : memref<10000x128xf32, #tpu.memory_space<hbm>> -> memref<10000x128xf32, #tpu.memory_space<hbm>>
      tpu.enqueue_indirect_dma source(%dma_start3A_262 : memref<10000x128xf32, #tpu.memory_space<hbm>>) target(%arg9 : memref<128x128xf32, #tpu.memory_space<vmem>>) offsets(%dma_start3A_259 : memref<128xi32, #tpu.memory_space<vmem>>) semaphore(%arg12 : memref<!tpu.dma_semaphore, #tpu.memory_space<semaphore_mem>>)
      %add3A_263 = arith.constant 3 : i32
      %add3A_264 = arith.addi %mul3A_191, %add3A_263 : i32
      %dma_start3A_265 = arith.constant 1 : i32
      %dma_start3A_266 = arith.constant 0 : i32
      %dma_start3A_267 = tpu.memref_slice %arg7[%dma_start3A_265, %dma_start3A_266] : memref<2x128xi32, #tpu.memory_space<vmem>> -> memref<1x128xi32, #tpu.memory_space<vmem>>
      %dma_start3A_268 = tpu.memref_squeeze %dma_start3A_267 : memref<1x128xi32, #tpu.memory_space<vmem>> -> memref<128xi32, #tpu.memory_space<vmem>>
      %dma_start3A_269 = arith.constant 0 : i32
      %dma_start3A_270 = tpu.memref_slice %arg3[%add3A, %add3A_264, %dma_start3A_269] : memref<32x80x128xi32, #tpu.memory_space<hbm>> -> memref<1x1x128xi32, #tpu.memory_space<hbm>>
      %dma_start3A_271 = tpu.memref_squeeze %dma_start3A_270 : memref<1x1x128xi32, #tpu.memory_space<hbm>> -> memref<128xi32, #tpu.memory_space<hbm>>
      %dma_start3A_272 = arith.constant 0 : i32
      %dma_start3A_273 = tpu.memref_slice %arg7[%dma_start3A_265, %dma_start3A_272] : memref<2x128xi32, #tpu.memory_space<vmem>> -> memref<1x128xi32, #tpu.memory_space<vmem>>
      %dma_start3A_274 = tpu.memref_squeeze %dma_start3A_273 : memref<1x128xi32, #tpu.memory_space<vmem>> -> memref<128xi32, #tpu.memory_space<vmem>>
      %dma_start3A_275 = arith.constant 0 : i32
      %dma_start3A_276 = tpu.memref_slice %arg3[%add3A, %add3A_264, %dma_start3A_275] : memref<32x80x128xi32, #tpu.memory_space<hbm>> -> memref<1x1x128xi32, #tpu.memory_space<hbm>>
      %dma_start3A_277 = tpu.memref_squeeze %dma_start3A_276 : memref<1x1x128xi32, #tpu.memory_space<hbm>> -> memref<128xi32, #tpu.memory_space<hbm>>
      tpu.enqueue_dma source(%dma_start3A_277 : memref<128xi32, #tpu.memory_space<hbm>>) target(%dma_start3A_274 : memref<128xi32, #tpu.memory_space<vmem>>) target_semaphore(%arg15 : memref<!tpu.dma_semaphore, #tpu.memory_space<semaphore_mem>>)
      %add3A_278 = arith.constant 1 : i32
      %add3A_279 = arith.addi %mul3A_191, %add3A_278 : i32
      "tpu.region"() ({
        %run_scoped3A_280 = tpu.sem_alloc : memref<!tpu.dma_semaphore, #tpu.memory_space<semaphore_mem>>
        %dma_start3A_281 = arith.constant 0 : i32
        %dma_start3A_282 = tpu.memref_slice %arg8[%add3A_279, %dma_start3A_281] : memref<79x128xi32, #tpu.memory_space<vmem>> -> memref<1x128xi32, #tpu.memory_space<vmem>>
        %dma_start3A_283 = tpu.memref_squeeze %dma_start3A_282 : memref<1x128xi32, #tpu.memory_space<vmem>> -> memref<128xi32, #tpu.memory_space<vmem>>
        %dma_start3A_284 = arith.constant 0 : i32
        %dma_start3A_285 = arith.constant 0 : i32
        %dma_start3A_286 = tpu.memref_slice %arg11[%dma_start3A_284, %dma_start3A_285] : memref<10240x128xf32, #tpu.memory_space<vmem_shared>> -> memref<10240x128xf32, #tpu.memory_space<vmem_shared>>
        tpu.enqueue_indirect_dma source(%arg10 : memref<128x128xf32, #tpu.memory_space<vmem>>) target(%dma_start3A_286 : memref<10240x128xf32, #tpu.memory_space<vmem_shared>>) offsets(%dma_start3A_283 : memref<128xi32, #tpu.memory_space<vmem>>) semaphore(%run_scoped3A_280 : memref<!tpu.dma_semaphore, #tpu.memory_space<semaphore_mem>>) {add = true}
        %dma_wait3A_287 = arith.constant 0 : i32
        %dma_wait3A_288 = tpu.memref_slice %arg8[%add3A_279, %dma_wait3A_287] : memref<79x128xi32, #tpu.memory_space<vmem>> -> memref<1x128xi32, #tpu.memory_space<vmem>>
        %dma_wait3A_289 = tpu.memref_squeeze %dma_wait3A_288 : memref<1x128xi32, #tpu.memory_space<vmem>> -> memref<128xi32, #tpu.memory_space<vmem>>
        %dma_wait3A_290 = arith.constant 0 : i32
        %dma_wait3A_291 = arith.constant 0 : i32
        %dma_wait3A_292 = tpu.memref_slice %arg11[%dma_wait3A_290, %dma_wait3A_291] : memref<10240x128xf32, #tpu.memory_space<vmem_shared>> -> memref<10240x128xf32, #tpu.memory_space<vmem_shared>>
        tpu.wait_indirect_dma semaphore(%run_scoped3A_280 : memref<!tpu.dma_semaphore, #tpu.memory_space<semaphore_mem>>) src(%arg10 : memref<128x128xf32, #tpu.memory_space<vmem>>) dst(%dma_wait3A_292 : memref<10240x128xf32, #tpu.memory_space<vmem_shared>>)
        tpu.yield
      }) : () -> ()
    }
    %scan3A_46 = arith.constant 39 : i32
    %dma_wait3A = arith.constant 0 : i32
    %dma_wait3A_47 = arith.constant 0 : i32
    %dma_wait3A_48 = tpu.memref_slice %arg7[%dma_wait3A, %dma_wait3A_47] : memref<2x128xi32, #tpu.memory_space<vmem>> -> memref<1x128xi32, #tpu.memory_space<vmem>>
    %dma_wait3A_49 = tpu.memref_squeeze %dma_wait3A_48 : memref<1x128xi32, #tpu.memory_space<vmem>> -> memref<128xi32, #tpu.memory_space<vmem>>
    %dma_wait3A_50 = arith.constant 0 : i32
    %dma_wait3A_51 = arith.constant 0 : i32
    %dma_wait3A_52 = tpu.memref_slice %arg2[%dma_wait3A_50, %dma_wait3A_51] : memref<10000x128xf32, #tpu.memory_space<hbm>> -> memref<10000x128xf32, #tpu.memory_space<hbm>>
    tpu.wait_indirect_dma semaphore(%arg12 : memref<!tpu.dma_semaphore, #tpu.memory_space<semaphore_mem>>) src(%dma_wait3A_52 : memref<10000x128xf32, #tpu.memory_space<hbm>>) dst(%arg9 : memref<128x128xf32, #tpu.memory_space<vmem>>)
    %run_scoped3A_53 = arith.constant 78 : i32
    "tpu.region"() ({
      %run_scoped3A_189 = tpu.sem_alloc : memref<!tpu.dma_semaphore, #tpu.memory_space<semaphore_mem>>
      %dma_start3A_190 = arith.constant 0 : i32
      %dma_start3A_191 = tpu.memref_slice %arg8[%run_scoped3A_53, %dma_start3A_190] : memref<79x128xi32, #tpu.memory_space<vmem>> -> memref<1x128xi32, #tpu.memory_space<vmem>>
      %dma_start3A_192 = tpu.memref_squeeze %dma_start3A_191 : memref<1x128xi32, #tpu.memory_space<vmem>> -> memref<128xi32, #tpu.memory_space<vmem>>
      %dma_start3A_193 = arith.constant 0 : i32
      %dma_start3A_194 = arith.constant 0 : i32
      %dma_start3A_195 = tpu.memref_slice %arg11[%dma_start3A_193, %dma_start3A_194] : memref<10240x128xf32, #tpu.memory_space<vmem_shared>> -> memref<10240x128xf32, #tpu.memory_space<vmem_shared>>
      tpu.enqueue_indirect_dma source(%arg9 : memref<128x128xf32, #tpu.memory_space<vmem>>) target(%dma_start3A_195 : memref<10240x128xf32, #tpu.memory_space<vmem_shared>>) offsets(%dma_start3A_192 : memref<128xi32, #tpu.memory_space<vmem>>) semaphore(%run_scoped3A_189 : memref<!tpu.dma_semaphore, #tpu.memory_space<semaphore_mem>>) {add = true}
      %dma_wait3A_196 = arith.constant 0 : i32
      %dma_wait3A_197 = tpu.memref_slice %arg8[%run_scoped3A_53, %dma_wait3A_196] : memref<79x128xi32, #tpu.memory_space<vmem>> -> memref<1x128xi32, #tpu.memory_space<vmem>>
      %dma_wait3A_198 = tpu.memref_squeeze %dma_wait3A_197 : memref<1x128xi32, #tpu.memory_space<vmem>> -> memref<128xi32, #tpu.memory_space<vmem>>
      %dma_wait3A_199 = arith.constant 0 : i32
      %dma_wait3A_200 = arith.constant 0 : i32
      %dma_wait3A_201 = tpu.memref_slice %arg11[%dma_wait3A_199, %dma_wait3A_200] : memref<10240x128xf32, #tpu.memory_space<vmem_shared>> -> memref<10240x128xf32, #tpu.memory_space<vmem_shared>>
      tpu.wait_indirect_dma semaphore(%run_scoped3A_189 : memref<!tpu.dma_semaphore, #tpu.memory_space<semaphore_mem>>) src(%arg9 : memref<128x128xf32, #tpu.memory_space<vmem>>) dst(%dma_wait3A_201 : memref<10240x128xf32, #tpu.memory_space<vmem_shared>>)
      tpu.yield
    }) : () -> ()
    %dma_wait3A_54 = arith.constant 0 : i32
    %dma_wait3A_55 = arith.constant 1 : i32
    %dma_wait3A_56 = arith.constant 0 : i32
    %dma_wait3A_57 = tpu.memref_slice %arg7[%dma_wait3A_55, %dma_wait3A_56] : memref<2x128xi32, #tpu.memory_space<vmem>> -> memref<1x128xi32, #tpu.memory_space<vmem>>
    %dma_wait3A_58 = tpu.memref_squeeze %dma_wait3A_57 : memref<1x128xi32, #tpu.memory_space<vmem>> -> memref<128xi32, #tpu.memory_space<vmem>>
    %dma_wait3A_59 = arith.constant 0 : i32
    %dma_wait3A_60 = tpu.memref_slice %arg3[%add3A, %dma_wait3A_54, %dma_wait3A_59] : memref<32x80x128xi32, #tpu.memory_space<hbm>> -> memref<1x1x128xi32, #tpu.memory_space<hbm>>
    %dma_wait3A_61 = tpu.memref_squeeze %dma_wait3A_60 : memref<1x1x128xi32, #tpu.memory_space<hbm>> -> memref<128xi32, #tpu.memory_space<hbm>>
    %dma_wait3A_62 = arith.constant 0 : i32
    %dma_wait3A_63 = tpu.memref_slice %arg7[%dma_wait3A_55, %dma_wait3A_62] : memref<2x128xi32, #tpu.memory_space<vmem>> -> memref<1x128xi32, #tpu.memory_space<vmem>>
    %dma_wait3A_64 = tpu.memref_squeeze %dma_wait3A_63 : memref<1x128xi32, #tpu.memory_space<vmem>> -> memref<128xi32, #tpu.memory_space<vmem>>
    %dma_wait3A_65 = arith.constant 0 : i32
    %dma_wait3A_66 = tpu.memref_slice %arg3[%add3A, %dma_wait3A_54, %dma_wait3A_65] : memref<32x80x128xi32, #tpu.memory_space<hbm>> -> memref<1x1x128xi32, #tpu.memory_space<hbm>>
    %dma_wait3A_67 = tpu.memref_squeeze %dma_wait3A_66 : memref<1x1x128xi32, #tpu.memory_space<hbm>> -> memref<128xi32, #tpu.memory_space<hbm>>
    tpu.wait_dma2 semaphore(%arg15 : memref<!tpu.dma_semaphore, #tpu.memory_space<semaphore_mem>>) src(%dma_wait3A_67 : memref<128xi32, #tpu.memory_space<hbm>>) dst(%dma_wait3A_64 : memref<128xi32, #tpu.memory_space<vmem>>)
    %barrier3A_68 = arith.constant 0 : index
    tpu.barrier barrier_id(%barrier3A_68)
    %mul3A_69 = arith.constant 640 : i32
    %mul3A_70 = arith.muli %arg1, %mul3A_69 : i32
    %add3A_71 = arith.constant 0 : i32
    %add3A_72 = arith.addi %mul3A_70, %add3A_71 : i32
    "tpu.region"() ({
      %run_scoped3A_189 = tpu.sem_alloc : memref<!tpu.dma_semaphore, #tpu.memory_space<semaphore_mem>>
      %dma_start3A_190 = arith.constant 0 : i32
      %dma_start3A_191 = tpu.memref_slice %arg11[%add3A_72, %dma_start3A_190] : memref<10240x128xf32, #tpu.memory_space<vmem_shared>> -> memref<128x128xf32, #tpu.memory_space<vmem_shared>>
      %dma_start3A_192 = arith.constant 0 : i32
      %dma_start3A_193 = tpu.memref_slice %arg11[%add3A_72, %dma_start3A_192] : memref<10240x128xf32, #tpu.memory_space<vmem_shared>> -> memref<128x128xf32, #tpu.memory_space<vmem_shared>>
      tpu.enqueue_dma source(%dma_start3A_193 : memref<128x128xf32, #tpu.memory_space<vmem_shared>>) target(%arg9 : memref<128x128xf32, #tpu.memory_space<vmem>>) target_semaphore(%run_scoped3A_189 : memref<!tpu.dma_semaphore, #tpu.memory_space<semaphore_mem>>)
      %dma_wait3A_194 = arith.constant 0 : i32
      %dma_wait3A_195 = tpu.memref_slice %arg11[%add3A_72, %dma_wait3A_194] : memref<10240x128xf32, #tpu.memory_space<vmem_shared>> -> memref<128x128xf32, #tpu.memory_space<vmem_shared>>
      %dma_wait3A_196 = arith.constant 0 : i32
      %dma_wait3A_197 = tpu.memref_slice %arg11[%add3A_72, %dma_wait3A_196] : memref<10240x128xf32, #tpu.memory_space<vmem_shared>> -> memref<128x128xf32, #tpu.memory_space<vmem_shared>>
      tpu.wait_dma2 semaphore(%run_scoped3A_189 : memref<!tpu.dma_semaphore, #tpu.memory_space<semaphore_mem>>) src(%dma_wait3A_197 : memref<128x128xf32, #tpu.memory_space<vmem_shared>>) dst(%arg9 : memref<128x128xf32, #tpu.memory_space<vmem>>)
      tpu.yield
    }) : () -> ()
    %mul3A_73 = arith.constant 640 : i32
    %mul3A_74 = arith.muli %arg1, %mul3A_73 : i32
    %add3A_75 = arith.constant 0 : i32
    %add3A_76 = arith.addi %mul3A_74, %add3A_75 : i32
    %dma_start3A_77 = arith.constant 0 : i32
    %dma_start3A_78 = tpu.memref_slice %arg6[%arg0, %add3A_76, %dma_start3A_77] : memref<2x10240x128xf32, #tpu.memory_space<hbm>> -> memref<1x128x128xf32, #tpu.memory_space<hbm>>
    %dma_start3A_79 = tpu.memref_squeeze %dma_start3A_78 : memref<1x128x128xf32, #tpu.memory_space<hbm>> -> memref<128x128xf32, #tpu.memory_space<hbm>>
    %dma_start3A_80 = arith.constant 0 : i32
    %dma_start3A_81 = tpu.memref_slice %arg6[%arg0, %add3A_76, %dma_start3A_80] : memref<2x10240x128xf32, #tpu.memory_space<hbm>> -> memref<1x128x128xf32, #tpu.memory_space<hbm>>
    %dma_start3A_82 = tpu.memref_squeeze %dma_start3A_81 : memref<1x128x128xf32, #tpu.memory_space<hbm>> -> memref<128x128xf32, #tpu.memory_space<hbm>>
    tpu.enqueue_dma source(%arg9 : memref<128x128xf32, #tpu.memory_space<vmem>>) target(%dma_start3A_82 : memref<128x128xf32, #tpu.memory_space<hbm>>) target_semaphore(%arg12 : memref<!tpu.dma_semaphore, #tpu.memory_space<semaphore_mem>>)
    %mul3A_83 = arith.constant 640 : i32
    %mul3A_84 = arith.muli %arg1, %mul3A_83 : i32
    %add3A_85 = arith.constant 128 : i32
    %add3A_86 = arith.addi %mul3A_84, %add3A_85 : i32
    "tpu.region"() ({
      %run_scoped3A_189 = tpu.sem_alloc : memref<!tpu.dma_semaphore, #tpu.memory_space<semaphore_mem>>
      %dma_start3A_190 = arith.constant 0 : i32
      %dma_start3A_191 = tpu.memref_slice %arg11[%add3A_86, %dma_start3A_190] : memref<10240x128xf32, #tpu.memory_space<vmem_shared>> -> memref<128x128xf32, #tpu.memory_space<vmem_shared>>
      %dma_start3A_192 = arith.constant 0 : i32
      %dma_start3A_193 = tpu.memref_slice %arg11[%add3A_86, %dma_start3A_192] : memref<10240x128xf32, #tpu.memory_space<vmem_shared>> -> memref<128x128xf32, #tpu.memory_space<vmem_shared>>
      tpu.enqueue_dma source(%dma_start3A_193 : memref<128x128xf32, #tpu.memory_space<vmem_shared>>) target(%arg10 : memref<128x128xf32, #tpu.memory_space<vmem>>) target_semaphore(%run_scoped3A_189 : memref<!tpu.dma_semaphore, #tpu.memory_space<semaphore_mem>>)
      %dma_wait3A_194 = arith.constant 0 : i32
      %dma_wait3A_195 = tpu.memref_slice %arg11[%add3A_86, %dma_wait3A_194] : memref<10240x128xf32, #tpu.memory_space<vmem_shared>> -> memref<128x128xf32, #tpu.memory_space<vmem_shared>>
      %dma_wait3A_196 = arith.constant 0 : i32
      %dma_wait3A_197 = tpu.memref_slice %arg11[%add3A_86, %dma_wait3A_196] : memref<10240x128xf32, #tpu.memory_space<vmem_shared>> -> memref<128x128xf32, #tpu.memory_space<vmem_shared>>
      tpu.wait_dma2 semaphore(%run_scoped3A_189 : memref<!tpu.dma_semaphore, #tpu.memory_space<semaphore_mem>>) src(%dma_wait3A_197 : memref<128x128xf32, #tpu.memory_space<vmem_shared>>) dst(%arg10 : memref<128x128xf32, #tpu.memory_space<vmem>>)
      tpu.yield
    }) : () -> ()
    %mul3A_87 = arith.constant 640 : i32
    %mul3A_88 = arith.muli %arg1, %mul3A_87 : i32
    %add3A_89 = arith.constant 128 : i32
    %add3A_90 = arith.addi %mul3A_88, %add3A_89 : i32
    %dma_start3A_91 = arith.constant 0 : i32
    %dma_start3A_92 = tpu.memref_slice %arg6[%arg0, %add3A_90, %dma_start3A_91] : memref<2x10240x128xf32, #tpu.memory_space<hbm>> -> memref<1x128x128xf32, #tpu.memory_space<hbm>>
    %dma_start3A_93 = tpu.memref_squeeze %dma_start3A_92 : memref<1x128x128xf32, #tpu.memory_space<hbm>> -> memref<128x128xf32, #tpu.memory_space<hbm>>
    %dma_start3A_94 = arith.constant 0 : i32
    %dma_start3A_95 = tpu.memref_slice %arg6[%arg0, %add3A_90, %dma_start3A_94] : memref<2x10240x128xf32, #tpu.memory_space<hbm>> -> memref<1x128x128xf32, #tpu.memory_space<hbm>>
    %dma_start3A_96 = tpu.memref_squeeze %dma_start3A_95 : memref<1x128x128xf32, #tpu.memory_space<hbm>> -> memref<128x128xf32, #tpu.memory_space<hbm>>
    tpu.enqueue_dma source(%arg10 : memref<128x128xf32, #tpu.memory_space<vmem>>) target(%dma_start3A_96 : memref<128x128xf32, #tpu.memory_space<hbm>>) target_semaphore(%arg13 : memref<!tpu.dma_semaphore, #tpu.memory_space<semaphore_mem>>)
    %mul3A_97 = arith.constant 640 : i32
    %mul3A_98 = arith.muli %arg1, %mul3A_97 : i32
    %add3A_99 = arith.constant 0 : i32
    %add3A_100 = arith.addi %mul3A_98, %add3A_99 : i32
    %dma_wait3A_101 = arith.constant 0 : i32
    %dma_wait3A_102 = tpu.memref_slice %arg6[%arg0, %add3A_100, %dma_wait3A_101] : memref<2x10240x128xf32, #tpu.memory_space<hbm>> -> memref<1x128x128xf32, #tpu.memory_space<hbm>>
    %dma_wait3A_103 = tpu.memref_squeeze %dma_wait3A_102 : memref<1x128x128xf32, #tpu.memory_space<hbm>> -> memref<128x128xf32, #tpu.memory_space<hbm>>
    %dma_wait3A_104 = arith.constant 0 : i32
    %dma_wait3A_105 = tpu.memref_slice %arg6[%arg0, %add3A_100, %dma_wait3A_104] : memref<2x10240x128xf32, #tpu.memory_space<hbm>> -> memref<1x128x128xf32, #tpu.memory_space<hbm>>
    %dma_wait3A_106 = tpu.memref_squeeze %dma_wait3A_105 : memref<1x128x128xf32, #tpu.memory_space<hbm>> -> memref<128x128xf32, #tpu.memory_space<hbm>>
    tpu.wait_dma2 semaphore(%arg12 : memref<!tpu.dma_semaphore, #tpu.memory_space<semaphore_mem>>) src(%arg9 : memref<128x128xf32, #tpu.memory_space<vmem>>) dst(%dma_wait3A_106 : memref<128x128xf32, #tpu.memory_space<hbm>>)
    %mul3A_107 = arith.constant 640 : i32
    %mul3A_108 = arith.muli %arg1, %mul3A_107 : i32
    %add3A_109 = arith.constant 256 : i32
    %add3A_110 = arith.addi %mul3A_108, %add3A_109 : i32
    "tpu.region"() ({
      %run_scoped3A_189 = tpu.sem_alloc : memref<!tpu.dma_semaphore, #tpu.memory_space<semaphore_mem>>
      %dma_start3A_190 = arith.constant 0 : i32
      %dma_start3A_191 = tpu.memref_slice %arg11[%add3A_110, %dma_start3A_190] : memref<10240x128xf32, #tpu.memory_space<vmem_shared>> -> memref<128x128xf32, #tpu.memory_space<vmem_shared>>
      %dma_start3A_192 = arith.constant 0 : i32
      %dma_start3A_193 = tpu.memref_slice %arg11[%add3A_110, %dma_start3A_192] : memref<10240x128xf32, #tpu.memory_space<vmem_shared>> -> memref<128x128xf32, #tpu.memory_space<vmem_shared>>
      tpu.enqueue_dma source(%dma_start3A_193 : memref<128x128xf32, #tpu.memory_space<vmem_shared>>) target(%arg9 : memref<128x128xf32, #tpu.memory_space<vmem>>) target_semaphore(%run_scoped3A_189 : memref<!tpu.dma_semaphore, #tpu.memory_space<semaphore_mem>>)
      %dma_wait3A_194 = arith.constant 0 : i32
      %dma_wait3A_195 = tpu.memref_slice %arg11[%add3A_110, %dma_wait3A_194] : memref<10240x128xf32, #tpu.memory_space<vmem_shared>> -> memref<128x128xf32, #tpu.memory_space<vmem_shared>>
      %dma_wait3A_196 = arith.constant 0 : i32
      %dma_wait3A_197 = tpu.memref_slice %arg11[%add3A_110, %dma_wait3A_196] : memref<10240x128xf32, #tpu.memory_space<vmem_shared>> -> memref<128x128xf32, #tpu.memory_space<vmem_shared>>
      tpu.wait_dma2 semaphore(%run_scoped3A_189 : memref<!tpu.dma_semaphore, #tpu.memory_space<semaphore_mem>>) src(%dma_wait3A_197 : memref<128x128xf32, #tpu.memory_space<vmem_shared>>) dst(%arg9 : memref<128x128xf32, #tpu.memory_space<vmem>>)
      tpu.yield
    }) : () -> ()
    %mul3A_111 = arith.constant 640 : i32
    %mul3A_112 = arith.muli %arg1, %mul3A_111 : i32
    %add3A_113 = arith.constant 256 : i32
    %add3A_114 = arith.addi %mul3A_112, %add3A_113 : i32
    %dma_start3A_115 = arith.constant 0 : i32
    %dma_start3A_116 = tpu.memref_slice %arg6[%arg0, %add3A_114, %dma_start3A_115] : memref<2x10240x128xf32, #tpu.memory_space<hbm>> -> memref<1x128x128xf32, #tpu.memory_space<hbm>>
    %dma_start3A_117 = tpu.memref_squeeze %dma_start3A_116 : memref<1x128x128xf32, #tpu.memory_space<hbm>> -> memref<128x128xf32, #tpu.memory_space<hbm>>
    %dma_start3A_118 = arith.constant 0 : i32
    %dma_start3A_119 = tpu.memref_slice %arg6[%arg0, %add3A_114, %dma_start3A_118] : memref<2x10240x128xf32, #tpu.memory_space<hbm>> -> memref<1x128x128xf32, #tpu.memory_space<hbm>>
    %dma_start3A_120 = tpu.memref_squeeze %dma_start3A_119 : memref<1x128x128xf32, #tpu.memory_space<hbm>> -> memref<128x128xf32, #tpu.memory_space<hbm>>
    tpu.enqueue_dma source(%arg9 : memref<128x128xf32, #tpu.memory_space<vmem>>) target(%dma_start3A_120 : memref<128x128xf32, #tpu.memory_space<hbm>>) target_semaphore(%arg12 : memref<!tpu.dma_semaphore, #tpu.memory_space<semaphore_mem>>)
    %mul3A_121 = arith.constant 640 : i32
    %mul3A_122 = arith.muli %arg1, %mul3A_121 : i32
    %add3A_123 = arith.constant 128 : i32
    %add3A_124 = arith.addi %mul3A_122, %add3A_123 : i32
    %dma_wait3A_125 = arith.constant 0 : i32
    %dma_wait3A_126 = tpu.memref_slice %arg6[%arg0, %add3A_124, %dma_wait3A_125] : memref<2x10240x128xf32, #tpu.memory_space<hbm>> -> memref<1x128x128xf32, #tpu.memory_space<hbm>>
    %dma_wait3A_127 = tpu.memref_squeeze %dma_wait3A_126 : memref<1x128x128xf32, #tpu.memory_space<hbm>> -> memref<128x128xf32, #tpu.memory_space<hbm>>
    %dma_wait3A_128 = arith.constant 0 : i32
    %dma_wait3A_129 = tpu.memref_slice %arg6[%arg0, %add3A_124, %dma_wait3A_128] : memref<2x10240x128xf32, #tpu.memory_space<hbm>> -> memref<1x128x128xf32, #tpu.memory_space<hbm>>
    %dma_wait3A_130 = tpu.memref_squeeze %dma_wait3A_129 : memref<1x128x128xf32, #tpu.memory_space<hbm>> -> memref<128x128xf32, #tpu.memory_space<hbm>>
    tpu.wait_dma2 semaphore(%arg13 : memref<!tpu.dma_semaphore, #tpu.memory_space<semaphore_mem>>) src(%arg10 : memref<128x128xf32, #tpu.memory_space<vmem>>) dst(%dma_wait3A_130 : memref<128x128xf32, #tpu.memory_space<hbm>>)
    %mul3A_131 = arith.constant 640 : i32
    %mul3A_132 = arith.muli %arg1, %mul3A_131 : i32
    %add3A_133 = arith.constant 384 : i32
    %add3A_134 = arith.addi %mul3A_132, %add3A_133 : i32
    "tpu.region"() ({
      %run_scoped3A_189 = tpu.sem_alloc : memref<!tpu.dma_semaphore, #tpu.memory_space<semaphore_mem>>
      %dma_start3A_190 = arith.constant 0 : i32
      %dma_start3A_191 = tpu.memref_slice %arg11[%add3A_134, %dma_start3A_190] : memref<10240x128xf32, #tpu.memory_space<vmem_shared>> -> memref<128x128xf32, #tpu.memory_space<vmem_shared>>
      %dma_start3A_192 = arith.constant 0 : i32
      %dma_start3A_193 = tpu.memref_slice %arg11[%add3A_134, %dma_start3A_192] : memref<10240x128xf32, #tpu.memory_space<vmem_shared>> -> memref<128x128xf32, #tpu.memory_space<vmem_shared>>
      tpu.enqueue_dma source(%dma_start3A_193 : memref<128x128xf32, #tpu.memory_space<vmem_shared>>) target(%arg10 : memref<128x128xf32, #tpu.memory_space<vmem>>) target_semaphore(%run_scoped3A_189 : memref<!tpu.dma_semaphore, #tpu.memory_space<semaphore_mem>>)
      %dma_wait3A_194 = arith.constant 0 : i32
      %dma_wait3A_195 = tpu.memref_slice %arg11[%add3A_134, %dma_wait3A_194] : memref<10240x128xf32, #tpu.memory_space<vmem_shared>> -> memref<128x128xf32, #tpu.memory_space<vmem_shared>>
      %dma_wait3A_196 = arith.constant 0 : i32
      %dma_wait3A_197 = tpu.memref_slice %arg11[%add3A_134, %dma_wait3A_196] : memref<10240x128xf32, #tpu.memory_space<vmem_shared>> -> memref<128x128xf32, #tpu.memory_space<vmem_shared>>
      tpu.wait_dma2 semaphore(%run_scoped3A_189 : memref<!tpu.dma_semaphore, #tpu.memory_space<semaphore_mem>>) src(%dma_wait3A_197 : memref<128x128xf32, #tpu.memory_space<vmem_shared>>) dst(%arg10 : memref<128x128xf32, #tpu.memory_space<vmem>>)
      tpu.yield
    }) : () -> ()
    %mul3A_135 = arith.constant 640 : i32
    %mul3A_136 = arith.muli %arg1, %mul3A_135 : i32
    %add3A_137 = arith.constant 384 : i32
    %add3A_138 = arith.addi %mul3A_136, %add3A_137 : i32
    %dma_start3A_139 = arith.constant 0 : i32
    %dma_start3A_140 = tpu.memref_slice %arg6[%arg0, %add3A_138, %dma_start3A_139] : memref<2x10240x128xf32, #tpu.memory_space<hbm>> -> memref<1x128x128xf32, #tpu.memory_space<hbm>>
    %dma_start3A_141 = tpu.memref_squeeze %dma_start3A_140 : memref<1x128x128xf32, #tpu.memory_space<hbm>> -> memref<128x128xf32, #tpu.memory_space<hbm>>
    %dma_start3A_142 = arith.constant 0 : i32
    %dma_start3A_143 = tpu.memref_slice %arg6[%arg0, %add3A_138, %dma_start3A_142] : memref<2x10240x128xf32, #tpu.memory_space<hbm>> -> memref<1x128x128xf32, #tpu.memory_space<hbm>>
    %dma_start3A_144 = tpu.memref_squeeze %dma_start3A_143 : memref<1x128x128xf32, #tpu.memory_space<hbm>> -> memref<128x128xf32, #tpu.memory_space<hbm>>
    tpu.enqueue_dma source(%arg10 : memref<128x128xf32, #tpu.memory_space<vmem>>) target(%dma_start3A_144 : memref<128x128xf32, #tpu.memory_space<hbm>>) target_semaphore(%arg13 : memref<!tpu.dma_semaphore, #tpu.memory_space<semaphore_mem>>)
    %mul3A_145 = arith.constant 640 : i32
    %mul3A_146 = arith.muli %arg1, %mul3A_145 : i32
    %add3A_147 = arith.constant 256 : i32
    %add3A_148 = arith.addi %mul3A_146, %add3A_147 : i32
    %dma_wait3A_149 = arith.constant 0 : i32
    %dma_wait3A_150 = tpu.memref_slice %arg6[%arg0, %add3A_148, %dma_wait3A_149] : memref<2x10240x128xf32, #tpu.memory_space<hbm>> -> memref<1x128x128xf32, #tpu.memory_space<hbm>>
    %dma_wait3A_151 = tpu.memref_squeeze %dma_wait3A_150 : memref<1x128x128xf32, #tpu.memory_space<hbm>> -> memref<128x128xf32, #tpu.memory_space<hbm>>
    %dma_wait3A_152 = arith.constant 0 : i32
    %dma_wait3A_153 = tpu.memref_slice %arg6[%arg0, %add3A_148, %dma_wait3A_152] : memref<2x10240x128xf32, #tpu.memory_space<hbm>> -> memref<1x128x128xf32, #tpu.memory_space<hbm>>
    %dma_wait3A_154 = tpu.memref_squeeze %dma_wait3A_153 : memref<1x128x128xf32, #tpu.memory_space<hbm>> -> memref<128x128xf32, #tpu.memory_space<hbm>>
    tpu.wait_dma2 semaphore(%arg12 : memref<!tpu.dma_semaphore, #tpu.memory_space<semaphore_mem>>) src(%arg9 : memref<128x128xf32, #tpu.memory_space<vmem>>) dst(%dma_wait3A_154 : memref<128x128xf32, #tpu.memory_space<hbm>>)
    %mul3A_155 = arith.constant 640 : i32
    %mul3A_156 = arith.muli %arg1, %mul3A_155 : i32
    %add3A_157 = arith.constant 512 : i32
    %add3A_158 = arith.addi %mul3A_156, %add3A_157 : i32
    "tpu.region"() ({
      %run_scoped3A_189 = tpu.sem_alloc : memref<!tpu.dma_semaphore, #tpu.memory_space<semaphore_mem>>
      %dma_start3A_190 = arith.constant 0 : i32
      %dma_start3A_191 = tpu.memref_slice %arg11[%add3A_158, %dma_start3A_190] : memref<10240x128xf32, #tpu.memory_space<vmem_shared>> -> memref<128x128xf32, #tpu.memory_space<vmem_shared>>
      %dma_start3A_192 = arith.constant 0 : i32
      %dma_start3A_193 = tpu.memref_slice %arg11[%add3A_158, %dma_start3A_192] : memref<10240x128xf32, #tpu.memory_space<vmem_shared>> -> memref<128x128xf32, #tpu.memory_space<vmem_shared>>
      tpu.enqueue_dma source(%dma_start3A_193 : memref<128x128xf32, #tpu.memory_space<vmem_shared>>) target(%arg9 : memref<128x128xf32, #tpu.memory_space<vmem>>) target_semaphore(%run_scoped3A_189 : memref<!tpu.dma_semaphore, #tpu.memory_space<semaphore_mem>>)
      %dma_wait3A_194 = arith.constant 0 : i32
      %dma_wait3A_195 = tpu.memref_slice %arg11[%add3A_158, %dma_wait3A_194] : memref<10240x128xf32, #tpu.memory_space<vmem_shared>> -> memref<128x128xf32, #tpu.memory_space<vmem_shared>>
      %dma_wait3A_196 = arith.constant 0 : i32
      %dma_wait3A_197 = tpu.memref_slice %arg11[%add3A_158, %dma_wait3A_196] : memref<10240x128xf32, #tpu.memory_space<vmem_shared>> -> memref<128x128xf32, #tpu.memory_space<vmem_shared>>
      tpu.wait_dma2 semaphore(%run_scoped3A_189 : memref<!tpu.dma_semaphore, #tpu.memory_space<semaphore_mem>>) src(%dma_wait3A_197 : memref<128x128xf32, #tpu.memory_space<vmem_shared>>) dst(%arg9 : memref<128x128xf32, #tpu.memory_space<vmem>>)
      tpu.yield
    }) : () -> ()
    %mul3A_159 = arith.constant 640 : i32
    %mul3A_160 = arith.muli %arg1, %mul3A_159 : i32
    %add3A_161 = arith.constant 512 : i32
    %add3A_162 = arith.addi %mul3A_160, %add3A_161 : i32
    %dma_start3A_163 = arith.constant 0 : i32
    %dma_start3A_164 = tpu.memref_slice %arg6[%arg0, %add3A_162, %dma_start3A_163] : memref<2x10240x128xf32, #tpu.memory_space<hbm>> -> memref<1x128x128xf32, #tpu.memory_space<hbm>>
    %dma_start3A_165 = tpu.memref_squeeze %dma_start3A_164 : memref<1x128x128xf32, #tpu.memory_space<hbm>> -> memref<128x128xf32, #tpu.memory_space<hbm>>
    %dma_start3A_166 = arith.constant 0 : i32
    %dma_start3A_167 = tpu.memref_slice %arg6[%arg0, %add3A_162, %dma_start3A_166] : memref<2x10240x128xf32, #tpu.memory_space<hbm>> -> memref<1x128x128xf32, #tpu.memory_space<hbm>>
    %dma_start3A_168 = tpu.memref_squeeze %dma_start3A_167 : memref<1x128x128xf32, #tpu.memory_space<hbm>> -> memref<128x128xf32, #tpu.memory_space<hbm>>
    tpu.enqueue_dma source(%arg9 : memref<128x128xf32, #tpu.memory_space<vmem>>) target(%dma_start3A_168 : memref<128x128xf32, #tpu.memory_space<hbm>>) target_semaphore(%arg12 : memref<!tpu.dma_semaphore, #tpu.memory_space<semaphore_mem>>)
    %mul3A_169 = arith.constant 640 : i32
    %mul3A_170 = arith.muli %arg1, %mul3A_169 : i32
    %add3A_171 = arith.constant 384 : i32
    %add3A_172 = arith.addi %mul3A_170, %add3A_171 : i32
    %dma_wait3A_173 = arith.constant 0 : i32
    %dma_wait3A_174 = tpu.memref_slice %arg6[%arg0, %add3A_172, %dma_wait3A_173] : memref<2x10240x128xf32, #tpu.memory_space<hbm>> -> memref<1x128x128xf32, #tpu.memory_space<hbm>>
    %dma_wait3A_175 = tpu.memref_squeeze %dma_wait3A_174 : memref<1x128x128xf32, #tpu.memory_space<hbm>> -> memref<128x128xf32, #tpu.memory_space<hbm>>
    %dma_wait3A_176 = arith.constant 0 : i32
    %dma_wait3A_177 = tpu.memref_slice %arg6[%arg0, %add3A_172, %dma_wait3A_176] : memref<2x10240x128xf32, #tpu.memory_space<hbm>> -> memref<1x128x128xf32, #tpu.memory_space<hbm>>
    %dma_wait3A_178 = tpu.memref_squeeze %dma_wait3A_177 : memref<1x128x128xf32, #tpu.memory_space<hbm>> -> memref<128x128xf32, #tpu.memory_space<hbm>>
    tpu.wait_dma2 semaphore(%arg13 : memref<!tpu.dma_semaphore, #tpu.memory_space<semaphore_mem>>) src(%arg10 : memref<128x128xf32, #tpu.memory_space<vmem>>) dst(%dma_wait3A_178 : memref<128x128xf32, #tpu.memory_space<hbm>>)
    %mul3A_179 = arith.constant 640 : i32
    %mul3A_180 = arith.muli %arg1, %mul3A_179 : i32
    %add3A_181 = arith.constant 512 : i32
    %add3A_182 = arith.addi %mul3A_180, %add3A_181 : i32
    %dma_wait3A_183 = arith.constant 0 : i32
    %dma_wait3A_184 = tpu.memref_slice %arg6[%arg0, %add3A_182, %dma_wait3A_183] : memref<2x10240x128xf32, #tpu.memory_space<hbm>> -> memref<1x128x128xf32, #tpu.memory_space<hbm>>
    %dma_wait3A_185 = tpu.memref_squeeze %dma_wait3A_184 : memref<1x128x128xf32, #tpu.memory_space<hbm>> -> memref<128x128xf32, #tpu.memory_space<hbm>>
    %dma_wait3A_186 = arith.constant 0 : i32
    %dma_wait3A_187 = tpu.memref_slice %arg6[%arg0, %add3A_182, %dma_wait3A_186] : memref<2x10240x128xf32, #tpu.memory_space<hbm>> -> memref<1x128x128xf32, #tpu.memory_space<hbm>>
    %dma_wait3A_188 = tpu.memref_squeeze %dma_wait3A_187 : memref<1x128x128xf32, #tpu.memory_space<hbm>> -> memref<128x128xf32, #tpu.memory_space<hbm>>
    tpu.wait_dma2 semaphore(%arg12 : memref<!tpu.dma_semaphore, #tpu.memory_space<semaphore_mem>>) src(%arg9 : memref<128x128xf32, #tpu.memory_space<vmem>>) dst(%dma_wait3A_188 : memref<128x128xf32, #tpu.memory_space<hbm>>)
    return
  }
}

#map = affine_map<(d0, d1) -> (0, 0, 0)>
#map1 = affine_map<(d0, d1) -> (0)>
module attributes {stable_mosaic.version = 14 : i64} {
  func.func @_deg_kernel(%arg0: i32, %arg1: i32, %arg2: memref<32x79x128xi32, #tpu.memory_space<hbm>>, %arg3: memref<640xf32, #tpu.memory_space<hbm>>, %arg4: memref<128xf32, #tpu.memory_space<hbm>>, %arg5: memref<20480xf32, #tpu.memory_space<hbm>>, %arg6: memref<79x128xi32, #tpu.memory_space<vmem>>, %arg7: memref<128xf32, #tpu.memory_space<vmem>>, %arg8: memref<640xf32, #tpu.memory_space<vmem>>, %arg9: memref<10240xf32, #tpu.memory_space<vmem_shared>>) attributes {dimension_semantics = [#tpu.dimension_semantics<core_parallel>, #tpu.dimension_semantics<subcore_parallel>], iteration_bounds = array<i64: 2, 16>, scalar_prefetch = 0 : i64, scratch_operands = 4 : i64, tpu.core_type = #tpu.core_type<sc_vector_subcore>, window_params = [{transform_indices = #map}, {transform_indices = #map1}, {transform_indices = #map1}, {transform_indices = #map1}]} {
    %mul3A = arith.constant 16 : i32
    %mul3A_0 = arith.muli %arg0, %mul3A : i32
    %add3A = arith.addi %mul3A_0, %arg1 : i32
    "tpu.region"() ({
      %run_scoped3A = tpu.sem_alloc : memref<!tpu.dma_semaphore, #tpu.memory_space<semaphore_mem>>
      %dma_start3A = arith.constant 0 : i32
      %dma_start3A_16 = arith.constant 0 : i32
      %dma_start3A_17 = tpu.memref_slice %arg2[%add3A, %dma_start3A, %dma_start3A_16] : memref<32x79x128xi32, #tpu.memory_space<hbm>> -> memref<1x79x128xi32, #tpu.memory_space<hbm>>
      %dma_start3A_18 = tpu.memref_squeeze %dma_start3A_17 : memref<1x79x128xi32, #tpu.memory_space<hbm>> -> memref<79x128xi32, #tpu.memory_space<hbm>>
      %dma_start3A_19 = arith.constant 0 : i32
      %dma_start3A_20 = arith.constant 0 : i32
      %dma_start3A_21 = tpu.memref_slice %arg2[%add3A, %dma_start3A_19, %dma_start3A_20] : memref<32x79x128xi32, #tpu.memory_space<hbm>> -> memref<1x79x128xi32, #tpu.memory_space<hbm>>
      %dma_start3A_22 = tpu.memref_squeeze %dma_start3A_21 : memref<1x79x128xi32, #tpu.memory_space<hbm>> -> memref<79x128xi32, #tpu.memory_space<hbm>>
      tpu.enqueue_dma source(%dma_start3A_22 : memref<79x128xi32, #tpu.memory_space<hbm>>) target(%arg6 : memref<79x128xi32, #tpu.memory_space<vmem>>) target_semaphore(%run_scoped3A : memref<!tpu.dma_semaphore, #tpu.memory_space<semaphore_mem>>)
      %dma_wait3A = arith.constant 0 : i32
      %dma_wait3A_23 = arith.constant 0 : i32
      %dma_wait3A_24 = tpu.memref_slice %arg2[%add3A, %dma_wait3A, %dma_wait3A_23] : memref<32x79x128xi32, #tpu.memory_space<hbm>> -> memref<1x79x128xi32, #tpu.memory_space<hbm>>
      %dma_wait3A_25 = tpu.memref_squeeze %dma_wait3A_24 : memref<1x79x128xi32, #tpu.memory_space<hbm>> -> memref<79x128xi32, #tpu.memory_space<hbm>>
      %dma_wait3A_26 = arith.constant 0 : i32
      %dma_wait3A_27 = arith.constant 0 : i32
      %dma_wait3A_28 = tpu.memref_slice %arg2[%add3A, %dma_wait3A_26, %dma_wait3A_27] : memref<32x79x128xi32, #tpu.memory_space<hbm>> -> memref<1x79x128xi32, #tpu.memory_space<hbm>>
      %dma_wait3A_29 = tpu.memref_squeeze %dma_wait3A_28 : memref<1x79x128xi32, #tpu.memory_space<hbm>> -> memref<79x128xi32, #tpu.memory_space<hbm>>
      tpu.wait_dma2 semaphore(%run_scoped3A : memref<!tpu.dma_semaphore, #tpu.memory_space<semaphore_mem>>) src(%dma_wait3A_29 : memref<79x128xi32, #tpu.memory_space<hbm>>) dst(%arg6 : memref<79x128xi32, #tpu.memory_space<vmem>>)
      tpu.yield
    }) : () -> ()
    "tpu.region"() ({
      %run_scoped3A = tpu.sem_alloc : memref<!tpu.dma_semaphore, #tpu.memory_space<semaphore_mem>>
      tpu.enqueue_dma source(%arg4 : memref<128xf32, #tpu.memory_space<hbm>>) target(%arg7 : memref<128xf32, #tpu.memory_space<vmem>>) target_semaphore(%run_scoped3A : memref<!tpu.dma_semaphore, #tpu.memory_space<semaphore_mem>>)
      tpu.wait_dma2 semaphore(%run_scoped3A : memref<!tpu.dma_semaphore, #tpu.memory_space<semaphore_mem>>) src(%arg4 : memref<128xf32, #tpu.memory_space<hbm>>) dst(%arg7 : memref<128xf32, #tpu.memory_space<vmem>>)
      tpu.yield
    }) : () -> ()
    "tpu.region"() ({
      %run_scoped3A = tpu.sem_alloc : memref<!tpu.dma_semaphore, #tpu.memory_space<semaphore_mem>>
      tpu.enqueue_dma source(%arg3 : memref<640xf32, #tpu.memory_space<hbm>>) target(%arg8 : memref<640xf32, #tpu.memory_space<vmem>>) target_semaphore(%run_scoped3A : memref<!tpu.dma_semaphore, #tpu.memory_space<semaphore_mem>>)
      tpu.wait_dma2 semaphore(%run_scoped3A : memref<!tpu.dma_semaphore, #tpu.memory_space<semaphore_mem>>) src(%arg3 : memref<640xf32, #tpu.memory_space<hbm>>) dst(%arg8 : memref<640xf32, #tpu.memory_space<vmem>>)
      tpu.yield
    }) : () -> ()
    %mul3A_1 = arith.constant 640 : i32
    %mul3A_2 = arith.muli %arg1, %mul3A_1 : i32
    "tpu.region"() ({
      %run_scoped3A = tpu.sem_alloc : memref<!tpu.dma_semaphore, #tpu.memory_space<semaphore_mem>>
      %dma_start3A = tpu.memref_slice %arg9[%mul3A_2] : memref<10240xf32, #tpu.memory_space<vmem_shared>> -> memref<640xf32, #tpu.memory_space<vmem_shared>>
      %dma_start3A_16 = tpu.memref_slice %arg9[%mul3A_2] : memref<10240xf32, #tpu.memory_space<vmem_shared>> -> memref<640xf32, #tpu.memory_space<vmem_shared>>
      tpu.enqueue_dma source(%arg8 : memref<640xf32, #tpu.memory_space<vmem>>) target(%dma_start3A_16 : memref<640xf32, #tpu.memory_space<vmem_shared>>) target_semaphore(%run_scoped3A : memref<!tpu.dma_semaphore, #tpu.memory_space<semaphore_mem>>)
      %dma_wait3A = tpu.memref_slice %arg9[%mul3A_2] : memref<10240xf32, #tpu.memory_space<vmem_shared>> -> memref<640xf32, #tpu.memory_space<vmem_shared>>
      %dma_wait3A_17 = tpu.memref_slice %arg9[%mul3A_2] : memref<10240xf32, #tpu.memory_space<vmem_shared>> -> memref<640xf32, #tpu.memory_space<vmem_shared>>
      tpu.wait_dma2 semaphore(%run_scoped3A : memref<!tpu.dma_semaphore, #tpu.memory_space<semaphore_mem>>) src(%arg8 : memref<640xf32, #tpu.memory_space<vmem>>) dst(%dma_wait3A_17 : memref<640xf32, #tpu.memory_space<vmem_shared>>)
      tpu.yield
    }) : () -> ()
    %barrier3A = arith.constant 0 : index
    tpu.barrier barrier_id(%barrier3A)
    %scan3A = arith.constant 0 : i32
    %scan3A_3 = arith.constant 0 : i32
    %scan3A_4 = arith.constant 79 : i32
    %scan3A_5 = arith.addi %scan3A_3, %scan3A_4 : i32
    %scan3A_6 = arith.constant 1 : i32
    scf.for %scan3A_16 = %scan3A_3 to %scan3A_5 step %scan3A_6  : i32 {
      "tpu.region"() ({
        %run_scoped3A = tpu.sem_alloc : memref<!tpu.dma_semaphore, #tpu.memory_space<semaphore_mem>>
        %dma_start3A = arith.constant 0 : i32
        %dma_start3A_17 = tpu.memref_slice %arg6[%scan3A_16, %dma_start3A] : memref<79x128xi32, #tpu.memory_space<vmem>> -> memref<1x128xi32, #tpu.memory_space<vmem>>
        %dma_start3A_18 = tpu.memref_squeeze %dma_start3A_17 : memref<1x128xi32, #tpu.memory_space<vmem>> -> memref<128xi32, #tpu.memory_space<vmem>>
        %dma_start3A_19 = arith.constant 0 : i32
        %dma_start3A_20 = tpu.memref_slice %arg9[%dma_start3A_19] : memref<10240xf32, #tpu.memory_space<vmem_shared>> -> memref<10240xf32, #tpu.memory_space<vmem_shared>>
        tpu.enqueue_indirect_dma source(%arg7 : memref<128xf32, #tpu.memory_space<vmem>>) target(%dma_start3A_20 : memref<10240xf32, #tpu.memory_space<vmem_shared>>) offsets(%dma_start3A_18 : memref<128xi32, #tpu.memory_space<vmem>>) semaphore(%run_scoped3A : memref<!tpu.dma_semaphore, #tpu.memory_space<semaphore_mem>>) {add = true}
        %dma_wait3A = arith.constant 0 : i32
        %dma_wait3A_21 = tpu.memref_slice %arg6[%scan3A_16, %dma_wait3A] : memref<79x128xi32, #tpu.memory_space<vmem>> -> memref<1x128xi32, #tpu.memory_space<vmem>>
        %dma_wait3A_22 = tpu.memref_squeeze %dma_wait3A_21 : memref<1x128xi32, #tpu.memory_space<vmem>> -> memref<128xi32, #tpu.memory_space<vmem>>
        %dma_wait3A_23 = arith.constant 0 : i32
        %dma_wait3A_24 = tpu.memref_slice %arg9[%dma_wait3A_23] : memref<10240xf32, #tpu.memory_space<vmem_shared>> -> memref<10240xf32, #tpu.memory_space<vmem_shared>>
        tpu.wait_indirect_dma semaphore(%run_scoped3A : memref<!tpu.dma_semaphore, #tpu.memory_space<semaphore_mem>>) src(%arg7 : memref<128xf32, #tpu.memory_space<vmem>>) dst(%dma_wait3A_24 : memref<10240xf32, #tpu.memory_space<vmem_shared>>)
        tpu.yield
      }) : () -> ()
    }
    %scan3A_7 = arith.constant 79 : i32
    %barrier3A_8 = arith.constant 0 : index
    tpu.barrier barrier_id(%barrier3A_8)
    %mul3A_9 = arith.constant 640 : i32
    %mul3A_10 = arith.muli %arg1, %mul3A_9 : i32
    "tpu.region"() ({
      %run_scoped3A = tpu.sem_alloc : memref<!tpu.dma_semaphore, #tpu.memory_space<semaphore_mem>>
      %dma_start3A = tpu.memref_slice %arg9[%mul3A_10] : memref<10240xf32, #tpu.memory_space<vmem_shared>> -> memref<640xf32, #tpu.memory_space<vmem_shared>>
      %dma_start3A_16 = tpu.memref_slice %arg9[%mul3A_10] : memref<10240xf32, #tpu.memory_space<vmem_shared>> -> memref<640xf32, #tpu.memory_space<vmem_shared>>
      tpu.enqueue_dma source(%dma_start3A_16 : memref<640xf32, #tpu.memory_space<vmem_shared>>) target(%arg8 : memref<640xf32, #tpu.memory_space<vmem>>) target_semaphore(%run_scoped3A : memref<!tpu.dma_semaphore, #tpu.memory_space<semaphore_mem>>)
      %dma_wait3A = tpu.memref_slice %arg9[%mul3A_10] : memref<10240xf32, #tpu.memory_space<vmem_shared>> -> memref<640xf32, #tpu.memory_space<vmem_shared>>
      %dma_wait3A_17 = tpu.memref_slice %arg9[%mul3A_10] : memref<10240xf32, #tpu.memory_space<vmem_shared>> -> memref<640xf32, #tpu.memory_space<vmem_shared>>
      tpu.wait_dma2 semaphore(%run_scoped3A : memref<!tpu.dma_semaphore, #tpu.memory_space<semaphore_mem>>) src(%dma_wait3A_17 : memref<640xf32, #tpu.memory_space<vmem_shared>>) dst(%arg8 : memref<640xf32, #tpu.memory_space<vmem>>)
      tpu.yield
    }) : () -> ()
    %mul3A_11 = arith.constant 10240 : i32
    %mul3A_12 = arith.muli %arg0, %mul3A_11 : i32
    %mul3A_13 = arith.constant 640 : i32
    %mul3A_14 = arith.muli %arg1, %mul3A_13 : i32
    %add3A_15 = arith.addi %mul3A_12, %mul3A_14 : i32
    "tpu.region"() ({
      %run_scoped3A = tpu.sem_alloc : memref<!tpu.dma_semaphore, #tpu.memory_space<semaphore_mem>>
      %dma_start3A = tpu.memref_slice %arg5[%add3A_15] : memref<20480xf32, #tpu.memory_space<hbm>> -> memref<640xf32, #tpu.memory_space<hbm>>
      %dma_start3A_16 = tpu.memref_slice %arg5[%add3A_15] : memref<20480xf32, #tpu.memory_space<hbm>> -> memref<640xf32, #tpu.memory_space<hbm>>
      tpu.enqueue_dma source(%arg8 : memref<640xf32, #tpu.memory_space<vmem>>) target(%dma_start3A_16 : memref<640xf32, #tpu.memory_space<hbm>>) target_semaphore(%run_scoped3A : memref<!tpu.dma_semaphore, #tpu.memory_space<semaphore_mem>>)
      %dma_wait3A = tpu.memref_slice %arg5[%add3A_15] : memref<20480xf32, #tpu.memory_space<hbm>> -> memref<640xf32, #tpu.memory_space<hbm>>
      %dma_wait3A_17 = tpu.memref_slice %arg5[%add3A_15] : memref<20480xf32, #tpu.memory_space<hbm>> -> memref<640xf32, #tpu.memory_space<hbm>>
      tpu.wait_dma2 semaphore(%run_scoped3A : memref<!tpu.dma_semaphore, #tpu.memory_space<semaphore_mem>>) src(%arg8 : memref<640xf32, #tpu.memory_space<vmem>>) dst(%dma_wait3A_17 : memref<640xf32, #tpu.memory_space<hbm>>)
      tpu.yield
    }) : () -> ()
    return
  }
}

module attributes {stable_mosaic.version = 14 : i64} {
  func.func @_feat_body(%arg0: i32, %arg1: memref<1024x128xf32, #tpu.memory_space<vmem>>, %arg2: memref<128x128xf32, #tpu.memory_space<vmem>>, %arg3: memref<128xf32, #tpu.memory_space<vmem>>, %arg4: memref<1024x128xf32, #tpu.memory_space<vmem>>) attributes {dimension_semantics = [#tpu.dimension_semantics<arbitrary>], iteration_bounds = array<i64: 10>, scalar_prefetch = 0 : i64, scratch_operands = 0 : i64, tpu.core_type = #tpu.core_type<tc>, window_params = [{transform_indices = @transform_0, window_bounds = array<i64: 1024, 128>}, {pipeline_mode = #tpu.pipeline_mode<synchronous>, transform_indices = @transform_1, window_bounds = array<i64: 128, 128>}, {pipeline_mode = #tpu.pipeline_mode<synchronous>, transform_indices = @transform_2, window_bounds = array<i64: 128>}, {transform_indices = @transform_3, window_bounds = array<i64: 1024, 128>}]} {
    %get3A = arith.constant 0 : index
    %get3A_0 = arith.constant 0 : index
    %get3A_1 = vector.load %arg1[%get3A, %get3A_0] : memref<1024x128xf32, #tpu.memory_space<vmem>>, vector<1024x128xf32>
    %get3A_2 = arith.constant 0 : index
    %get3A_3 = arith.constant 0 : index
    %get3A_4 = vector.load %arg2[%get3A_2, %get3A_3] : memref<128x128xf32, #tpu.memory_space<vmem>>, vector<128x128xf32>
    %dot_general3A = arith.constant dense<0.000000e+00> : vector<1024x128xf32>
    %dot_general3A_5 = tpu.matmul %get3A_1, %get3A_4, %dot_general3A {dimension_numbers = #tpu.dot_dimension_numbers<[1], [1], [0], [0], [0, 0, 1, 0], [], []>, transpose_lhs_hint = false} : vector<1024x128xf32>, vector<128x128xf32>, vector<1024x128xf32> -> vector<1024x128xf32>
    %get3A_6 = arith.constant 0 : index
    %get3A_7 = vector.load %arg3[%get3A_6] : memref<128xf32, #tpu.memory_space<vmem>>, vector<128xf32>
    %broadcast_in_dim3A = vector.shape_cast %get3A_7 : vector<128xf32> to vector<1x128xf32>
    %add3A = vector.broadcast %broadcast_in_dim3A : vector<1x128xf32> to vector<1024x128xf32>
    %add3A_8 = arith.addf %dot_general3A_5, %add3A : vector<1024x128xf32>
    %max3A = arith.constant 0.000000e+00 : f32
    %max3A_9 = vector.broadcast %max3A : f32 to vector<1024x128xf32>
    %max3A_10 = arith.maximumf %add3A_8, %max3A_9 : vector<1024x128xf32>
    %swap3A = arith.constant 0 : index
    %swap3A_11 = arith.constant 0 : index
    %swap3A_12 = vector.load %arg4[%swap3A, %swap3A_11] : memref<1024x128xf32, #tpu.memory_space<vmem>>, vector<1024x128xf32>
    tpu.vector_store %arg4[%swap3A, %swap3A_11], %max3A_10 {strides = array<i32>} : memref<1024x128xf32, #tpu.memory_space<vmem>>, vector<1024x128xf32>,
    return
  }
  func.func @transform_0(%arg0: i32) -> (i32, i32) {
    %c0_i32 = arith.constant 0 : i32
    %c0_i32_0 = arith.constant 0 : i32
    return %arg0, %c0_i32 : i32, i32
  }
  func.func @transform_1(%arg0: i32) -> (i32, i32) {
    %c0_i32 = arith.constant 0 : i32
    %c0_i32_0 = arith.constant 0 : i32
    %c0_i32_1 = arith.constant 0 : i32
    return %c0_i32, %c0_i32_0 : i32, i32
  }
  func.func @transform_2(%arg0: i32) -> i32 {
    %c0_i32 = arith.constant 0 : i32
    %c0_i32_0 = arith.constant 0 : i32
    return %c0_i32 : i32
  }
  func.func @transform_3(%arg0: i32) -> (i32, i32) {
    %c0_i32 = arith.constant 0 : i32
    %c0_i32_0 = arith.constant 0 : i32
    return %arg0, %c0_i32 : i32, i32
  }
}

module attributes {stable_mosaic.version = 14 : i64} {
  func.func @_y1_body(%arg0: i32, %arg1: memref<1024x128xf32, #tpu.memory_space<vmem>>, %arg2: memref<128x128xf32, #tpu.memory_space<vmem>>, %arg3: memref<20480xf32, #tpu.memory_space<vmem>>, %arg4: memref<1024x128xf32, #tpu.memory_space<vmem>>) attributes {dimension_semantics = [#tpu.dimension_semantics<arbitrary>], iteration_bounds = array<i64: 10>, scalar_prefetch = 0 : i64, scratch_operands = 0 : i64, tpu.core_type = #tpu.core_type<tc>, window_params = [{transform_indices = @transform_0, window_bounds = array<i64: 1024, 128>}, {pipeline_mode = #tpu.pipeline_mode<synchronous>, transform_indices = @transform_1, window_bounds = array<i64: 128, 128>}, {pipeline_mode = #tpu.pipeline_mode<synchronous>, transform_indices = @transform_2, window_bounds = array<i64: 20480>}, {transform_indices = @transform_3, window_bounds = array<i64: 1024, 128>}]} {
    %mul3A = arith.constant 1024 : i32
    %mul3A_0 = arith.muli %arg0, %mul3A : i32
    %get3A = arith.index_cast %mul3A_0 : i32 to index
    %get3A_1 = vector.load %arg3[%get3A] : memref<20480xf32, #tpu.memory_space<vmem>>, vector<1024xf32>
    %mul3A_2 = arith.constant 1024 : i32
    %mul3A_3 = arith.muli %arg0, %mul3A_2 : i32
    %add3A = arith.constant 10240 : i32
    %add3A_4 = arith.addi %add3A, %mul3A_3 : i32
    %get3A_5 = arith.index_cast %add3A_4 : i32 to index
    %get3A_6 = vector.load %arg3[%get3A_5] : memref<20480xf32, #tpu.memory_space<vmem>>, vector<1024xf32>
    %add3A_7 = arith.constant 1.000000e+00 : f32
    %add3A_8 = vector.broadcast %add3A_7 : f32 to vector<1024xf32>
    %add3A_9 = arith.addf %add3A_8, %get3A_1 : vector<1024xf32>
    %add3A_10 = arith.addf %add3A_9, %get3A_6 : vector<1024xf32>
    %rsqrt3A = math.rsqrt %add3A_10 : vector<1024xf32>
    %get3A_11 = arith.constant 0 : index
    %get3A_12 = arith.constant 0 : index
    %get3A_13 = vector.load %arg1[%get3A_11, %get3A_12] : memref<1024x128xf32, #tpu.memory_space<vmem>>, vector<1024x128xf32>
    %get3A_14 = arith.constant 0 : index
    %get3A_15 = arith.constant 0 : index
    %get3A_16 = vector.load %arg2[%get3A_14, %get3A_15] : memref<128x128xf32, #tpu.memory_space<vmem>>, vector<128x128xf32>
    %dot_general3A = arith.constant dense<0.000000e+00> : vector<1024x128xf32>
    %dot_general3A_17 = tpu.matmul %get3A_13, %get3A_16, %dot_general3A {dimension_numbers = #tpu.dot_dimension_numbers<[1], [1], [0], [0], [0, 0, 1, 0], [], []>, transpose_lhs_hint = false} : vector<1024x128xf32>, vector<128x128xf32>, vector<1024x128xf32> -> vector<1024x128xf32>
    %broadcast_in_dim3A = vector.shape_cast %rsqrt3A : vector<1024xf32> to vector<1024x1xf32>
    %mul3A_18 = vector.broadcast %broadcast_in_dim3A : vector<1024x1xf32> to vector<1024x128xf32>
    %mul3A_19 = arith.mulf %dot_general3A_17, %mul3A_18 : vector<1024x128xf32>
    %swap3A = arith.constant 0 : index
    %swap3A_20 = arith.constant 0 : index
    %swap3A_21 = vector.load %arg4[%swap3A, %swap3A_20] : memref<1024x128xf32, #tpu.memory_space<vmem>>, vector<1024x128xf32>
    tpu.vector_store %arg4[%swap3A, %swap3A_20], %mul3A_19 {strides = array<i32>} : memref<1024x128xf32, #tpu.memory_space<vmem>>, vector<1024x128xf32>,
    return
  }
  func.func @transform_0(%arg0: i32) -> (i32, i32) {
    %c0_i32 = arith.constant 0 : i32
    %c0_i32_0 = arith.constant 0 : i32
    return %arg0, %c0_i32 : i32, i32
  }
  func.func @transform_1(%arg0: i32) -> (i32, i32) {
    %c0_i32 = arith.constant 0 : i32
    %c0_i32_0 = arith.constant 0 : i32
    %c0_i32_1 = arith.constant 0 : i32
    return %c0_i32, %c0_i32_0 : i32, i32
  }
  func.func @transform_2(%arg0: i32) -> i32 {
    %c0_i32 = arith.constant 0 : i32
    %c0_i32_0 = arith.constant 0 : i32
    return %c0_i32 : i32
  }
  func.func @transform_3(%arg0: i32) -> (i32, i32) {
    %c0_i32 = arith.constant 0 : i32
    %c0_i32_0 = arith.constant 0 : i32
    return %arg0, %c0_i32 : i32, i32
  }
}

module attributes {stable_mosaic.version = 14 : i64} {
  func.func @_mid_body(%arg0: i32, %arg1: memref<2x1024x128xf32, #tpu.memory_space<vmem>>, %arg2: memref<1024x128xf32, #tpu.memory_space<vmem>>, %arg3: memref<20480xf32, #tpu.memory_space<vmem>>, %arg4: memref<128xf32, #tpu.memory_space<vmem>>, %arg5: memref<128x128xf32, #tpu.memory_space<vmem>>, %arg6: memref<1024x128xf32, #tpu.memory_space<vmem>>) attributes {dimension_semantics = [#tpu.dimension_semantics<arbitrary>], iteration_bounds = array<i64: 10>, scalar_prefetch = 0 : i64, scratch_operands = 0 : i64, tpu.core_type = #tpu.core_type<tc>, window_params = [{transform_indices = @transform_0, window_bounds = array<i64: 2, 1024, 128>}, {transform_indices = @transform_1, window_bounds = array<i64: 1024, 128>}, {pipeline_mode = #tpu.pipeline_mode<synchronous>, transform_indices = @transform_2, window_bounds = array<i64: 20480>}, {pipeline_mode = #tpu.pipeline_mode<synchronous>, transform_indices = @transform_3, window_bounds = array<i64: 128>}, {pipeline_mode = #tpu.pipeline_mode<synchronous>, transform_indices = @transform_4, window_bounds = array<i64: 128, 128>}, {transform_indices = @transform_5, window_bounds = array<i64: 1024, 128>}]} {
    %mul3A = arith.constant 1024 : i32
    %mul3A_0 = arith.muli %arg0, %mul3A : i32
    %get3A = arith.index_cast %mul3A_0 : i32 to index
    %get3A_1 = vector.load %arg3[%get3A] : memref<20480xf32, #tpu.memory_space<vmem>>, vector<1024xf32>
    %mul3A_2 = arith.constant 1024 : i32
    %mul3A_3 = arith.muli %arg0, %mul3A_2 : i32
    %add3A = arith.constant 10240 : i32
    %add3A_4 = arith.addi %add3A, %mul3A_3 : i32
    %get3A_5 = arith.index_cast %add3A_4 : i32 to index
    %get3A_6 = vector.load %arg3[%get3A_5] : memref<20480xf32, #tpu.memory_space<vmem>>, vector<1024xf32>
    %add3A_7 = arith.constant 1.000000e+00 : f32
    %add3A_8 = vector.broadcast %add3A_7 : f32 to vector<1024xf32>
    %add3A_9 = arith.addf %add3A_8, %get3A_1 : vector<1024xf32>
    %add3A_10 = arith.addf %add3A_9, %get3A_6 : vector<1024xf32>
    %rsqrt3A = math.rsqrt %add3A_10 : vector<1024xf32>
    %broadcast_in_dim3A = vector.shape_cast %rsqrt3A : vector<1024xf32> to vector<1024x1xf32>
    %get3A_11 = arith.constant 0 : index
    %get3A_12 = arith.constant 0 : index
    %get3A_13 = arith.constant 0 : index
    %get3A_14 = vector.load %arg1[%get3A_11, %get3A_12, %get3A_13] : memref<2x1024x128xf32, #tpu.memory_space<vmem>>, vector<1x1024x128xf32>
    %get3A_15 = vector.shape_cast %get3A_14 : vector<1x1024x128xf32> to vector<1024x128xf32>
    %get3A_16 = arith.constant 1 : index
    %get3A_17 = arith.constant 0 : index
    %get3A_18 = arith.constant 0 : index
    %get3A_19 = vector.load %arg1[%get3A_16, %get3A_17, %get3A_18] : memref<2x1024x128xf32, #tpu.memory_space<vmem>>, vector<1x1024x128xf32>
    %get3A_20 = vector.shape_cast %get3A_19 : vector<1x1024x128xf32> to vector<1024x128xf32>
    %add3A_21 = arith.addf %get3A_15, %get3A_20 : vector<1024x128xf32>
    %get3A_22 = arith.constant 0 : index
    %get3A_23 = arith.constant 0 : index
    %get3A_24 = vector.load %arg2[%get3A_22, %get3A_23] : memref<1024x128xf32, #tpu.memory_space<vmem>>, vector<1024x128xf32>
    %add3A_25 = arith.addf %add3A_21, %get3A_24 : vector<1024x128xf32>
    %mul3A_26 = vector.broadcast %broadcast_in_dim3A : vector<1024x1xf32> to vector<1024x128xf32>
    %mul3A_27 = arith.mulf %mul3A_26, %add3A_25 : vector<1024x128xf32>
    %get3A_28 = arith.constant 0 : index
    %get3A_29 = vector.load %arg4[%get3A_28] : memref<128xf32, #tpu.memory_space<vmem>>, vector<128xf32>
    %broadcast_in_dim3A_30 = vector.shape_cast %get3A_29 : vector<128xf32> to vector<1x128xf32>
    %add3A_31 = vector.broadcast %broadcast_in_dim3A_30 : vector<1x128xf32> to vector<1024x128xf32>
    %add3A_32 = arith.addf %mul3A_27, %add3A_31 : vector<1024x128xf32>
    %get3A_33 = arith.constant 0 : index
    %get3A_34 = arith.constant 0 : index
    %get3A_35 = vector.load %arg5[%get3A_33, %get3A_34] : memref<128x128xf32, #tpu.memory_space<vmem>>, vector<128x128xf32>
    %dot_general3A = arith.constant dense<0.000000e+00> : vector<1024x128xf32>
    %dot_general3A_36 = tpu.matmul %add3A_32, %get3A_35, %dot_general3A {dimension_numbers = #tpu.dot_dimension_numbers<[1], [1], [0], [0], [0, 0, 1, 0], [], []>, transpose_lhs_hint = false} : vector<1024x128xf32>, vector<128x128xf32>, vector<1024x128xf32> -> vector<1024x128xf32>
    %broadcast_in_dim3A_37 = vector.shape_cast %rsqrt3A : vector<1024xf32> to vector<1024x1xf32>
    %mul3A_38 = vector.broadcast %broadcast_in_dim3A_37 : vector<1024x1xf32> to vector<1024x128xf32>
    %mul3A_39 = arith.mulf %dot_general3A_36, %mul3A_38 : vector<1024x128xf32>
    %swap3A = arith.constant 0 : index
    %swap3A_40 = arith.constant 0 : index
    %swap3A_41 = vector.load %arg6[%swap3A, %swap3A_40] : memref<1024x128xf32, #tpu.memory_space<vmem>>, vector<1024x128xf32>
    tpu.vector_store %arg6[%swap3A, %swap3A_40], %mul3A_39 {strides = array<i32>} : memref<1024x128xf32, #tpu.memory_space<vmem>>, vector<1024x128xf32>,
    return
  }
  func.func @transform_0(%arg0: i32) -> (i32, i32, i32) {
    %c0_i32 = arith.constant 0 : i32
    %c0_i32_0 = arith.constant 0 : i32
    %c0_i32_1 = arith.constant 0 : i32
    return %c0_i32, %arg0, %c0_i32_0 : i32, i32, i32
  }
  func.func @transform_1(%arg0: i32) -> (i32, i32) {
    %c0_i32 = arith.constant 0 : i32
    %c0_i32_0 = arith.constant 0 : i32
    return %arg0, %c0_i32 : i32, i32
  }
  func.func @transform_2(%arg0: i32) -> i32 {
    %c0_i32 = arith.constant 0 : i32
    %c0_i32_0 = arith.constant 0 : i32
    return %c0_i32 : i32
  }
  func.func @transform_3(%arg0: i32) -> i32 {
    %c0_i32 = arith.constant 0 : i32
    %c0_i32_0 = arith.constant 0 : i32
    return %c0_i32 : i32
  }
  func.func @transform_4(%arg0: i32) -> (i32, i32) {
    %c0_i32 = arith.constant 0 : i32
    %c0_i32_0 = arith.constant 0 : i32
    %c0_i32_1 = arith.constant 0 : i32
    return %c0_i32, %c0_i32_0 : i32, i32
  }
  func.func @transform_5(%arg0: i32) -> (i32, i32) {
    %c0_i32 = arith.constant 0 : i32
    %c0_i32_0 = arith.constant 0 : i32
    return %arg0, %c0_i32 : i32, i32
  }
}

module attributes {stable_mosaic.version = 14 : i64} {
  func.func @_out_body(%arg0: i32, %arg1: memref<2x1024x128xf32, #tpu.memory_space<vmem>>, %arg2: memref<1024x128xf32, #tpu.memory_space<vmem>>, %arg3: memref<20480xf32, #tpu.memory_space<vmem>>, %arg4: memref<128xf32, #tpu.memory_space<vmem>>, %arg5: memref<1024x128xf32, #tpu.memory_space<vmem>>) attributes {dimension_semantics = [#tpu.dimension_semantics<arbitrary>], iteration_bounds = array<i64: 10>, scalar_prefetch = 0 : i64, scratch_operands = 0 : i64, tpu.core_type = #tpu.core_type<tc>, window_params = [{transform_indices = @transform_0, window_bounds = array<i64: 2, 1024, 128>}, {transform_indices = @transform_1, window_bounds = array<i64: 1024, 128>}, {pipeline_mode = #tpu.pipeline_mode<synchronous>, transform_indices = @transform_2, window_bounds = array<i64: 20480>}, {pipeline_mode = #tpu.pipeline_mode<synchronous>, transform_indices = @transform_3, window_bounds = array<i64: 128>}, {transform_indices = @transform_4, window_bounds = array<i64: 1024, 128>}]} {
    %mul3A = arith.constant 1024 : i32
    %mul3A_0 = arith.muli %arg0, %mul3A : i32
    %get3A = arith.index_cast %mul3A_0 : i32 to index
    %get3A_1 = vector.load %arg3[%get3A] : memref<20480xf32, #tpu.memory_space<vmem>>, vector<1024xf32>
    %mul3A_2 = arith.constant 1024 : i32
    %mul3A_3 = arith.muli %arg0, %mul3A_2 : i32
    %add3A = arith.constant 10240 : i32
    %add3A_4 = arith.addi %add3A, %mul3A_3 : i32
    %get3A_5 = arith.index_cast %add3A_4 : i32 to index
    %get3A_6 = vector.load %arg3[%get3A_5] : memref<20480xf32, #tpu.memory_space<vmem>>, vector<1024xf32>
    %add3A_7 = arith.constant 1.000000e+00 : f32
    %add3A_8 = vector.broadcast %add3A_7 : f32 to vector<1024xf32>
    %add3A_9 = arith.addf %add3A_8, %get3A_1 : vector<1024xf32>
    %add3A_10 = arith.addf %add3A_9, %get3A_6 : vector<1024xf32>
    %rsqrt3A = math.rsqrt %add3A_10 : vector<1024xf32>
    %broadcast_in_dim3A = vector.shape_cast %rsqrt3A : vector<1024xf32> to vector<1024x1xf32>
    %get3A_11 = arith.constant 0 : index
    %get3A_12 = arith.constant 0 : index
    %get3A_13 = arith.constant 0 : index
    %get3A_14 = vector.load %arg1[%get3A_11, %get3A_12, %get3A_13] : memref<2x1024x128xf32, #tpu.memory_space<vmem>>, vector<1x1024x128xf32>
    %get3A_15 = vector.shape_cast %get3A_14 : vector<1x1024x128xf32> to vector<1024x128xf32>
    %get3A_16 = arith.constant 1 : index
    %get3A_17 = arith.constant 0 : index
    %get3A_18 = arith.constant 0 : index
    %get3A_19 = vector.load %arg1[%get3A_16, %get3A_17, %get3A_18] : memref<2x1024x128xf32, #tpu.memory_space<vmem>>, vector<1x1024x128xf32>
    %get3A_20 = vector.shape_cast %get3A_19 : vector<1x1024x128xf32> to vector<1024x128xf32>
    %add3A_21 = arith.addf %get3A_15, %get3A_20 : vector<1024x128xf32>
    %get3A_22 = arith.constant 0 : index
    %get3A_23 = arith.constant 0 : index
    %get3A_24 = vector.load %arg2[%get3A_22, %get3A_23] : memref<1024x128xf32, #tpu.memory_space<vmem>>, vector<1024x128xf32>
    %add3A_25 = arith.addf %add3A_21, %get3A_24 : vector<1024x128xf32>
    %mul3A_26 = vector.broadcast %broadcast_in_dim3A : vector<1024x1xf32> to vector<1024x128xf32>
    %mul3A_27 = arith.mulf %mul3A_26, %add3A_25 : vector<1024x128xf32>
    %get3A_28 = arith.constant 0 : index
    %get3A_29 = vector.load %arg4[%get3A_28] : memref<128xf32, #tpu.memory_space<vmem>>, vector<128xf32>
    %broadcast_in_dim3A_30 = vector.shape_cast %get3A_29 : vector<128xf32> to vector<1x128xf32>
    %add3A_31 = vector.broadcast %broadcast_in_dim3A_30 : vector<1x128xf32> to vector<1024x128xf32>
    %add3A_32 = arith.addf %mul3A_27, %add3A_31 : vector<1024x128xf32>
    %swap3A = arith.constant 0 : index
    %swap3A_33 = arith.constant 0 : index
    %swap3A_34 = vector.load %arg5[%swap3A, %swap3A_33] : memref<1024x128xf32, #tpu.memory_space<vmem>>, vector<1024x128xf32>
    tpu.vector_store %arg5[%swap3A, %swap3A_33], %add3A_32 {strides = array<i32>} : memref<1024x128xf32, #tpu.memory_space<vmem>>, vector<1024x128xf32>,
    return
  }
  func.func @transform_0(%arg0: i32) -> (i32, i32, i32) {
    %c0_i32 = arith.constant 0 : i32
    %c0_i32_0 = arith.constant 0 : i32
    %c0_i32_1 = arith.constant 0 : i32
    return %c0_i32, %arg0, %c0_i32_0 : i32, i32, i32
  }
  func.func @transform_1(%arg0: i32) -> (i32, i32) {
    %c0_i32 = arith.constant 0 : i32
    %c0_i32_0 = arith.constant 0 : i32
    return %arg0, %c0_i32 : i32, i32
  }
  func.func @transform_2(%arg0: i32) -> i32 {
    %c0_i32 = arith.constant 0 : i32
    %c0_i32_0 = arith.constant 0 : i32
    return %c0_i32 : i32
  }
  func.func @transform_3(%arg0: i32) -> i32 {
    %c0_i32 = arith.constant 0 : i32
    %c0_i32_0 = arith.constant 0 : i32
    return %c0_i32 : i32
  }
  func.func @transform_4(%arg0: i32) -> (i32, i32) {
    %c0_i32 = arith.constant 0 : i32
    %c0_i32_0 = arith.constant 0 : i32
    return %arg0, %c0_i32 : i32, i32
  }
}

</mosaic_0001>

<sc_bundles>
// kernel: kernel.12.cloned.1.call-start
scs
__scs_entry_jumppad:
0x0: {  	(pc) =	sbr.rel $0x88, $3  }
0x1: {  	(tag) =	ssettag $0x0;
	lr =	simm.s32 $0x1  }
0x2: {  	[smem:$0x3F99] =	sst lr;
	_ =	strace $0xD0000000  }
0x3: {  	_ = 	snop  }
0x4: {  	_ = 	snop  }
0x5: {  	_ = 	snop  }
0x6: {  	_ = 	snop  }
0x7: {  	_ = 	snop  }
__scs_overlays_trampoline_lowered:
0x8: {  	[smem:$0x3FA8] =	sst s0  }
0x9: {  	[smem:$0x3FA9] =	sst s1  }
0xa: {  	[smem:$0x3FAA] =	sst s2  }
0xb: {  	[smem:$0x3FAB] =	sst s3  }
0xc: {  	[smem:$0x3FAC] =	sst s4  }
0xd: {  	[smem:$0x3FAD] =	sst s5  }
0xe: {  	[smem:$0x3FAE] =	sst s6  }
0xf: {  	[smem:$0x3FAF] =	sst s7  }
0x10: {  	[smem:$0x3FB0] =	sst s8  }
0x11: {  	[smem:$0x3FB1] =	sst s9;
	s0 =	simm.s32 @!p0 $0x0  }
0x12: {  	s1 =	sld [smem:$0x3F97];
	s0 =	simm.s32 @p0 $0x1  }
0x13: {  	[smem:$0x3FB2] =	sst s0;
	s0 =	simm.s32 @!p1 $0x0  }
0x14: {  	s2 =	sld [smem:$0x3F96];
	s0 =	simm.s32 @p1 $0x1  }
0x15: {  	[smem:$0x3FB3] =	sst s0;
	s0 =	simm.s32 @!p2 $0x0  }
0x16: {  	s3 =	sld [smem:$0x3FDB];
	s0 =	simm.s32 @p2 $0x1  }
0x17: {  	s4 =	simm.s32 $0x1BF5;
	[smem:$0x3FB5] =	sst s0  }
0x18: {  	s0 =	sld [smem:$0x3F98];
	_ =	swait.ge [sflag:s4], $0x0  }
0x19: {  	s7 =	sld [smem:$0x3F99]  }
0x1a: {  	s8 =	sadd.s32 $0xFFFFE003, lr  }
0x1b: {  	s9 =	sadd.s32 $0xFFFFFEF7, lr;
	s5 =	simm.s32 $0xFFFFFFFF;
	p2 =	slt.u32 s8, $0xFFFFF086  }
0x1c: {  	p1 =	slt.u32 s9, $0xF7A;
	s5 =	simm.s32 @!p2 $0x0  }
0x1d: {  	s5 =	simm.s32 @p1 $0x1;
	p0 =	seq.s32 s7, s2  }
0x1e: {  	s7 =	smul.u32 @!p0 $0xF7A, s2;
	p2 =	seq.s32 @!p0 s5, $0x0  }
0x1f: {  	s9 =	smul.u32 $0xF7A, s1;
	s8 =	simm.s32 @!p0 $0x1BF5;
	p2 =	por !p2, p0  }
0x20: {  	[sflag:s8] =	ssyncset.s32 @!p0 $0xFFFFF086;
	s6 =	sadd.s32 @!p0 s3, s7;
	s7 =	simm.s32 @!p0 $0x108  }
0x21: {  	s3 =	sadd.s32 s3, s9;
	s6 =	sadd.s32 @!p0 $0x88, s6;
	s7 =	simm.s32 @p2 $0x1082  }
0x22: {  	[simem:s7], [sflag:s8] =	dma.local @!p0 [hbm:s6], $0xF7A  }
0x23: {  	s9 =	sor.u32 $0xD0000000, s2;
	s6 =	simm.s32 $0x108;
	_ =	swait.ge @!p0 [sflag:s8], $0x0  }
0x24: {  	s3 =	sadd.s32 $0x88, s3;
	s6 =	simm.s32 @!p1 $0x1082;
	[sflag:s4] =	ssyncset.s32 $0xFFFFF086  }
0x25: {  	[simem:s6], [sflag:s4] =	dma.local [hbm:s3], $0xF7A  }
0x26: {  	[smem:$0x3F99] =	sst s1;
	(tag) =	ssettag s2;
	_ =	strace s9  }
0x27: {  	s1 =	sld [smem:$0x3FA9]  }
0x28: {  	s2 =	sld [smem:$0x3FAA]  }
0x29: {  	s4 =	sld [smem:$0x3FAC]  }
0x2a: {  	p0 =	seq.s32 s5, $0x0;
	s5 =	sld [smem:$0x3FAD]  }
0x2b: {  	s6 =	sld [smem:$0x3FAE]  }
0x2c: {  	s7 =	sld [smem:$0x3FAF]  }
0x2d: {  	s3 =	simm.s32 $0x108;
	s8 =	sld [smem:$0x3FB0]  }
0x2e: {  	s3 =	simm.s32 @!p0 $0x1082;
	s9 =	sld [smem:$0x3FB1]  }
0x2f: {  	lr =	sadd.s32 s0, s3;
	s0 =	sld [smem:$0x3FA8]  }
0x30: {  	s3 =	sld [smem:$0x3FAB]  }
0x31: {  	[smem:$0x3FB4] =	sst s10  }
0x32: {  	s10 =	sld [smem:$0x3FB2];
	_ =	sdelay $0x3  }
0x33: {  	p0 =	seq.s32 s10, $0x1;
	s10 =	sld [smem:$0x3FB4];
	_ =	sdelay $0x3  }
0x34: {  	[smem:$0x3FB4] =	sst s10  }
0x35: {  	s10 =	sld [smem:$0x3FB3];
	_ =	sdelay $0x3  }
0x36: {  	p1 =	seq.s32 s10, $0x1;
	s10 =	sld [smem:$0x3FB4];
	_ =	sdelay $0x3  }
0x37: {  	[smem:$0x3FB4] =	sst s10  }
0x38: {  	s10 =	sld [smem:$0x3FB5]  }
0x39: {  	_ = 	snop;
	(pc) =	sbr.ind lr, $3  }
0x3a: {  	_ = 	snop  }
0x3b: {  	_ = 	snop  }
0x3c: {  	p2 =	seq.s32 s10, $0x1;
	s10 =	sld [smem:$0x3FB4]  }
0x3d: {  	_ =	shalt  }
0x3e: {  	_ =	shalt  }
0x3f: {  	_ =	shalt  }
0x40: {  	_ =	shalt  }
0x41: {  	_ =	shalt  }
0x42: {  	_ =	shalt  }
0x43: {  	_ =	shalt  }
0x44: {  	_ =	shalt  }
0x45: {  	_ =	shalt  }
0x46: {  	_ =	shalt  }
0x47: {  	_ =	shalt  }
0x48: {  	_ =	shalt  }
0x49: {  	_ =	shalt  }
0x4a: {  	_ =	shalt  }
0x4b: {  	_ =	shalt  }
0x4c: {  	_ =	shalt  }
0x4d: {  	_ =	shalt  }
0x4e: {  	_ =	shalt  }
0x4f: {  	_ =	shalt  }
0x50: {  	_ =	shalt  }
0x51: {  	_ =	shalt  }
0x52: {  	_ =	shalt  }
0x53: {  	_ =	shalt  }
0x54: {  	_ =	shalt  }
0x55: {  	_ =	shalt  }
0x56: {  	_ =	shalt  }
0x57: {  	_ =	shalt  }
0x58: {  	_ =	shalt  }
0x59: {  	_ =	shalt  }
0x5a: {  	_ =	shalt  }
0x5b: {  	_ =	shalt  }
0x5c: {  	_ =	shalt  }
0x5d: {  	_ =	shalt  }
0x5e: {  	_ =	shalt  }
0x5f: {  	_ =	shalt  }
0x60: {  	_ =	shalt  }
0x61: {  	_ =	shalt  }
0x62: {  	_ =	shalt  }
0x63: {  	_ =	shalt  }
0x64: {  	_ =	shalt  }
0x65: {  	_ =	shalt  }
0x66: {  	_ =	shalt  }
0x67: {  	_ =	shalt  }
0x68: {  	_ =	shalt  }
0x69: {  	_ =	shalt  }
0x6a: {  	_ =	shalt  }
0x6b: {  	_ =	shalt  }
0x6c: {  	_ =	shalt  }
0x6d: {  	_ =	shalt  }
0x6e: {  	_ =	shalt  }
0x6f: {  	_ =	shalt  }
0x70: {  	_ =	shalt  }
0x71: {  	_ =	shalt  }
0x72: {  	_ =	shalt  }
0x73: {  	_ =	shalt  }
0x74: {  	_ =	shalt  }
0x75: {  	_ =	shalt  }
0x76: {  	_ =	shalt  }
0x77: {  	_ =	shalt  }
0x78: {  	_ =	shalt  }
0x79: {  	_ =	shalt  }
0x7a: {  	_ =	shalt  }
0x7b: {  	_ =	shalt  }
0x7c: {  	_ =	shalt  }
0x7d: {  	_ =	shalt  }
0x7e: {  	_ =	shalt  }
0x7f: {  	_ =	shalt  }
0x80: {  	_ =	shalt  }
0x81: {  	_ =	shalt  }
0x82: {  	_ =	shalt  }
0x83: {  	_ =	shalt  }
0x84: {  	_ =	shalt  }
0x85: {  	_ =	shalt  }
0x86: {  	_ =	shalt  }
0x87: {  	_ =	shalt  }
.Lfunc_end0:
.L_simem_size_0:
called_computation.1_lowered:
.L_overlay_start_0:
0x88: {  	s2 =	sld [smem:$0x3FD9]  }
0x89: {  	s3 =	sld [smem:$0x3FFE];
	_ =	sdelay $0x1  }
0x8a: {  	s1 =	srdreg.scid  }
0x8b: {  	s0 =	sand.u32 $0x1, s1  }
0x8c: {  	s14 =	sshll.u32 s0, $0xA;
	s2 =	sadd.s32 s3, s2  }
0x8d: {  	s2 =	sadd.s32 s2, s14  }
0x8e: {  	[smem:$0x3FC0] =	sst s2  }
0x8f: {  	_ = 	snop  }
0x90: {  	s2 =	sld [smem:$0x3FD0];
	_ =	sdelay $0x2  }
0x91: {  	s15 =	simm.s32 $0xA;
	s4 =	simm.s32 $0x10  }
0x92: {  	[smem:s4], [sflag:s15] =	dma.local [hbm:s2], $0x1  }
0x93: {  	_ =	swait.eq [sflag:s15], $0x1  }
0x94: {  	[sflag:s15] =	ssyncset.done $0x0  }
0x95: {  	[sflag:s15] =	ssyncadd.s32 $0xFFFFFFFF  }
0x96: {  	s16 =	sld [smem:$0x11];
	(tm) =	ssettm $0x1  }
0x97: {  	s17 =	sld [smem:$0x3FFB];
	_ =	sdelay $0x3  }
0x98: {  	_ =	strace s17  }
0x99: {  	s3 =	sld [smem:$0x3FFC];
	_ =	sdelay $0x3  }
0x9a: {  	_ =	strace s3  }
0x9b: {  	s3 =	sld [smem:$0x3FFD];
	_ =	sdelay $0x3  }
0x9c: {  	_ =	strace s3  }
0x9d: {  	_ =	strace $0x8FFFFFFF  }
0x9e: {  	s18 =	sld [smem:$0x3FDB];
	_ =	sdelay $0x1  }
0x9f: {  	s19 =	simm.s32 $_scs_section_size  }
0xa0: {  	s5 =	simm.s32 $_size__tile_overlayer_lowered;
	s6 =	simm.s32 $_tile_overlayer_lowered  }
0xa1: {  	s22 =	simm.s32 $0x1BFF;
	s21 =	sshll.u32 s6, $0x1;
	s3 =	sadd.s32 s19, s18  }
0xa2: {  	s7 =	simm.s32 $0x0;
	s20 =	sshll.u32 s5, $0x1;
	s5 =	sadd.s32 s21, s3  }
0xa3: {  	[timem:s7], [sflag:s22] =	dma.local [hbm:s5], s20  }
0xa4: {  	_ =	swait.ge [sflag:s22], s20  }
0xa5: {  	s4 =	ssub.s32 $0x0, s20;
	[sflag:s22] =	ssyncset.done $0x0  }
0xa6: {  	[sflag:s22] =	ssyncadd.s32 s4;
	_ =	sdelay $0x1  }
0xa7: {  	s23 =	simm.s32 $0x1B8B  }
0xa8: {  	_ =	swait.ge [sflag:s23], $0x1  }
0xa9: {  	[sflag:s23] =	ssyncset.done $0x0  }
0xaa: {  	s25 =	simm.s32 $0x1B8E;
	s24 =	sld [smem:$0x3FFE];
	[sflag:s23] =	ssyncadd.s32 $0xFFFFFFFF  }
0xab: {  	s26 =	simm.s32 $execute0_lowered;
	[smem:$0x3FD2] =	sst s25  }
0xac: {  	s5 =	sshll.u32 s26, $0x1;
	_ =	strace $0x80000049;
	[dreg:$0x1] =	wrdreg $0xFFFFFFFF  }
0xad: {  	s28 =	simm.s32 $_size_execute0_lowered;
	s3 =	sadd.s32 s3, s5;
	[dreg:$0x0] =	wrdreg $0x0  }
0xae: {  	s5 =	sshll.u32 s28, $0x1;
	[dreg:$0x2] =	wrdreg s3  }
0xaf: {  	[dreg:$0x3] =	wrdreg s5  }
0xb0: {  	[dreg:$0x4] =	wrdreg $0xC0  }
0xb1: {  	_ =	task [dreg:s7], $0x5FFFF  }
0xb2: {  	[dreg:$0x1] =	wrdreg $0xFFFFFFFF  }
0xb3: {  	[dreg:$0x0] =	wrdreg $0x60  }
0xb4: {  	[dreg:$0x2] =	wrdreg s16  }
0xb5: {  	[dreg:$0x3] =	wrdreg s24  }
0xb6: {  	[dreg:$0x4] =	wrdreg $0xA9000  }
0xb7: {  	[dreg:$0x5] =	wrdreg $0x9  }
0xb8: {  	_ =	task.clear_ibuf [dreg:s7], $0x6FFFF;
	_ =	strace $0x90000049  }
0xb9: {  	s29 =	simm.s32 $0x9;
	_ =	strace $0x8000004B  }
0xba: {  	_ =	swait.ge [sflag:s29], $0x1  }
0xbb: {  	[sflag:s29] =	ssyncadd.s32 $0xFFFFFFFF  }
0xbc: {  	_ =	strace $0x9000004B  }
0xbd: {  	_ =	sfence  }
0xbe: {  	s30 =	sld [smem:$0x0];
	_ =	sdelay $0x2  }
0xbf: {  	s31 =	sshll.u32 s1, $0xD;
	s1 =	sshrl.u32 s1, $0x2  }
0xc0: {  	s3 =	sand.u32 $0x4000, s31;
	s1 =	sadd.s32 s1, s30  }
0xc1: {  	s0 =	sor.u32 s3, s0;
	s1 =	sshll.u32 s1, $0x11  }
0xc2: {  	s0 =	sor.u32 s1, s0  }
0xc3: {  	s0 =	sadd.s32 $0x8F2B, s0  }
0xc4: {  	[sflag:s0] =	ssyncadd.remote.s32 $0x1  }
0xc5: {  	_ =	sfence.sel $0xFFFF  }
0xc6: {  	[dreg:$0x0] =	wrdreg $0xFFFFFFFF;
	(pc) =	sbr.abs _section_cstart, $3  }
0xc7: {  	[dreg:$0x1] =	wrdreg $0xFFFFFFFF  }
0xc8: {  	_ =	task.clear_ibuf [dreg:s7], $0x2FFFF;
	_ =	strace $0x9FFFFFFF  }
0xc9: {  	(tm) =	ssettm $0x7FFFFFFF  }
tec
execute0_lowered:
.L_overlay_start_1:
0x0: {  	(tag) =	ssettag $0x1  }
0x1: {  	s0 =	rddreg [dreg:$0x0]  }
0x2: {  	s2 =	rddreg [dreg:$0x1]  }
0x3: {  	s1 =	srdreg.scid;
	s3 =	rddreg [dreg:$0x2]  }
0x4: {  	s7 =	stileid.u32;
	s4 =	simm.s32 $0x0;
	s28 =	simm.s32 $0x4  }
0x5: {  	s29 =	simm.s32 $0x6900;
	s30 =	simm.s32 $0x2;
	s31 =	simm.s32 $0x3  }
0x6: {  	s1 =	sand.u32 $0x1, s1;
	[smem:$0x7FF] =	sst s4;
	s8 =	smul.u32 $0x50000, s7  }
0x7: {  	s6 =	sadd.s32 $0xD200, s2;
	s15 =	smul.u32 $0x14000, s7;
	s23 =	sadd.s32 $0x17200, s2  }
0x8: {  	s5 =	sshll.u32 s1, $0x4;
	_ =	strace $0x8000004A;
	s10 =	ssub.s32 $0x2, s1  }
0x9: {  	[dreg:$0x4] =	wrdreg s23;
	s1 =	smul.u32 $0x140000, s1;
	s23 =	simm.s32 $0x5  }
0xa: {  	s5 =	sor.u32 s7, s5;
	s11 =	sshrl.u32 s10, $0x1;
	s24 =	sshrl.u32 s8, $0x2  }
0xb: {  	s16 =	sadd.s32 $0x4000, s15;
	s18 =	sadd.s32 $0x8000, s15;
	s19 =	sadd.s32 $0xC000, s15  }
0xc: {  	s20 =	sadd.s32 $0x10000, s15;
	s5 =	smul.u32 $0x2800, s5;
	s21 =	ssub.s32 s10, s11  }
0xd: {  	s10 =	sadd.s32 s16, s3;
	s11 =	sadd.s32 s18, s3;
	s12 =	sadd.s32 s19, s3  }
0xe: {  	s13 =	sadd.s32 s20, s3;
	s15 =	sadd.s32 s15, s1;
	s16 =	sadd.s32 s1, s16  }
0xf: {  	s18 =	sadd.s32 s1, s18;
	s19 =	sadd.s32 s1, s19;
	s1 =	sadd.s32 s1, s20  }
0x10: {  	s17 =	sshrl.u32 s15, $0x3;
	s22 =	sshrl.u32 s16, $0x3;
	s18 =	sshrl.u32 s18, $0x3  }
0x11: {  	s19 =	sshrl.u32 s19, $0x3;
	s1 =	sshrl.u32 s1, $0x3;
	s14 =	sshrl.u32 s5, $0x3  }
0x12: {  	s21 =	smax.u32 s21, $0x1;
	s9 =	sadd.s32 s14, s2;
	s2 =	sadd.s32 $0x17A00, s2  }
0x13: {  	s14 =	sadd.s32 s6, s14;
	s25 =	sadd.s32 $0x2E00, s9;
	s9 =	sadd.s32 s24, s3  }
0x14: {  	s26 =	sadd.s32 $0x10, s14;
	s16 =	sadd.s32 s2, s17;
	s17 =	sadd.s32 s2, s22  }
0x15: {  	s18 =	sadd.s32 s2, s18;
	s19 =	sadd.s32 s2, s19;
	s20 =	sadd.s32 s2, s1  }
0x16: {  	s24 =	simm.s32 $0x2900;
	s2 =	simm.s32 $0x0;
	[dreg:$0x5] =	wrdreg s25  }
0x17: {  	[dreg:$0x6] =	wrdreg s26;
	s25 =	simm.s32 $0x80;
	s26 =	simm.s32 $0x1  }
.LBB2_1:
0x18: {  	s1 =	rddreg [dreg:$0x5];
	s7 =	simm.s32 $0x100  }
0x19: {  	[tilespmem:s7], [sflag:$0x5] =	stream.linear.gather [hbm4b:s1+s4], $0x2780, $0x38;
	[tilespmem:$0x1E900] =	vst v63  }
0x1a: {  	_ =	swait.ge [sflag:s23], $0x2780  }
0x1b: {  	[sflag:s23] =	ssyncset.done $0x0  }
0x1c: {  	s7 =	rddreg [dreg:$0x4];
	[sflag:s23] =	ssyncadd.s32 $0xFFFFD880  }
0x1d: {  	[tilespmem:s24], [sflag:$0x5] =	stream.linear.gather [hbm4b:s7+s4], $0x4000, $0x38;
	[tilespmem:$0x1E900] =	vst v63  }
0x1e: {  	_ =	swait.ge [sflag:s23], $0x4000  }
0x1f: {  	[sflag:s23] =	ssyncset.done $0x0  }
0x20: {  	[sflag:s23] =	ssyncadd.s32 $0xFFFFC000  }
0x21: {  	[spmem:s9] =	stream.linear.scatter [tilespmem:s24], [sflag:$0x5], $0x4000, $0x38;
	[tilespmem:$0x1E900] =	vst v63  }
0x22: {  	_ =	swait.ge [sflag:s23], $0x4000  }
0x23: {  	[sflag:s23] =	ssyncset.done $0x0  }
0x24: {  	[sflag:s23] =	ssyncadd.s32 $0xFFFFC000  }
0x25: {  	[spmem:s10] =	stream.linear.scatter [tilespmem:s24], [sflag:$0x5], $0x4000, $0x38;
	[tilespmem:$0x1E900] =	vst v63  }
0x26: {  	_ =	swait.ge [sflag:s23], $0x4000  }
0x27: {  	[sflag:s23] =	ssyncset.done $0x0  }
0x28: {  	[sflag:s23] =	ssyncadd.s32 $0xFFFFC000  }
0x29: {  	[spmem:s11] =	stream.linear.scatter [tilespmem:s24], [sflag:$0x5], $0x4000, $0x38;
	[tilespmem:$0x1E900] =	vst v63  }
0x2a: {  	_ =	swait.ge [sflag:s23], $0x4000  }
0x2b: {  	[sflag:s23] =	ssyncset.done $0x0  }
0x2c: {  	[sflag:s23] =	ssyncadd.s32 $0xFFFFC000  }
0x2d: {  	[spmem:s12] =	stream.linear.scatter [tilespmem:s24], [sflag:$0x5], $0x4000, $0x38;
	[tilespmem:$0x1E900] =	vst v63  }
0x2e: {  	_ =	swait.ge [sflag:s23], $0x4000  }
0x2f: {  	[sflag:s23] =	ssyncset.done $0x0  }
0x30: {  	[sflag:s23] =	ssyncadd.s32 $0xFFFFC000  }
0x31: {  	[spmem:s13] =	stream.linear.scatter [tilespmem:s24], [sflag:$0x5], $0x4000, $0x38;
	[tilespmem:$0x1E900] =	vst v63  }
0x32: {  	_ =	swait.ge [sflag:s23], $0x4000  }
0x33: {  	[sflag:s23] =	ssyncset.done $0x0  }
0x34: {  	[sflag:s23] =	ssyncadd.s32 $0xFFFFC000  }
0x35: {  	[tilespmem:s4], [sflag:$0x5] =	stream.linear.gather [hbm4b:s14+s4], $0x80, $0x38;
	[tilespmem:$0x1E900] =	vst v63  }
0x36: {  	_ =	swait.ge [sflag:s23], $0x80  }
0x37: {  	[sflag:s23] =	ssyncset.done $0x0  }
0x38: {  	[sflag:s23] =	ssyncadd.s32 $0xFFFFFF80  }
0x39: {  	[tilespmem:s24], [sflag:$0x1] =	stream.indirect.gather [hbm4b:s0+s25], $0x80, s4, s25, $0xb8;
	[tilespmem:$0x1E900] =	vst v63  }
0x3a: {  	s8 =	rddreg [dreg:$0x6]  }
0x3b: {  	[tilespmem:s25], [sflag:$0x4] =	stream.linear.gather [hbm4b:s8+s4], $0x80, $0x38;
	[tilespmem:$0x1E900] =	vst v63  }
0x3c: {  	[bflag:$0x0] =	sbarrier.arrive $0xFFFF  }
0x3d: {  	_ =	swait.ge [sflag:s26], $0x4000  }
0x3e: {  	s15 =	simm.s32 $0x100;
	[sflag:s26] =	ssyncset.done $0x0  }
0x3f: {  	s22 =	sand.u32 $0x7C00, s15;
	[sflag:s26] =	ssyncadd.s32 $0xFFFFC000  }
0x40: {  	s1 =	sand.u32 $0x300, s15;
	s22 =	sadd.s32 s5, s22;
	_ =	swait.ge [sflag:s28], $0x80  }
0x41: {  	s1 =	sor.u32 s1, s22;
	[sflag:s28] =	ssyncset.done $0x0  }
0x42: {  	s1 =	sshrl.u32 s1, $0x3;
	[sflag:s28] =	ssyncadd.s32 $0xFFFFFF80  }
0x43: {  	[tilespmem:s29], [sflag:$0x2] =	stream.indirect.gather [hbm4b:s0+s25], $0x80, s25, s25, $0xb8;
	[tilespmem:$0x1E900] =	vst v63  }
0x44: {  	s1 =	sadd.s32 s6, s1  }
0x45: {  	[tilespmem:s4], [sflag:$0x3] =	stream.linear.gather [hbm4b:s1+s4], $0x80, $0x38;
	[tilespmem:$0x1E900] =	vst v63  }
0x46: {  	s7 =	simm.s32 $0x100  }
0x47: {  	[spmem:s3] =	stream.indirect.scatter.add.f32 [tilespmem:s24], [sflag:$0x5], $0x80, s7, s25, $0xb8;
	[tilespmem:$0x1E900] =	vst v63  }
0x48: {  	_ =	swait.ge [sflag:s23], $0x4000  }
0x49: {  	[sflag:s23] =	ssyncset.done $0x0  }
0x4a: {  	[sflag:s23] =	ssyncadd.s32 $0xFFFFC000  }
0x4b: {  	_ =	swait.ge [sflag:s30], $0x4000  }
0x4c: {  	s22 =	simm.s32 $0x180;
	[sflag:s30] =	ssyncset.done $0x0  }
0x4d: {  	s8 =	sand.u32 $0x7C00, s22;
	[sflag:s30] =	ssyncadd.s32 $0xFFFFC000  }
0x4e: {  	s15 =	sand.u32 $0x380, s22;
	s1 =	sadd.s32 s5, s8;
	_ =	swait.ge [sflag:s31], $0x80  }
0x4f: {  	s1 =	sor.u32 s15, s1;
	[sflag:s31] =	ssyncset.done $0x0  }
0x50: {  	s1 =	sshrl.u32 s1, $0x3;
	[sflag:s31] =	ssyncadd.s32 $0xFFFFFF80  }
0x51: {  	[tilespmem:s24], [sflag:$0x1] =	stream.indirect.gather [hbm4b:s0+s25], $0x80, s4, s25, $0xb8;
	[tilespmem:$0x1E900] =	vst v63  }
0x52: {  	s1 =	sadd.s32 s6, s1  }
0x53: {  	[tilespmem:s25], [sflag:$0x4] =	stream.linear.gather [hbm4b:s1+s4], $0x80, $0x38;
	[tilespmem:$0x1E900] =	vst v63  }
0x54: {  	_ = 	snop  }
0x55: {  	[spmem:s3] =	stream.indirect.scatter.add.f32 [tilespmem:s29], [sflag:$0x5], $0x80, s22, s25, $0xb8;
	[tilespmem:$0x1E900] =	vst v63  }
0x56: {  	s1 =	simm.s32 $0x280;
	_ =	swait.ge [sflag:s23], $0x4000  }
.LBB2_2:
0x57: {  	p0 =	sne.s32 s1, $0x2780;
	[sflag:s23] =	ssyncset.done $0x0;
	s22 =	sadd.s32 $0x100, s22  }
0x58: {  	s7 =	smov.u32 s1;
	s1 =	sadd.s32 $0x100, s1;
	[sflag:s23] =	ssyncadd.s32 $0xFFFFC000  }
0x59: {  	_ =	swait.ge [sflag:s26], $0x4000  }
0x5a: {  	[sflag:s26] =	ssyncset.done $0x0  }
0x5b: {  	s8 =	sadd.s32 $0xFFFFFF80, s7;
	[sflag:s26] =	ssyncadd.s32 $0xFFFFC000  }
0x5c: {  	s15 =	sand.u32 $0x7C00, s8;
	_ =	swait.ge [sflag:s28], $0x80  }
0x5d: {  	s8 =	sand.u32 $0x300, s8;
	s15 =	sadd.s32 s5, s15;
	[sflag:s28] =	ssyncset.done $0x0  }
0x5e: {  	s8 =	sor.u32 s8, s15;
	[sflag:s28] =	ssyncadd.s32 $0xFFFFFF80  }
0x5f: {  	[tilespmem:s29], [sflag:$0x2] =	stream.indirect.gather [hbm4b:s0+s25], $0x80, s25, s25, $0xb8;
	[tilespmem:$0x1E900] =	vst v63  }
0x60: {  	s8 =	sshrl.u32 s8, $0x3  }
0x61: {  	s15 =	sadd.s32 $0xFFFFFF80, s22;
	s8 =	sadd.s32 s6, s8  }
0x62: {  	[tilespmem:s4], [sflag:$0x3] =	stream.linear.gather [hbm4b:s8+s4], $0x80, $0x38;
	[tilespmem:$0x1E900] =	vst v63  }
0x63: {  	_ = 	snop  }
0x64: {  	[spmem:s3] =	stream.indirect.scatter.add.f32 [tilespmem:s24], [sflag:$0x5], $0x80, s15, s25, $0xb8;
	[tilespmem:$0x1E900] =	vst v63  }
0x65: {  	_ =	swait.ge [sflag:s23], $0x4000  }
0x66: {  	[sflag:s23] =	ssyncset.done $0x0  }
0x67: {  	[sflag:s23] =	ssyncadd.s32 $0xFFFFC000  }
0x68: {  	_ =	swait.ge [sflag:s30], $0x4000  }
0x69: {  	[sflag:s30] =	ssyncset.done $0x0  }
0x6a: {  	s8 =	sand.u32 $0x7C00, s7;
	[sflag:s30] =	ssyncadd.s32 $0xFFFFC000  }
0x6b: {  	s7 =	sand.u32 $0x380, s7;
	s8 =	sadd.s32 s5, s8;
	_ =	swait.ge [sflag:s31], $0x80  }
0x6c: {  	s7 =	sor.u32 s7, s8;
	[sflag:s31] =	ssyncset.done $0x0  }
0x6d: {  	s7 =	sshrl.u32 s7, $0x3;
	[sflag:s31] =	ssyncadd.s32 $0xFFFFFF80  }
0x6e: {  	[tilespmem:s24], [sflag:$0x1] =	stream.indirect.gather [hbm4b:s0+s25], $0x80, s4, s25, $0xb8;
	[tilespmem:$0x1E900] =	vst v63  }
.Ltmp0:
0x6f: {  	s7 =	sadd.s32 s6, s7;
	(pc) =	sbr.rel @p0 .LBB2_2-.Ltmp0, $4  }
0x70: {  	[tilespmem:s25], [sflag:$0x4] =	stream.linear.gather [hbm4b:s7+s4], $0x80, $0x38;
	[tilespmem:$0x1E900] =	vst v63  }
0x71: {  	_ = 	snop  }
0x72: {  	[spmem:s3] =	stream.indirect.scatter.add.f32 [tilespmem:s29], [sflag:$0x5], $0x80, s22, s25, $0xb8;
	[tilespmem:$0x1E900] =	vst v63  }
0x73: {  	_ =	swait.ge [sflag:s23], $0x4000  }
0x74: {  	[sflag:s23] =	ssyncset.done $0x0  }
0x75: {  	[sflag:s23] =	ssyncadd.s32 $0xFFFFC000  }
0x76: {  	_ =	swait.ge [sflag:s26], $0x4000  }
0x77: {  	[sflag:s26] =	ssyncset.done $0x0  }
0x78: {  	s1 =	simm.s32 $0x2800;
	[sflag:s26] =	ssyncadd.s32 $0xFFFFC000  }
0x79: {  	[spmem:s3] =	stream.indirect.scatter.add.f32 [tilespmem:s24], [sflag:$0x5], $0x80, s1, s25, $0xb8;
	[tilespmem:$0x1E900] =	vst v63  }
0x7a: {  	_ =	swait.ge [sflag:s23], $0x4000  }
0x7b: {  	[sflag:s23] =	ssyncset.done $0x0  }
0x7c: {  	[sflag:s23] =	ssyncadd.s32 $0xFFFFC000  }
0x7d: {  	_ =	swait.ge [sflag:s28], $0x80  }
0x7e: {  	[sflag:s28] =	ssyncset.done $0x0  }
0x7f: {  	[sflag:s28] =	ssyncadd.s32 $0xFFFFFF80  }
0x80: {  	[bflag:$0x0] =	sbarrier.arrive $0xFFFF  }
0x81: {  	[tilespmem:s24], [sflag:$0x5] =	stream.linear.gather [spmem:s9], $0x4000, $0x38;
	[tilespmem:$0x1E900] =	vst v63  }
0x82: {  	_ =	swait.ge [sflag:s23], $0x4000  }
0x83: {  	[sflag:s23] =	ssyncset.done $0x0  }
0x84: {  	[sflag:s23] =	ssyncadd.s32 $0xFFFFC000  }
0x85: {  	[hbm4b:s16+s4] =	stream.linear.scatter [tilespmem:s24], [sflag:$0x1], $0x4000, $0x38;
	[tilespmem:$0x1E900] =	vst v63  }
0x86: {  	_ = 	snop  }
0x87: {  	[tilespmem:s29], [sflag:$0x5] =	stream.linear.gather [spmem:s10], $0x4000, $0x38;
	[tilespmem:$0x1E900] =	vst v63  }
0x88: {  	_ =	swait.ge [sflag:s23], $0x4000  }
0x89: {  	[sflag:s23] =	ssyncset.done $0x0  }
0x8a: {  	[sflag:s23] =	ssyncadd.s32 $0xFFFFC000  }
0x8b: {  	[hbm4b:s17+s4] =	stream.linear.scatter [tilespmem:s29], [sflag:$0x2], $0x4000, $0x38;
	[tilespmem:$0x1E900] =	vst v63  }
0x8c: {  	_ =	swait.ge [sflag:s26], $0x4000  }
0x8d: {  	[sflag:s26] =	ssyncset.done $0x0  }
0x8e: {  	[sflag:s26] =	ssyncadd.s32 $0xFFFFC000  }
0x8f: {  	[tilespmem:s24], [sflag:$0x5] =	stream.linear.gather [spmem:s11], $0x4000, $0x38;
	[tilespmem:$0x1E900] =	vst v63  }
0x90: {  	_ =	swait.ge [sflag:s23], $0x4000  }
0x91: {  	[sflag:s23] =	ssyncset.done $0x0  }
0x92: {  	[sflag:s23] =	ssyncadd.s32 $0xFFFFC000  }
0x93: {  	[hbm4b:s18+s4] =	stream.linear.scatter [tilespmem:s24], [sflag:$0x1], $0x4000, $0x38;
	[tilespmem:$0x1E900] =	vst v63  }
0x94: {  	_ =	swait.ge [sflag:s30], $0x4000  }
0x95: {  	[sflag:s30] =	ssyncset.done $0x0  }
0x96: {  	[sflag:s30] =	ssyncadd.s32 $0xFFFFC000  }
0x97: {  	[tilespmem:s29], [sflag:$0x5] =	stream.linear.gather [spmem:s12], $0x4000, $0x38;
	[tilespmem:$0x1E900] =	vst v63  }
0x98: {  	_ =	swait.ge [sflag:s23], $0x4000  }
0x99: {  	[sflag:s23] =	ssyncset.done $0x0  }
0x9a: {  	[sflag:s23] =	ssyncadd.s32 $0xFFFFC000  }
0x9b: {  	[hbm4b:s19+s4] =	stream.linear.scatter [tilespmem:s29], [sflag:$0x2], $0x4000, $0x38;
	[tilespmem:$0x1E900] =	vst v63  }
0x9c: {  	_ =	swait.ge [sflag:s26], $0x4000  }
0x9d: {  	[sflag:s26] =	ssyncset.done $0x0  }
0x9e: {  	[sflag:s26] =	ssyncadd.s32 $0xFFFFC000  }
0x9f: {  	[tilespmem:s24], [sflag:$0x5] =	stream.linear.gather [spmem:s13], $0x4000, $0x38;
	[tilespmem:$0x1E900] =	vst v63  }
0xa0: {  	_ =	swait.ge [sflag:s23], $0x4000  }
0xa1: {  	[sflag:s23] =	ssyncset.done $0x0  }
0xa2: {  	s2 =	sadd.s32 $0x1, s2;
	[sflag:s23] =	ssyncadd.s32 $0xFFFFC000  }
0xa3: {  	[hbm4b:s20+s4] =	stream.linear.scatter [tilespmem:s24], [sflag:$0x1], $0x4000, $0x38;
	[tilespmem:$0x1E900] =	vst v63  }
0xa4: {  	p0 =	sne.s32 s2, s21;
	_ =	swait.ge [sflag:s30], $0x4000  }
.Ltmp1:
0xa5: {  	[sflag:s30] =	ssyncset.done $0x0;
	(pc) =	sbr.rel @p0 .LBB2_1-.Ltmp1, $4  }
0xa6: {  	[sflag:s30] =	ssyncadd.s32 $0xFFFFC000  }
0xa7: {  	_ =	swait.ge [sflag:s26], $0x4000  }
0xa8: {  	[sflag:s26] =	ssyncset.done $0x0  }
0xa9: {  	[sflag:s26] =	ssyncadd.s32 $0xFFFFC000  }
0xaa: {  	_ =	sfence.sel $0x180000  }
0xab: {  	[bflag:$0x0] =	sbarrier.arrive $0xFFFF  }
0xac: {  	_ =	strace $0x9000004A  }
0xad: {  	s0 =	stileid.u32;
	[bflag:$0x2] =	sbarrier.arrive $0xFFFF  }
0xae: {  	p0 =	sne.s32 s0, $0x0;
	s0 =	rddreg [dreg:$0x3]  }
0xaf: {  	s0 =	sadd.s32 @!p0 $0x100000, s0  }
0xb0: {  	[sflag:s0] =	ssyncadd.tile.s32 @!p0 $0x1;
	_ =	shalt  }
.Lfunc_end2:
_tile_overlayer_lowered:
.L_overlay_start_2:
0xb1: {  	(tag) =	ssettag $0x2  }
0xb2: {  	s0 =	rddreg [dreg:$0x0];
	s2 =	stileid.u32  }
0xb3: {  	s1 =	rddreg [dreg:$0x1];
	p0 =	sne.s32 s2, $0x0  }
0xb4: {  	s3 =	rddreg [dreg:$0x2];
	[bflag:$0x3] =	sbarrier.arrive $0xFFFF;
	s2 =	simm.s32 @!p0 $0x1C05  }
0xb5: {  	[timem:s3], [sflag:s2] =	dma.local @!p0 [hbm:s0], s1  }
0xb6: {  	s0 =	simm.s32 @!p0 $0x5  }
0xb7: {  	_ =	swait.ge @!p0 [sflag:s0], s1  }
0xb8: {  	s1 =	ssub.s32 @!p0 $0x0, s1;
	[sflag:s0] =	ssyncset.done @!p0 $0x0  }
0xb9: {  	[sflag:s0] =	ssyncadd.s32 @!p0 s1  }
0xba: {  	[bflag:$0x3] =	sbarrier.arrive $0xFFFF  }
0xbb: {  	_ =	shalt  }

// kernel: kernel.15.cloned.1.call-start
scs
__scs_entry_jumppad:
0x0: {  	(pc) =	sbr.rel $0x88, $3  }
0x1: {  	(tag) =	ssettag $0x0;
	lr =	simm.s32 $0x1  }
0x2: {  	[smem:$0x3F99] =	sst lr;
	_ =	strace $0xD0000000  }
0x3: {  	_ = 	snop  }
0x4: {  	_ = 	snop  }
0x5: {  	_ = 	snop  }
0x6: {  	_ = 	snop  }
0x7: {  	_ = 	snop  }
__scs_overlays_trampoline_lowered:
0x8: {  	[smem:$0x3FA8] =	sst s0  }
0x9: {  	[smem:$0x3FA9] =	sst s1  }
0xa: {  	[smem:$0x3FAA] =	sst s2  }
0xb: {  	[smem:$0x3FAB] =	sst s3  }
0xc: {  	[smem:$0x3FAC] =	sst s4  }
0xd: {  	[smem:$0x3FAD] =	sst s5  }
0xe: {  	[smem:$0x3FAE] =	sst s6  }
0xf: {  	[smem:$0x3FAF] =	sst s7  }
0x10: {  	[smem:$0x3FB0] =	sst s8  }
0x11: {  	[smem:$0x3FB1] =	sst s9;
	s0 =	simm.s32 @!p0 $0x0  }
0x12: {  	s1 =	sld [smem:$0x3F97];
	s0 =	simm.s32 @p0 $0x1  }
0x13: {  	[smem:$0x3FB2] =	sst s0;
	s0 =	simm.s32 @!p1 $0x0  }
0x14: {  	s2 =	sld [smem:$0x3F96];
	s0 =	simm.s32 @p1 $0x1  }
0x15: {  	[smem:$0x3FB3] =	sst s0;
	s0 =	simm.s32 @!p2 $0x0  }
0x16: {  	s3 =	sld [smem:$0x3FDB];
	s0 =	simm.s32 @p2 $0x1  }
0x17: {  	s4 =	simm.s32 $0x1BF5;
	[smem:$0x3FB5] =	sst s0  }
0x18: {  	s0 =	sld [smem:$0x3F98];
	_ =	swait.ge [sflag:s4], $0x0  }
0x19: {  	s7 =	sld [smem:$0x3F99]  }
0x1a: {  	s8 =	sadd.s32 $0xFFFFE003, lr  }
0x1b: {  	s9 =	sadd.s32 $0xFFFFFEF7, lr;
	s5 =	simm.s32 $0xFFFFFFFF;
	p2 =	slt.u32 s8, $0xFFFFF086  }
0x1c: {  	p1 =	slt.u32 s9, $0xF7A;
	s5 =	simm.s32 @!p2 $0x0  }
0x1d: {  	s5 =	simm.s32 @p1 $0x1;
	p0 =	seq.s32 s7, s2  }
0x1e: {  	s7 =	smul.u32 @!p0 $0xF7A, s2;
	p2 =	seq.s32 @!p0 s5, $0x0  }
0x1f: {  	s9 =	smul.u32 $0xF7A, s1;
	s8 =	simm.s32 @!p0 $0x1BF5;
	p2 =	por !p2, p0  }
0x20: {  	[sflag:s8] =	ssyncset.s32 @!p0 $0xFFFFF086;
	s6 =	sadd.s32 @!p0 s3, s7;
	s7 =	simm.s32 @!p0 $0x108  }
0x21: {  	s3 =	sadd.s32 s3, s9;
	s6 =	sadd.s32 @!p0 $0x88, s6;
	s7 =	simm.s32 @p2 $0x1082  }
0x22: {  	[simem:s7], [sflag:s8] =	dma.local @!p0 [hbm:s6], $0xF7A  }
0x23: {  	s9 =	sor.u32 $0xD0000000, s2;
	s6 =	simm.s32 $0x108;
	_ =	swait.ge @!p0 [sflag:s8], $0x0  }
0x24: {  	s3 =	sadd.s32 $0x88, s3;
	s6 =	simm.s32 @!p1 $0x1082;
	[sflag:s4] =	ssyncset.s32 $0xFFFFF086  }
0x25: {  	[simem:s6], [sflag:s4] =	dma.local [hbm:s3], $0xF7A  }
0x26: {  	[smem:$0x3F99] =	sst s1;
	(tag) =	ssettag s2;
	_ =	strace s9  }
0x27: {  	s1 =	sld [smem:$0x3FA9]  }
0x28: {  	s2 =	sld [smem:$0x3FAA]  }
0x29: {  	s4 =	sld [smem:$0x3FAC]  }
0x2a: {  	p0 =	seq.s32 s5, $0x0;
	s5 =	sld [smem:$0x3FAD]  }
0x2b: {  	s6 =	sld [smem:$0x3FAE]  }
0x2c: {  	s7 =	sld [smem:$0x3FAF]  }
0x2d: {  	s3 =	simm.s32 $0x108;
	s8 =	sld [smem:$0x3FB0]  }
0x2e: {  	s3 =	simm.s32 @!p0 $0x1082;
	s9 =	sld [smem:$0x3FB1]  }
0x2f: {  	lr =	sadd.s32 s0, s3;
	s0 =	sld [smem:$0x3FA8]  }
0x30: {  	s3 =	sld [smem:$0x3FAB]  }
0x31: {  	[smem:$0x3FB4] =	sst s10  }
0x32: {  	s10 =	sld [smem:$0x3FB2];
	_ =	sdelay $0x3  }
0x33: {  	p0 =	seq.s32 s10, $0x1;
	s10 =	sld [smem:$0x3FB4];
	_ =	sdelay $0x3  }
0x34: {  	[smem:$0x3FB4] =	sst s10  }
0x35: {  	s10 =	sld [smem:$0x3FB3];
	_ =	sdelay $0x3  }
0x36: {  	p1 =	seq.s32 s10, $0x1;
	s10 =	sld [smem:$0x3FB4];
	_ =	sdelay $0x3  }
0x37: {  	[smem:$0x3FB4] =	sst s10  }
0x38: {  	s10 =	sld [smem:$0x3FB5]  }
0x39: {  	_ = 	snop;
	(pc) =	sbr.ind lr, $3  }
0x3a: {  	_ = 	snop  }
0x3b: {  	_ = 	snop  }
0x3c: {  	p2 =	seq.s32 s10, $0x1;
	s10 =	sld [smem:$0x3FB4]  }
0x3d: {  	_ =	shalt  }
0x3e: {  	_ =	shalt  }
0x3f: {  	_ =	shalt  }
0x40: {  	_ =	shalt  }
0x41: {  	_ =	shalt  }
0x42: {  	_ =	shalt  }
0x43: {  	_ =	shalt  }
0x44: {  	_ =	shalt  }
0x45: {  	_ =	shalt  }
0x46: {  	_ =	shalt  }
0x47: {  	_ =	shalt  }
0x48: {  	_ =	shalt  }
0x49: {  	_ =	shalt  }
0x4a: {  	_ =	shalt  }
0x4b: {  	_ =	shalt  }
0x4c: {  	_ =	shalt  }
0x4d: {  	_ =	shalt  }
0x4e: {  	_ =	shalt  }
0x4f: {  	_ =	shalt  }
0x50: {  	_ =	shalt  }
0x51: {  	_ =	shalt  }
0x52: {  	_ =	shalt  }
0x53: {  	_ =	shalt  }
0x54: {  	_ =	shalt  }
0x55: {  	_ =	shalt  }
0x56: {  	_ =	shalt  }
0x57: {  	_ =	shalt  }
0x58: {  	_ =	shalt  }
0x59: {  	_ =	shalt  }
0x5a: {  	_ =	shalt  }
0x5b: {  	_ =	shalt  }
0x5c: {  	_ =	shalt  }
0x5d: {  	_ =	shalt  }
0x5e: {  	_ =	shalt  }
0x5f: {  	_ =	shalt  }
0x60: {  	_ =	shalt  }
0x61: {  	_ =	shalt  }
0x62: {  	_ =	shalt  }
0x63: {  	_ =	shalt  }
0x64: {  	_ =	shalt  }
0x65: {  	_ =	shalt  }
0x66: {  	_ =	shalt  }
0x67: {  	_ =	shalt  }
0x68: {  	_ =	shalt  }
0x69: {  	_ =	shalt  }
0x6a: {  	_ =	shalt  }
0x6b: {  	_ =	shalt  }
0x6c: {  	_ =	shalt  }
0x6d: {  	_ =	shalt  }
0x6e: {  	_ =	shalt  }
0x6f: {  	_ =	shalt  }
0x70: {  	_ =	shalt  }
0x71: {  	_ =	shalt  }
0x72: {  	_ =	shalt  }
0x73: {  	_ =	shalt  }
0x74: {  	_ =	shalt  }
0x75: {  	_ =	shalt  }
0x76: {  	_ =	shalt  }
0x77: {  	_ =	shalt  }
0x78: {  	_ =	shalt  }
0x79: {  	_ =	shalt  }
0x7a: {  	_ =	shalt  }
0x7b: {  	_ =	shalt  }
0x7c: {  	_ =	shalt  }
0x7d: {  	_ =	shalt  }
0x7e: {  	_ =	shalt  }
0x7f: {  	_ =	shalt  }
0x80: {  	_ =	shalt  }
0x81: {  	_ =	shalt  }
0x82: {  	_ =	shalt  }
0x83: {  	_ =	shalt  }
0x84: {  	_ =	shalt  }
0x85: {  	_ =	shalt  }
0x86: {  	_ =	shalt  }
0x87: {  	_ =	shalt  }
.Lfunc_end0:
.L_simem_size_0:
called_computation.2_lowered:
.L_overlay_start_0:
0x88: {  	s2 =	sld [smem:$0x3FD9]  }
0x89: {  	s3 =	sld [smem:$0x3FFE];
	_ =	sdelay $0x1  }
0x8a: {  	s1 =	srdreg.scid  }
0x8b: {  	s0 =	sand.u32 $0x1, s1  }
0x8c: {  	s14 =	sshll.u32 s0, $0xA;
	s2 =	sadd.s32 s3, s2  }
0x8d: {  	s2 =	sadd.s32 s2, s14  }
0x8e: {  	[smem:$0x3FC0] =	sst s2  }
0x8f: {  	_ = 	snop  }
0x90: {  	s2 =	sld [smem:$0x3FD0];
	_ =	sdelay $0x2  }
0x91: {  	s15 =	simm.s32 $0xA;
	s4 =	simm.s32 $0x10  }
0x92: {  	[smem:s4], [sflag:s15] =	dma.local [hbm:s2], $0x1  }
0x93: {  	_ =	swait.eq [sflag:s15], $0x1  }
0x94: {  	[sflag:s15] =	ssyncset.done $0x0  }
0x95: {  	[sflag:s15] =	ssyncadd.s32 $0xFFFFFFFF  }
0x96: {  	s16 =	sld [smem:$0x11];
	(tm) =	ssettm $0x1  }
0x97: {  	s17 =	sld [smem:$0x3FFB];
	_ =	sdelay $0x3  }
0x98: {  	_ =	strace s17  }
0x99: {  	s3 =	sld [smem:$0x3FFC];
	_ =	sdelay $0x3  }
0x9a: {  	_ =	strace s3  }
0x9b: {  	s3 =	sld [smem:$0x3FFD];
	_ =	sdelay $0x3  }
0x9c: {  	_ =	strace s3  }
0x9d: {  	_ =	strace $0x8FFFFFFF  }
0x9e: {  	s18 =	sld [smem:$0x3FDB];
	_ =	sdelay $0x1  }
0x9f: {  	s19 =	simm.s32 $_scs_section_size  }
0xa0: {  	s5 =	simm.s32 $_size__tile_overlayer_lowered;
	s6 =	simm.s32 $_tile_overlayer_lowered  }
0xa1: {  	s22 =	simm.s32 $0x1BFF;
	s21 =	sshll.u32 s6, $0x1;
	s3 =	sadd.s32 s19, s18  }
0xa2: {  	s7 =	simm.s32 $0x0;
	s20 =	sshll.u32 s5, $0x1;
	s5 =	sadd.s32 s21, s3  }
0xa3: {  	[timem:s7], [sflag:s22] =	dma.local [hbm:s5], s20  }
0xa4: {  	_ =	swait.ge [sflag:s22], s20  }
0xa5: {  	s4 =	ssub.s32 $0x0, s20;
	[sflag:s22] =	ssyncset.done $0x0  }
0xa6: {  	[sflag:s22] =	ssyncadd.s32 s4;
	_ =	sdelay $0x1  }
0xa7: {  	s23 =	simm.s32 $0x1B8B  }
0xa8: {  	_ =	swait.ge [sflag:s23], $0x1  }
0xa9: {  	[sflag:s23] =	ssyncset.done $0x0  }
0xaa: {  	s25 =	simm.s32 $0x1B8E;
	s24 =	sld [smem:$0x3FFE];
	[sflag:s23] =	ssyncadd.s32 $0xFFFFFFFF  }
0xab: {  	s26 =	simm.s32 $execute0_lowered;
	[smem:$0x3FD2] =	sst s25  }
0xac: {  	s5 =	sshll.u32 s26, $0x1;
	_ =	strace $0x8000004C;
	[dreg:$0x1] =	wrdreg $0xFFFFFFFF  }
0xad: {  	s28 =	simm.s32 $_size_execute0_lowered;
	s3 =	sadd.s32 s3, s5;
	[dreg:$0x0] =	wrdreg $0x0  }
0xae: {  	s5 =	sshll.u32 s28, $0x1;
	[dreg:$0x2] =	wrdreg s3  }
0xaf: {  	[dreg:$0x3] =	wrdreg s5  }
0xb0: {  	[dreg:$0x4] =	wrdreg $0xC0  }
0xb1: {  	_ =	task [dreg:s7], $0x5FFFF  }
0xb2: {  	[dreg:$0x1] =	wrdreg $0xFFFFFFFF  }
0xb3: {  	[dreg:$0x0] =	wrdreg $0x60  }
0xb4: {  	[dreg:$0x2] =	wrdreg s16  }
0xb5: {  	[dreg:$0x3] =	wrdreg s24  }
0xb6: {  	[dreg:$0x4] =	wrdreg $0xA9000  }
0xb7: {  	[dreg:$0x5] =	wrdreg $0x9  }
0xb8: {  	_ =	task.clear_ibuf [dreg:s7], $0x6FFFF;
	_ =	strace $0x9000004C  }
0xb9: {  	s29 =	simm.s32 $0x9;
	_ =	strace $0x8000004E  }
0xba: {  	_ =	swait.ge [sflag:s29], $0x1  }
0xbb: {  	[sflag:s29] =	ssyncadd.s32 $0xFFFFFFFF  }
0xbc: {  	_ =	strace $0x9000004E  }
0xbd: {  	_ =	sfence  }
0xbe: {  	s30 =	sld [smem:$0x0];
	_ =	sdelay $0x2  }
0xbf: {  	s31 =	sshll.u32 s1, $0xD;
	s1 =	sshrl.u32 s1, $0x2  }
0xc0: {  	s3 =	sand.u32 $0x4000, s31;
	s1 =	sadd.s32 s1, s30  }
0xc1: {  	s0 =	sor.u32 s3, s0;
	s1 =	sshll.u32 s1, $0x11  }
0xc2: {  	s0 =	sor.u32 s1, s0  }
0xc3: {  	s0 =	sadd.s32 $0x8F2B, s0  }
0xc4: {  	[sflag:s0] =	ssyncadd.remote.s32 $0x1  }
0xc5: {  	_ =	sfence.sel $0xFFFF  }
0xc6: {  	[dreg:$0x0] =	wrdreg $0xFFFFFFFF;
	(pc) =	sbr.abs _section_cstart, $3  }
0xc7: {  	[dreg:$0x1] =	wrdreg $0xFFFFFFFF  }
0xc8: {  	_ =	task.clear_ibuf [dreg:s7], $0x2FFFF;
	_ =	strace $0x9FFFFFFF  }
0xc9: {  	(tm) =	ssettm $0x7FFFFFFF  }
tec
execute0_lowered:
.L_overlay_start_1:
0x0: {  	(tag) =	ssettag $0x1  }
0x1: {  	s0 =	rddreg [dreg:$0x0]  }
0x2: {  	s2 =	rddreg [dreg:$0x1]  }
0x3: {  	s1 =	srdreg.scid;
	s3 =	rddreg [dreg:$0x2]  }
0x4: {  	s7 =	stileid.u32;
	s4 =	simm.s32 $0x0;
	s28 =	simm.s32 $0x4  }
0x5: {  	s29 =	simm.s32 $0x6900;
	s30 =	simm.s32 $0x2;
	s31 =	simm.s32 $0x3  }
0x6: {  	s1 =	sand.u32 $0x1, s1;
	[smem:$0x7FF] =	sst s4;
	s8 =	smul.u32 $0x50000, s7  }
0x7: {  	s6 =	sadd.s32 $0xD200, s2;
	s15 =	smul.u32 $0x14000, s7;
	s23 =	sadd.s32 $0x17200, s2  }
0x8: {  	s5 =	sshll.u32 s1, $0x4;
	_ =	strace $0x8000004D;
	s10 =	ssub.s32 $0x2, s1  }
0x9: {  	[dreg:$0x4] =	wrdreg s23;
	s1 =	smul.u32 $0x140000, s1;
	s23 =	simm.s32 $0x5  }
0xa: {  	s5 =	sor.u32 s7, s5;
	s11 =	sshrl.u32 s10, $0x1;
	s24 =	sshrl.u32 s8, $0x2  }
0xb: {  	s16 =	sadd.s32 $0x4000, s15;
	s18 =	sadd.s32 $0x8000, s15;
	s19 =	sadd.s32 $0xC000, s15  }
0xc: {  	s20 =	sadd.s32 $0x10000, s15;
	s5 =	smul.u32 $0x2800, s5;
	s21 =	ssub.s32 s10, s11  }
0xd: {  	s10 =	sadd.s32 s16, s3;
	s11 =	sadd.s32 s18, s3;
	s12 =	sadd.s32 s19, s3  }
0xe: {  	s13 =	sadd.s32 s20, s3;
	s15 =	sadd.s32 s15, s1;
	s16 =	sadd.s32 s1, s16  }
0xf: {  	s18 =	sadd.s32 s1, s18;
	s19 =	sadd.s32 s1, s19;
	s1 =	sadd.s32 s1, s20  }
0x10: {  	s17 =	sshrl.u32 s15, $0x3;
	s22 =	sshrl.u32 s16, $0x3;
	s18 =	sshrl.u32 s18, $0x3  }
0x11: {  	s19 =	sshrl.u32 s19, $0x3;
	s1 =	sshrl.u32 s1, $0x3;
	s14 =	sshrl.u32 s5, $0x3  }
0x12: {  	s21 =	smax.u32 s21, $0x1;
	s9 =	sadd.s32 s14, s2;
	s2 =	sadd.s32 $0x17A00, s2  }
0x13: {  	s14 =	sadd.s32 s6, s14;
	s25 =	sadd.s32 $0x2E00, s9;
	s9 =	sadd.s32 s24, s3  }
0x14: {  	s26 =	sadd.s32 $0x10, s14;
	s16 =	sadd.s32 s2, s17;
	s17 =	sadd.s32 s2, s22  }
0x15: {  	s18 =	sadd.s32 s2, s18;
	s19 =	sadd.s32 s2, s19;
	s20 =	sadd.s32 s2, s1  }
0x16: {  	s24 =	simm.s32 $0x2900;
	s2 =	simm.s32 $0x0;
	[dreg:$0x5] =	wrdreg s25  }
0x17: {  	[dreg:$0x6] =	wrdreg s26;
	s25 =	simm.s32 $0x80;
	s26 =	simm.s32 $0x1  }
.LBB2_1:
0x18: {  	s1 =	rddreg [dreg:$0x5];
	s7 =	simm.s32 $0x100  }
0x19: {  	[tilespmem:s7], [sflag:$0x5] =	stream.linear.gather [hbm4b:s1+s4], $0x2780, $0x38;
	[tilespmem:$0x1E900] =	vst v63  }
0x1a: {  	_ =	swait.ge [sflag:s23], $0x2780  }
0x1b: {  	[sflag:s23] =	ssyncset.done $0x0  }
0x1c: {  	s7 =	rddreg [dreg:$0x4];
	[sflag:s23] =	ssyncadd.s32 $0xFFFFD880  }
0x1d: {  	[tilespmem:s24], [sflag:$0x5] =	stream.linear.gather [hbm4b:s7+s4], $0x4000, $0x38;
	[tilespmem:$0x1E900] =	vst v63  }
0x1e: {  	_ =	swait.ge [sflag:s23], $0x4000  }
0x1f: {  	[sflag:s23] =	ssyncset.done $0x0  }
0x20: {  	[sflag:s23] =	ssyncadd.s32 $0xFFFFC000  }
0x21: {  	[spmem:s9] =	stream.linear.scatter [tilespmem:s24], [sflag:$0x5], $0x4000, $0x38;
	[tilespmem:$0x1E900] =	vst v63  }
0x22: {  	_ =	swait.ge [sflag:s23], $0x4000  }
0x23: {  	[sflag:s23] =	ssyncset.done $0x0  }
0x24: {  	[sflag:s23] =	ssyncadd.s32 $0xFFFFC000  }
0x25: {  	[spmem:s10] =	stream.linear.scatter [tilespmem:s24], [sflag:$0x5], $0x4000, $0x38;
	[tilespmem:$0x1E900] =	vst v63  }
0x26: {  	_ =	swait.ge [sflag:s23], $0x4000  }
0x27: {  	[sflag:s23] =	ssyncset.done $0x0  }
0x28: {  	[sflag:s23] =	ssyncadd.s32 $0xFFFFC000  }
0x29: {  	[spmem:s11] =	stream.linear.scatter [tilespmem:s24], [sflag:$0x5], $0x4000, $0x38;
	[tilespmem:$0x1E900] =	vst v63  }
0x2a: {  	_ =	swait.ge [sflag:s23], $0x4000  }
0x2b: {  	[sflag:s23] =	ssyncset.done $0x0  }
0x2c: {  	[sflag:s23] =	ssyncadd.s32 $0xFFFFC000  }
0x2d: {  	[spmem:s12] =	stream.linear.scatter [tilespmem:s24], [sflag:$0x5], $0x4000, $0x38;
	[tilespmem:$0x1E900] =	vst v63  }
0x2e: {  	_ =	swait.ge [sflag:s23], $0x4000  }
0x2f: {  	[sflag:s23] =	ssyncset.done $0x0  }
0x30: {  	[sflag:s23] =	ssyncadd.s32 $0xFFFFC000  }
0x31: {  	[spmem:s13] =	stream.linear.scatter [tilespmem:s24], [sflag:$0x5], $0x4000, $0x38;
	[tilespmem:$0x1E900] =	vst v63  }
0x32: {  	_ =	swait.ge [sflag:s23], $0x4000  }
0x33: {  	[sflag:s23] =	ssyncset.done $0x0  }
0x34: {  	[sflag:s23] =	ssyncadd.s32 $0xFFFFC000  }
0x35: {  	[tilespmem:s4], [sflag:$0x5] =	stream.linear.gather [hbm4b:s14+s4], $0x80, $0x38;
	[tilespmem:$0x1E900] =	vst v63  }
0x36: {  	_ =	swait.ge [sflag:s23], $0x80  }
0x37: {  	[sflag:s23] =	ssyncset.done $0x0  }
0x38: {  	[sflag:s23] =	ssyncadd.s32 $0xFFFFFF80  }
0x39: {  	[tilespmem:s24], [sflag:$0x1] =	stream.indirect.gather [hbm4b:s0+s25], $0x80, s4, s25, $0xb8;
	[tilespmem:$0x1E900] =	vst v63  }
0x3a: {  	s8 =	rddreg [dreg:$0x6]  }
0x3b: {  	[tilespmem:s25], [sflag:$0x4] =	stream.linear.gather [hbm4b:s8+s4], $0x80, $0x38;
	[tilespmem:$0x1E900] =	vst v63  }
0x3c: {  	[bflag:$0x0] =	sbarrier.arrive $0xFFFF  }
0x3d: {  	_ =	swait.ge [sflag:s26], $0x4000  }
0x3e: {  	s15 =	simm.s32 $0x100;
	[sflag:s26] =	ssyncset.done $0x0  }
0x3f: {  	s22 =	sand.u32 $0x7C00, s15;
	[sflag:s26] =	ssyncadd.s32 $0xFFFFC000  }
0x40: {  	s1 =	sand.u32 $0x300, s15;
	s22 =	sadd.s32 s5, s22;
	_ =	swait.ge [sflag:s28], $0x80  }
0x41: {  	s1 =	sor.u32 s1, s22;
	[sflag:s28] =	ssyncset.done $0x0  }
0x42: {  	s1 =	sshrl.u32 s1, $0x3;
	[sflag:s28] =	ssyncadd.s32 $0xFFFFFF80  }
0x43: {  	[tilespmem:s29], [sflag:$0x2] =	stream.indirect.gather [hbm4b:s0+s25], $0x80, s25, s25, $0xb8;
	[tilespmem:$0x1E900] =	vst v63  }
0x44: {  	s1 =	sadd.s32 s6, s1  }
0x45: {  	[tilespmem:s4], [sflag:$0x3] =	stream.linear.gather [hbm4b:s1+s4], $0x80, $0x38;
	[tilespmem:$0x1E900] =	vst v63  }
0x46: {  	s7 =	simm.s32 $0x100  }
0x47: {  	[spmem:s3] =	stream.indirect.scatter.add.f32 [tilespmem:s24], [sflag:$0x5], $0x80, s7, s25, $0xb8;
	[tilespmem:$0x1E900] =	vst v63  }
0x48: {  	_ =	swait.ge [sflag:s23], $0x4000  }
0x49: {  	[sflag:s23] =	ssyncset.done $0x0  }
0x4a: {  	[sflag:s23] =	ssyncadd.s32 $0xFFFFC000  }
0x4b: {  	_ =	swait.ge [sflag:s30], $0x4000  }
0x4c: {  	s22 =	simm.s32 $0x180;
	[sflag:s30] =	ssyncset.done $0x0  }
0x4d: {  	s8 =	sand.u32 $0x7C00, s22;
	[sflag:s30] =	ssyncadd.s32 $0xFFFFC000  }
0x4e: {  	s15 =	sand.u32 $0x380, s22;
	s1 =	sadd.s32 s5, s8;
	_ =	swait.ge [sflag:s31], $0x80  }
0x4f: {  	s1 =	sor.u32 s15, s1;
	[sflag:s31] =	ssyncset.done $0x0  }
0x50: {  	s1 =	sshrl.u32 s1, $0x3;
	[sflag:s31] =	ssyncadd.s32 $0xFFFFFF80  }
0x51: {  	[tilespmem:s24], [sflag:$0x1] =	stream.indirect.gather [hbm4b:s0+s25], $0x80, s4, s25, $0xb8;
	[tilespmem:$0x1E900] =	vst v63  }
0x52: {  	s1 =	sadd.s32 s6, s1  }
0x53: {  	[tilespmem:s25], [sflag:$0x4] =	stream.linear.gather [hbm4b:s1+s4], $0x80, $0x38;
	[tilespmem:$0x1E900] =	vst v63  }
0x54: {  	_ = 	snop  }
0x55: {  	[spmem:s3] =	stream.indirect.scatter.add.f32 [tilespmem:s29], [sflag:$0x5], $0x80, s22, s25, $0xb8;
	[tilespmem:$0x1E900] =	vst v63  }
0x56: {  	s1 =	simm.s32 $0x280;
	_ =	swait.ge [sflag:s23], $0x4000  }
.LBB2_2:
0x57: {  	p0 =	sne.s32 s1, $0x2780;
	[sflag:s23] =	ssyncset.done $0x0;
	s22 =	sadd.s32 $0x100, s22  }
0x58: {  	s7 =	smov.u32 s1;
	s1 =	sadd.s32 $0x100, s1;
	[sflag:s23] =	ssyncadd.s32 $0xFFFFC000  }
0x59: {  	_ =	swait.ge [sflag:s26], $0x4000  }
0x5a: {  	[sflag:s26] =	ssyncset.done $0x0  }
0x5b: {  	s8 =	sadd.s32 $0xFFFFFF80, s7;
	[sflag:s26] =	ssyncadd.s32 $0xFFFFC000  }
0x5c: {  	s15 =	sand.u32 $0x7C00, s8;
	_ =	swait.ge [sflag:s28], $0x80  }
0x5d: {  	s8 =	sand.u32 $0x300, s8;
	s15 =	sadd.s32 s5, s15;
	[sflag:s28] =	ssyncset.done $0x0  }
0x5e: {  	s8 =	sor.u32 s8, s15;
	[sflag:s28] =	ssyncadd.s32 $0xFFFFFF80  }
0x5f: {  	[tilespmem:s29], [sflag:$0x2] =	stream.indirect.gather [hbm4b:s0+s25], $0x80, s25, s25, $0xb8;
	[tilespmem:$0x1E900] =	vst v63  }
0x60: {  	s8 =	sshrl.u32 s8, $0x3  }
0x61: {  	s15 =	sadd.s32 $0xFFFFFF80, s22;
	s8 =	sadd.s32 s6, s8  }
0x62: {  	[tilespmem:s4], [sflag:$0x3] =	stream.linear.gather [hbm4b:s8+s4], $0x80, $0x38;
	[tilespmem:$0x1E900] =	vst v63  }
0x63: {  	_ = 	snop  }
0x64: {  	[spmem:s3] =	stream.indirect.scatter.add.f32 [tilespmem:s24], [sflag:$0x5], $0x80, s15, s25, $0xb8;
	[tilespmem:$0x1E900] =	vst v63  }
0x65: {  	_ =	swait.ge [sflag:s23], $0x4000  }
0x66: {  	[sflag:s23] =	ssyncset.done $0x0  }
0x67: {  	[sflag:s23] =	ssyncadd.s32 $0xFFFFC000  }
0x68: {  	_ =	swait.ge [sflag:s30], $0x4000  }
0x69: {  	[sflag:s30] =	ssyncset.done $0x0  }
0x6a: {  	s8 =	sand.u32 $0x7C00, s7;
	[sflag:s30] =	ssyncadd.s32 $0xFFFFC000  }
0x6b: {  	s7 =	sand.u32 $0x380, s7;
	s8 =	sadd.s32 s5, s8;
	_ =	swait.ge [sflag:s31], $0x80  }
0x6c: {  	s7 =	sor.u32 s7, s8;
	[sflag:s31] =	ssyncset.done $0x0  }
0x6d: {  	s7 =	sshrl.u32 s7, $0x3;
	[sflag:s31] =	ssyncadd.s32 $0xFFFFFF80  }
0x6e: {  	[tilespmem:s24], [sflag:$0x1] =	stream.indirect.gather [hbm4b:s0+s25], $0x80, s4, s25, $0xb8;
	[tilespmem:$0x1E900] =	vst v63  }
.Ltmp0:
0x6f: {  	s7 =	sadd.s32 s6, s7;
	(pc) =	sbr.rel @p0 .LBB2_2-.Ltmp0, $4  }
0x70: {  	[tilespmem:s25], [sflag:$0x4] =	stream.linear.gather [hbm4b:s7+s4], $0x80, $0x38;
	[tilespmem:$0x1E900] =	vst v63  }
0x71: {  	_ = 	snop  }
0x72: {  	[spmem:s3] =	stream.indirect.scatter.add.f32 [tilespmem:s29], [sflag:$0x5], $0x80, s22, s25, $0xb8;
	[tilespmem:$0x1E900] =	vst v63  }
0x73: {  	_ =	swait.ge [sflag:s23], $0x4000  }
0x74: {  	[sflag:s23] =	ssyncset.done $0x0  }
0x75: {  	[sflag:s23] =	ssyncadd.s32 $0xFFFFC000  }
0x76: {  	_ =	swait.ge [sflag:s26], $0x4000  }
0x77: {  	[sflag:s26] =	ssyncset.done $0x0  }
0x78: {  	s1 =	simm.s32 $0x2800;
	[sflag:s26] =	ssyncadd.s32 $0xFFFFC000  }
0x79: {  	[spmem:s3] =	stream.indirect.scatter.add.f32 [tilespmem:s24], [sflag:$0x5], $0x80, s1, s25, $0xb8;
	[tilespmem:$0x1E900] =	vst v63  }
0x7a: {  	_ =	swait.ge [sflag:s23], $0x4000  }
0x7b: {  	[sflag:s23] =	ssyncset.done $0x0  }
0x7c: {  	[sflag:s23] =	ssyncadd.s32 $0xFFFFC000  }
0x7d: {  	_ =	swait.ge [sflag:s28], $0x80  }
0x7e: {  	[sflag:s28] =	ssyncset.done $0x0  }
0x7f: {  	[sflag:s28] =	ssyncadd.s32 $0xFFFFFF80  }
0x80: {  	[bflag:$0x0] =	sbarrier.arrive $0xFFFF  }
0x81: {  	[tilespmem:s24], [sflag:$0x5] =	stream.linear.gather [spmem:s9], $0x4000, $0x38;
	[tilespmem:$0x1E900] =	vst v63  }
0x82: {  	_ =	swait.ge [sflag:s23], $0x4000  }
0x83: {  	[sflag:s23] =	ssyncset.done $0x0  }
0x84: {  	[sflag:s23] =	ssyncadd.s32 $0xFFFFC000  }
0x85: {  	[hbm4b:s16+s4] =	stream.linear.scatter [tilespmem:s24], [sflag:$0x1], $0x4000, $0x38;
	[tilespmem:$0x1E900] =	vst v63  }
0x86: {  	_ = 	snop  }
0x87: {  	[tilespmem:s29], [sflag:$0x5] =	stream.linear.gather [spmem:s10], $0x4000, $0x38;
	[tilespmem:$0x1E900] =	vst v63  }
0x88: {  	_ =	swait.ge [sflag:s23], $0x4000  }
0x89: {  	[sflag:s23] =	ssyncset.done $0x0  }
0x8a: {  	[sflag:s23] =	ssyncadd.s32 $0xFFFFC000  }
0x8b: {  	[hbm4b:s17+s4] =	stream.linear.scatter [tilespmem:s29], [sflag:$0x2], $0x4000, $0x38;
	[tilespmem:$0x1E900] =	vst v63  }
0x8c: {  	_ =	swait.ge [sflag:s26], $0x4000  }
0x8d: {  	[sflag:s26] =	ssyncset.done $0x0  }
0x8e: {  	[sflag:s26] =	ssyncadd.s32 $0xFFFFC000  }
0x8f: {  	[tilespmem:s24], [sflag:$0x5] =	stream.linear.gather [spmem:s11], $0x4000, $0x38;
	[tilespmem:$0x1E900] =	vst v63  }
0x90: {  	_ =	swait.ge [sflag:s23], $0x4000  }
0x91: {  	[sflag:s23] =	ssyncset.done $0x0  }
0x92: {  	[sflag:s23] =	ssyncadd.s32 $0xFFFFC000  }
0x93: {  	[hbm4b:s18+s4] =	stream.linear.scatter [tilespmem:s24], [sflag:$0x1], $0x4000, $0x38;
	[tilespmem:$0x1E900] =	vst v63  }
0x94: {  	_ =	swait.ge [sflag:s30], $0x4000  }
0x95: {  	[sflag:s30] =	ssyncset.done $0x0  }
0x96: {  	[sflag:s30] =	ssyncadd.s32 $0xFFFFC000  }
0x97: {  	[tilespmem:s29], [sflag:$0x5] =	stream.linear.gather [spmem:s12], $0x4000, $0x38;
	[tilespmem:$0x1E900] =	vst v63  }
0x98: {  	_ =	swait.ge [sflag:s23], $0x4000  }
0x99: {  	[sflag:s23] =	ssyncset.done $0x0  }
0x9a: {  	[sflag:s23] =	ssyncadd.s32 $0xFFFFC000  }
0x9b: {  	[hbm4b:s19+s4] =	stream.linear.scatter [tilespmem:s29], [sflag:$0x2], $0x4000, $0x38;
	[tilespmem:$0x1E900] =	vst v63  }
0x9c: {  	_ =	swait.ge [sflag:s26], $0x4000  }
0x9d: {  	[sflag:s26] =	ssyncset.done $0x0  }
0x9e: {  	[sflag:s26] =	ssyncadd.s32 $0xFFFFC000  }
0x9f: {  	[tilespmem:s24], [sflag:$0x5] =	stream.linear.gather [spmem:s13], $0x4000, $0x38;
	[tilespmem:$0x1E900] =	vst v63  }
0xa0: {  	_ =	swait.ge [sflag:s23], $0x4000  }
0xa1: {  	[sflag:s23] =	ssyncset.done $0x0  }
0xa2: {  	s2 =	sadd.s32 $0x1, s2;
	[sflag:s23] =	ssyncadd.s32 $0xFFFFC000  }
0xa3: {  	[hbm4b:s20+s4] =	stream.linear.scatter [tilespmem:s24], [sflag:$0x1], $0x4000, $0x38;
	[tilespmem:$0x1E900] =	vst v63  }
0xa4: {  	p0 =	sne.s32 s2, s21;
	_ =	swait.ge [sflag:s30], $0x4000  }
.Ltmp1:
0xa5: {  	[sflag:s30] =	ssyncset.done $0x0;
	(pc) =	sbr.rel @p0 .LBB2_1-.Ltmp1, $4  }
0xa6: {  	[sflag:s30] =	ssyncadd.s32 $0xFFFFC000  }
0xa7: {  	_ =	swait.ge [sflag:s26], $0x4000  }
0xa8: {  	[sflag:s26] =	ssyncset.done $0x0  }
0xa9: {  	[sflag:s26] =	ssyncadd.s32 $0xFFFFC000  }
0xaa: {  	_ =	sfence.sel $0x180000  }
0xab: {  	[bflag:$0x0] =	sbarrier.arrive $0xFFFF  }
0xac: {  	_ =	strace $0x9000004D  }
0xad: {  	s0 =	stileid.u32;
	[bflag:$0x2] =	sbarrier.arrive $0xFFFF  }
0xae: {  	p0 =	sne.s32 s0, $0x0;
	s0 =	rddreg [dreg:$0x3]  }
0xaf: {  	s0 =	sadd.s32 @!p0 $0x100000, s0  }
0xb0: {  	[sflag:s0] =	ssyncadd.tile.s32 @!p0 $0x1;
	_ =	shalt  }
.Lfunc_end2:
_tile_overlayer_lowered:
.L_overlay_start_2:
0xb1: {  	(tag) =	ssettag $0x2  }
0xb2: {  	s0 =	rddreg [dreg:$0x0];
	s2 =	stileid.u32  }
0xb3: {  	s1 =	rddreg [dreg:$0x1];
	p0 =	sne.s32 s2, $0x0  }
0xb4: {  	s3 =	rddreg [dreg:$0x2];
	[bflag:$0x3] =	sbarrier.arrive $0xFFFF;
	s2 =	simm.s32 @!p0 $0x1C05  }
0xb5: {  	[timem:s3], [sflag:s2] =	dma.local @!p0 [hbm:s0], s1  }
0xb6: {  	s0 =	simm.s32 @!p0 $0x5  }
0xb7: {  	_ =	swait.ge @!p0 [sflag:s0], s1  }
0xb8: {  	s1 =	ssub.s32 @!p0 $0x0, s1;
	[sflag:s0] =	ssyncset.done @!p0 $0x0  }
0xb9: {  	[sflag:s0] =	ssyncadd.s32 @!p0 s1  }
0xba: {  	[bflag:$0x3] =	sbarrier.arrive $0xFFFF  }
0xbb: {  	_ =	shalt  }

// kernel: kernel.9.cloned.1.call-start
scs
__scs_entry_jumppad:
0x0: {  	(pc) =	sbr.rel $0x88, $3  }
0x1: {  	(tag) =	ssettag $0x0;
	lr =	simm.s32 $0x1  }
0x2: {  	[smem:$0x3F99] =	sst lr;
	_ =	strace $0xD0000000  }
0x3: {  	_ = 	snop  }
0x4: {  	_ = 	snop  }
0x5: {  	_ = 	snop  }
0x6: {  	_ = 	snop  }
0x7: {  	_ = 	snop  }
__scs_overlays_trampoline_lowered:
0x8: {  	[smem:$0x3FA8] =	sst s0  }
0x9: {  	[smem:$0x3FA9] =	sst s1  }
0xa: {  	[smem:$0x3FAA] =	sst s2  }
0xb: {  	[smem:$0x3FAB] =	sst s3  }
0xc: {  	[smem:$0x3FAC] =	sst s4  }
0xd: {  	[smem:$0x3FAD] =	sst s5  }
0xe: {  	[smem:$0x3FAE] =	sst s6  }
0xf: {  	[smem:$0x3FAF] =	sst s7  }
0x10: {  	[smem:$0x3FB0] =	sst s8  }
0x11: {  	[smem:$0x3FB1] =	sst s9;
	s0 =	simm.s32 @!p0 $0x0  }
0x12: {  	s1 =	sld [smem:$0x3F97];
	s0 =	simm.s32 @p0 $0x1  }
0x13: {  	[smem:$0x3FB2] =	sst s0;
	s0 =	simm.s32 @!p1 $0x0  }
0x14: {  	s2 =	sld [smem:$0x3F96];
	s0 =	simm.s32 @p1 $0x1  }
0x15: {  	[smem:$0x3FB3] =	sst s0;
	s0 =	simm.s32 @!p2 $0x0  }
0x16: {  	s3 =	sld [smem:$0x3FDB];
	s0 =	simm.s32 @p2 $0x1  }
0x17: {  	s4 =	simm.s32 $0x1BF5;
	[smem:$0x3FB5] =	sst s0  }
0x18: {  	s0 =	sld [smem:$0x3F98];
	_ =	swait.ge [sflag:s4], $0x0  }
0x19: {  	s7 =	sld [smem:$0x3F99]  }
0x1a: {  	s8 =	sadd.s32 $0xFFFFE003, lr  }
0x1b: {  	s9 =	sadd.s32 $0xFFFFFEF7, lr;
	s5 =	simm.s32 $0xFFFFFFFF;
	p2 =	slt.u32 s8, $0xFFFFF086  }
0x1c: {  	p1 =	slt.u32 s9, $0xF7A;
	s5 =	simm.s32 @!p2 $0x0  }
0x1d: {  	s5 =	simm.s32 @p1 $0x1;
	p0 =	seq.s32 s7, s2  }
0x1e: {  	s7 =	smul.u32 @!p0 $0xF7A, s2;
	p2 =	seq.s32 @!p0 s5, $0x0  }
0x1f: {  	s9 =	smul.u32 $0xF7A, s1;
	s8 =	simm.s32 @!p0 $0x1BF5;
	p2 =	por !p2, p0  }
0x20: {  	[sflag:s8] =	ssyncset.s32 @!p0 $0xFFFFF086;
	s6 =	sadd.s32 @!p0 s3, s7;
	s7 =	simm.s32 @!p0 $0x108  }
0x21: {  	s3 =	sadd.s32 s3, s9;
	s6 =	sadd.s32 @!p0 $0x88, s6;
	s7 =	simm.s32 @p2 $0x1082  }
0x22: {  	[simem:s7], [sflag:s8] =	dma.local @!p0 [hbm:s6], $0xF7A  }
0x23: {  	s9 =	sor.u32 $0xD0000000, s2;
	s6 =	simm.s32 $0x108;
	_ =	swait.ge @!p0 [sflag:s8], $0x0  }
0x24: {  	s3 =	sadd.s32 $0x88, s3;
	s6 =	simm.s32 @!p1 $0x1082;
	[sflag:s4] =	ssyncset.s32 $0xFFFFF086  }
0x25: {  	[simem:s6], [sflag:s4] =	dma.local [hbm:s3], $0xF7A  }
0x26: {  	[smem:$0x3F99] =	sst s1;
	(tag) =	ssettag s2;
	_ =	strace s9  }
0x27: {  	s1 =	sld [smem:$0x3FA9]  }
0x28: {  	s2 =	sld [smem:$0x3FAA]  }
0x29: {  	s4 =	sld [smem:$0x3FAC]  }
0x2a: {  	p0 =	seq.s32 s5, $0x0;
	s5 =	sld [smem:$0x3FAD]  }
0x2b: {  	s6 =	sld [smem:$0x3FAE]  }
0x2c: {  	s7 =	sld [smem:$0x3FAF]  }
0x2d: {  	s3 =	simm.s32 $0x108;
	s8 =	sld [smem:$0x3FB0]  }
0x2e: {  	s3 =	simm.s32 @!p0 $0x1082;
	s9 =	sld [smem:$0x3FB1]  }
0x2f: {  	lr =	sadd.s32 s0, s3;
	s0 =	sld [smem:$0x3FA8]  }
0x30: {  	s3 =	sld [smem:$0x3FAB]  }
0x31: {  	[smem:$0x3FB4] =	sst s10  }
0x32: {  	s10 =	sld [smem:$0x3FB2];
	_ =	sdelay $0x3  }
0x33: {  	p0 =	seq.s32 s10, $0x1;
	s10 =	sld [smem:$0x3FB4];
	_ =	sdelay $0x3  }
0x34: {  	[smem:$0x3FB4] =	sst s10  }
0x35: {  	s10 =	sld [smem:$0x3FB3];
	_ =	sdelay $0x3  }
0x36: {  	p1 =	seq.s32 s10, $0x1;
	s10 =	sld [smem:$0x3FB4];
	_ =	sdelay $0x3  }
0x37: {  	[smem:$0x3FB4] =	sst s10  }
0x38: {  	s10 =	sld [smem:$0x3FB5]  }
0x39: {  	_ = 	snop;
	(pc) =	sbr.ind lr, $3  }
0x3a: {  	_ = 	snop  }
0x3b: {  	_ = 	snop  }
0x3c: {  	p2 =	seq.s32 s10, $0x1;
	s10 =	sld [smem:$0x3FB4]  }
0x3d: {  	_ =	shalt  }
0x3e: {  	_ =	shalt  }
0x3f: {  	_ =	shalt  }
0x40: {  	_ =	shalt  }
0x41: {  	_ =	shalt  }
0x42: {  	_ =	shalt  }
0x43: {  	_ =	shalt  }
0x44: {  	_ =	shalt  }
0x45: {  	_ =	shalt  }
0x46: {  	_ =	shalt  }
0x47: {  	_ =	shalt  }
0x48: {  	_ =	shalt  }
0x49: {  	_ =	shalt  }
0x4a: {  	_ =	shalt  }
0x4b: {  	_ =	shalt  }
0x4c: {  	_ =	shalt  }
0x4d: {  	_ =	shalt  }
0x4e: {  	_ =	shalt  }
0x4f: {  	_ =	shalt  }
0x50: {  	_ =	shalt  }
0x51: {  	_ =	shalt  }
0x52: {  	_ =	shalt  }
0x53: {  	_ =	shalt  }
0x54: {  	_ =	shalt  }
0x55: {  	_ =	shalt  }
0x56: {  	_ =	shalt  }
0x57: {  	_ =	shalt  }
0x58: {  	_ =	shalt  }
0x59: {  	_ =	shalt  }
0x5a: {  	_ =	shalt  }
0x5b: {  	_ =	shalt  }
0x5c: {  	_ =	shalt  }
0x5d: {  	_ =	shalt  }
0x5e: {  	_ =	shalt  }
0x5f: {  	_ =	shalt  }
0x60: {  	_ =	shalt  }
0x61: {  	_ =	shalt  }
0x62: {  	_ =	shalt  }
0x63: {  	_ =	shalt  }
0x64: {  	_ =	shalt  }
0x65: {  	_ =	shalt  }
0x66: {  	_ =	shalt  }
0x67: {  	_ =	shalt  }
0x68: {  	_ =	shalt  }
0x69: {  	_ =	shalt  }
0x6a: {  	_ =	shalt  }
0x6b: {  	_ =	shalt  }
0x6c: {  	_ =	shalt  }
0x6d: {  	_ =	shalt  }
0x6e: {  	_ =	shalt  }
0x6f: {  	_ =	shalt  }
0x70: {  	_ =	shalt  }
0x71: {  	_ =	shalt  }
0x72: {  	_ =	shalt  }
0x73: {  	_ =	shalt  }
0x74: {  	_ =	shalt  }
0x75: {  	_ =	shalt  }
0x76: {  	_ =	shalt  }
0x77: {  	_ =	shalt  }
0x78: {  	_ =	shalt  }
0x79: {  	_ =	shalt  }
0x7a: {  	_ =	shalt  }
0x7b: {  	_ =	shalt  }
0x7c: {  	_ =	shalt  }
0x7d: {  	_ =	shalt  }
0x7e: {  	_ =	shalt  }
0x7f: {  	_ =	shalt  }
0x80: {  	_ =	shalt  }
0x81: {  	_ =	shalt  }
0x82: {  	_ =	shalt  }
0x83: {  	_ =	shalt  }
0x84: {  	_ =	shalt  }
0x85: {  	_ =	shalt  }
0x86: {  	_ =	shalt  }
0x87: {  	_ =	shalt  }
.Lfunc_end0:
.L_simem_size_0:
called_computation_lowered:
.L_overlay_start_0:
0x88: {  	s2 =	sld [smem:$0x3FD9]  }
0x89: {  	s3 =	sld [smem:$0x3FFE];
	_ =	sdelay $0x1  }
0x8a: {  	s1 =	srdreg.scid  }
0x8b: {  	s0 =	sand.u32 $0x1, s1  }
0x8c: {  	s14 =	sshll.u32 s0, $0xA;
	s2 =	sadd.s32 s3, s2  }
0x8d: {  	s2 =	sadd.s32 s2, s14  }
0x8e: {  	[smem:$0x3FC0] =	sst s2  }
0x8f: {  	_ = 	snop  }
0x90: {  	s2 =	sld [smem:$0x3FD0];
	_ =	sdelay $0x2  }
0x91: {  	s15 =	simm.s32 $0xA;
	s4 =	simm.s32 $0x10  }
0x92: {  	[smem:s4], [sflag:s15] =	dma.local [hbm:s2], $0x1  }
0x93: {  	_ =	swait.eq [sflag:s15], $0x1  }
0x94: {  	[sflag:s15] =	ssyncset.done $0x0  }
0x95: {  	[sflag:s15] =	ssyncadd.s32 $0xFFFFFFFF  }
0x96: {  	s16 =	sld [smem:$0x11];
	(tm) =	ssettm $0x1  }
0x97: {  	s17 =	sld [smem:$0x3FFB];
	_ =	sdelay $0x3  }
0x98: {  	_ =	strace s17  }
0x99: {  	s3 =	sld [smem:$0x3FFC];
	_ =	sdelay $0x3  }
0x9a: {  	_ =	strace s3  }
0x9b: {  	s3 =	sld [smem:$0x3FFD];
	_ =	sdelay $0x3  }
0x9c: {  	_ =	strace s3  }
0x9d: {  	_ =	strace $0x8FFFFFFF  }
0x9e: {  	s18 =	sld [smem:$0x3FDB];
	_ =	sdelay $0x1  }
0x9f: {  	s19 =	simm.s32 $_scs_section_size  }
0xa0: {  	s5 =	simm.s32 $_size__tile_overlayer_lowered;
	s6 =	simm.s32 $_tile_overlayer_lowered  }
0xa1: {  	s22 =	simm.s32 $0x1BFF;
	s21 =	sshll.u32 s6, $0x1;
	s3 =	sadd.s32 s19, s18  }
0xa2: {  	s7 =	simm.s32 $0x0;
	s20 =	sshll.u32 s5, $0x1;
	s5 =	sadd.s32 s21, s3  }
0xa3: {  	[timem:s7], [sflag:s22] =	dma.local [hbm:s5], s20  }
0xa4: {  	_ =	swait.ge [sflag:s22], s20  }
0xa5: {  	s4 =	ssub.s32 $0x0, s20;
	[sflag:s22] =	ssyncset.done $0x0  }
0xa6: {  	[sflag:s22] =	ssyncadd.s32 s4;
	_ =	sdelay $0x1  }
0xa7: {  	s23 =	simm.s32 $0x1B8B  }
0xa8: {  	_ =	swait.ge [sflag:s23], $0x1  }
0xa9: {  	[sflag:s23] =	ssyncset.done $0x0  }
0xaa: {  	s25 =	simm.s32 $0x1B8E;
	s24 =	sld [smem:$0x3FFE];
	[sflag:s23] =	ssyncadd.s32 $0xFFFFFFFF  }
0xab: {  	s26 =	simm.s32 $execute0_lowered;
	[smem:$0x3FD2] =	sst s25  }
0xac: {  	s5 =	sshll.u32 s26, $0x1;
	_ =	strace $0x80000046;
	[dreg:$0x1] =	wrdreg $0xFFFFFFFF  }
0xad: {  	s28 =	simm.s32 $_size_execute0_lowered;
	s3 =	sadd.s32 s3, s5;
	[dreg:$0x0] =	wrdreg $0x0  }
0xae: {  	s5 =	sshll.u32 s28, $0x1;
	[dreg:$0x2] =	wrdreg s3  }
0xaf: {  	[dreg:$0x3] =	wrdreg s5  }
0xb0: {  	[dreg:$0x4] =	wrdreg $0xC0  }
0xb1: {  	_ =	task [dreg:s7], $0x5FFFF  }
0xb2: {  	[dreg:$0x1] =	wrdreg $0xFFFFFFFF  }
0xb3: {  	[dreg:$0x0] =	wrdreg $0x60  }
0xb4: {  	[dreg:$0x2] =	wrdreg s24  }
0xb5: {  	[dreg:$0x3] =	wrdreg s16  }
0xb6: {  	[dreg:$0x4] =	wrdreg $0x2B000  }
0xb7: {  	[dreg:$0x5] =	wrdreg $0x9  }
0xb8: {  	_ =	task.clear_ibuf [dreg:s7], $0x6FFFF;
	_ =	strace $0x90000046  }
0xb9: {  	s29 =	simm.s32 $0x9;
	_ =	strace $0x80000048  }
0xba: {  	_ =	swait.ge [sflag:s29], $0x1  }
0xbb: {  	[sflag:s29] =	ssyncadd.s32 $0xFFFFFFFF  }
0xbc: {  	_ =	strace $0x90000048  }
0xbd: {  	_ =	sfence  }
0xbe: {  	s30 =	sld [smem:$0x0];
	_ =	sdelay $0x2  }
0xbf: {  	s31 =	sshll.u32 s1, $0xD;
	s1 =	sshrl.u32 s1, $0x2  }
0xc0: {  	s3 =	sand.u32 $0x4000, s31;
	s1 =	sadd.s32 s1, s30  }
0xc1: {  	s0 =	sor.u32 s3, s0;
	s1 =	sshll.u32 s1, $0x11  }
0xc2: {  	s0 =	sor.u32 s1, s0  }
0xc3: {  	s0 =	sadd.s32 $0x8F2B, s0  }
0xc4: {  	[sflag:s0] =	ssyncadd.remote.s32 $0x1  }
0xc5: {  	_ =	sfence.sel $0xFFFF  }
0xc6: {  	[dreg:$0x0] =	wrdreg $0xFFFFFFFF;
	(pc) =	sbr.abs _section_cstart, $3  }
0xc7: {  	[dreg:$0x1] =	wrdreg $0xFFFFFFFF  }
0xc8: {  	_ =	task.clear_ibuf [dreg:s7], $0x2FFFF;
	_ =	strace $0x9FFFFFFF  }
0xc9: {  	(tm) =	ssettm $0x7FFFFFFF  }
tec
execute0_lowered:
.L_overlay_start_1:
0x0: {  	(tag) =	ssettag $0x1  }
0x1: {  	s5 =	rddreg [dreg:$0x0]  }
0x2: {  	s8 =	rddreg [dreg:$0x1]  }
0x3: {  	s0 =	srdreg.scid;
	s2 =	rddreg [dreg:$0x2];
	s3 =	simm.s32 $0x0  }
0x4: {  	s12 =	simm.s32 $0x2880;
	s4 =	sand.u32 $0x1, s0;
	s0 =	stileid.u32  }
0x5: {  	s13 =	simm.s32 $0x80;
	s14 =	simm.s32 $0x0;
	s7 =	smul.u32 $0x280, s0  }
0x6: {  	[smem:$0x7FF] =	sst s3;
	s1 =	sshll.u32 s4, $0x4;
	s9 =	smul.u32 $0x2800, s4  }
0x7: {  	s10 =	ssub.s32 $0x2, s4;
	s4 =	sadd.s32 $0xD000, s5;
	s1 =	sor.u32 s0, s1  }
0x8: {  	s11 =	sshrl.u32 s10, $0x1;
	s6 =	smul.u32 $0x500, s1;
	s1 =	rddreg [dreg:$0x3]  }
0x9: {  	_ =	strace $0x80000047;
	s9 =	sadd.s32 s7, s9;
	s10 =	ssub.s32 s10, s11  }
0xa: {  	s7 =	sadd.s32 s7, s2;
	s11 =	simm.s32 $0x2800;
	s9 =	sshrl.u32 s9, $0x3  }
0xb: {  	s6 =	sadd.s32 s6, s5;
	s5 =	sadd.s32 $0xCE00, s5;
	s8 =	sadd.s32 s8, s9  }
0xc: {  	s9 =	smax.u32 s10, $0x1;
	s10 =	simm.s32 $0x1;
	s6 =	sadd.s32 $0x2E00, s6  }
.LBB2_1:
0xd: {  	[tilespmem:s3], [sflag:$0x1] =	stream.linear.gather [hbm4b:s6+s3], $0x2780, $0x38;
	[tilespmem:$0x2D80] =	vst v63  }
0xe: {  	_ =	swait.ge [sflag:s10], $0x2780  }
0xf: {  	[sflag:s10] =	ssyncset.done $0x0  }
0x10: {  	[sflag:s10] =	ssyncadd.s32 $0xFFFFD880  }
0x11: {  	[tilespmem:s11], [sflag:$0x1] =	stream.linear.gather [hbm4b:s5+s3], $0x80, $0x38;
	[tilespmem:$0x2D80] =	vst v63  }
0x12: {  	_ =	swait.ge [sflag:s10], $0x80  }
0x13: {  	[sflag:s10] =	ssyncset.done $0x0  }
0x14: {  	[sflag:s10] =	ssyncadd.s32 $0xFFFFFF80  }
0x15: {  	[tilespmem:s12], [sflag:$0x1] =	stream.linear.gather [hbm4b:s4+s3], $0x280, $0x38;
	[tilespmem:$0x2D80] =	vst v63  }
0x16: {  	_ =	swait.ge [sflag:s10], $0x280  }
0x17: {  	[sflag:s10] =	ssyncset.done $0x0  }
0x18: {  	[sflag:s10] =	ssyncadd.s32 $0xFFFFFD80  }
0x19: {  	[spmem:s7] =	stream.linear.scatter [tilespmem:s12], [sflag:$0x1], $0x280, $0x38;
	[tilespmem:$0x2D80] =	vst v63  }
0x1a: {  	_ =	swait.ge [sflag:s10], $0x280  }
0x1b: {  	[sflag:s10] =	ssyncset.done $0x0  }
0x1c: {  	[sflag:s10] =	ssyncadd.s32 $0xFFFFFD80  }
0x1d: {  	s15 =	simm.s32 $0x0;
	[bflag:$0x0] =	sbarrier.arrive $0xFFFF  }
0x1e: {  	[spmem:s2] =	stream.indirect.scatter.add.f32 [tilespmem:s11], [sflag:$0x1], $0x1, s15, s13, $0xb8;
	[tilespmem:$0x2D80] =	vst v63  }
0x1f: {  	_ =	swait.ge [sflag:s10], $0x80  }
0x20: {  	s15 =	simm.s32 $0x200;
	[sflag:s10] =	ssyncset.done $0x0  }
.LBB2_2:
0x21: {  	s16 =	sshra.s32 s15, $0x2;
	[sflag:s10] =	ssyncadd.s32 $0xFFFFFF80;
	p0 =	sne.s32 s15, $0x9C00  }
0x22: {  	[spmem:s2] =	stream.indirect.scatter.add.f32 [tilespmem:s11], [sflag:$0x1], $0x1, s16, s13, $0xb8;
	[tilespmem:$0x2D80] =	vst v63  }
.Ltmp0:
0x23: {  	_ = 	snop;
	(pc) =	sbr.rel @p0 .LBB2_2-.Ltmp0, $4  }
0x24: {  	_ = 	snop  }
0x25: {  	s15 =	sadd.s32 $0x200, s15  }
0x26: {  	_ =	swait.ge [sflag:s10], $0x80  }
0x27: {  	[sflag:s10] =	ssyncset.done $0x0  }
0x28: {  	[sflag:s10] =	ssyncadd.s32 $0xFFFFFF80  }
0x29: {  	[bflag:$0x0] =	sbarrier.arrive $0xFFFF  }
0x2a: {  	[tilespmem:s12], [sflag:$0x1] =	stream.linear.gather [spmem:s7], $0x280, $0x38;
	[tilespmem:$0x2D80] =	vst v63  }
0x2b: {  	s14 =	sadd.s32 $0x1, s14;
	_ =	swait.ge [sflag:s10], $0x280  }
0x2c: {  	p0 =	sne.s32 s14, s9;
	[sflag:s10] =	ssyncset.done $0x0  }
.Ltmp1:
0x2d: {  	[sflag:s10] =	ssyncadd.s32 $0xFFFFFD80;
	(pc) =	sbr.rel @p0 .LBB2_1-.Ltmp1, $4  }
0x2e: {  	[hbm4b:s8+s3] =	stream.linear.scatter [tilespmem:s12], [sflag:$0x1], $0x280, $0x38;
	[tilespmem:$0x2D80] =	vst v63  }
0x2f: {  	_ =	swait.ge [sflag:s10], $0x280  }
0x30: {  	[sflag:s10] =	ssyncset.done $0x0  }
0x31: {  	[sflag:s10] =	ssyncadd.s32 $0xFFFFFD80  }
0x32: {  	_ =	sfence.sel $0x180000  }
0x33: {  	[bflag:$0x0] =	sbarrier.arrive $0xFFFF  }
0x34: {  	p0 =	sne.s32 s0, $0x0;
	_ =	strace $0x90000047  }
0x35: {  	s0 =	sadd.s32 @!p0 $0x100000, s1;
	[bflag:$0x2] =	sbarrier.arrive $0xFFFF  }
0x36: {  	[sflag:s0] =	ssyncadd.tile.s32 @!p0 $0x1;
	_ =	shalt  }
.Lfunc_end2:
_tile_overlayer_lowered:
.L_overlay_start_2:
0x37: {  	(tag) =	ssettag $0x2  }
0x38: {  	s0 =	rddreg [dreg:$0x0];
	s2 =	stileid.u32  }
0x39: {  	s1 =	rddreg [dreg:$0x1];
	p0 =	sne.s32 s2, $0x0  }
0x3a: {  	s3 =	rddreg [dreg:$0x2];
	[bflag:$0x3] =	sbarrier.arrive $0xFFFF;
	s2 =	simm.s32 @!p0 $0x1C01  }
0x3b: {  	[timem:s3], [sflag:s2] =	dma.local @!p0 [hbm:s0], s1  }
0x3c: {  	s0 =	simm.s32 @!p0 $0x1  }
0x3d: {  	_ =	swait.ge @!p0 [sflag:s0], s1  }
0x3e: {  	s1 =	ssub.s32 @!p0 $0x0, s1;
	[sflag:s0] =	ssyncset.done @!p0 $0x0  }
0x3f: {  	[sflag:s0] =	ssyncadd.s32 @!p0 s1  }
0x40: {  	[bflag:$0x3] =	sbarrier.arrive $0xFFFF  }
0x41: {  	_ =	shalt  }

</sc_bundles>
